<compile_context>
chip_gen: v7x
topology: tpu7x:2x2x1
jax: 0.10.2.dev20260603
libtpu: 0.0.44.dev20260713+nightly
codegen_flags: <defaults>
</compile_context>

<pallas_src>
import functools

import jax
import jax.numpy as jnp
from jax import lax
from jax.experimental import pallas as pl
from jax.experimental.pallas import tpu as pltpu
from jax.experimental.pallas import tpu_sc as plsc

_TOPK = 8
_L = 16
_NW = 32


def _tc_logits_body(x_ref, w_ref, lt_ref):
    lt_ref[...] = jax.lax.dot_general(
        w_ref[...], x_ref[...], (((1,), (1,)), ((), ())),
        preferred_element_type=jnp.float32,
    )


def _tc_logits(x, W, blk, row0, nrows):
    d = x.shape[1]
    n_experts = W.shape[0]
    blk0 = row0 // blk
    return pl.pallas_call(
        _tc_logits_body,
        grid=(nrows // blk,),
        in_specs=[
            pl.BlockSpec((blk, d), lambda i: (blk0 + i, 0)),
            pl.BlockSpec((n_experts, d), lambda i: (0, 0)),
        ],
        out_specs=pl.BlockSpec((n_experts, blk), lambda i: (0, i)),
        out_shape=jax.ShapeDtypeStruct((n_experts, nrows), jnp.float32),
    )(x, W)


def _sc_topk_body(rpw, n_experts, lt_hbm, out_hbm, tile_v, out_v):
    cid = lax.axis_index("c")
    sid = lax.axis_index("s")
    wid = sid * 2 + cid
    base = wid * rpw
    pltpu.sync_copy(lt_hbm.at[:, pl.ds(base, rpw)], tile_v)

    lanes = lax.broadcasted_iota(jnp.int32, (_L,), 0)
    neg_inf = jnp.full((_L,), -jnp.inf, jnp.float32)
    zeros_i = jnp.zeros((_L,), jnp.int32)

    n_eb = n_experts // _TOPK

    def group(g, carry):
        col = g * _L

        def eblock(b, st):
            tv = list(st[0])
            ti = list(st[1])
            e0 = b * _TOPK
            for k in range(_TOPK):
                v = tile_v[e0 + k, pl.ds(col, _L)]
                vi = jnp.full((_L,), 0, jnp.int32) + (e0 + k)
                for j in range(_TOPK):
                    c = v > tv[j]
                    ntv = jnp.where(c, v, tv[j])
                    nti = jnp.where(c, vi, ti[j])
                    if j + 1 < _TOPK:
                        v = jnp.where(c, tv[j], v)
                        vi = jnp.where(c, ti[j], vi)
                    tv[j] = ntv
                    ti[j] = nti
            return (tuple(tv), tuple(ti))

        init = ((neg_inf,) * _TOPK, (zeros_i,) * _TOPK)
        _, ti = lax.fori_loop(0, n_eb, eblock, init)
        flat0 = (col + lanes) * _TOPK
        for j in range(_TOPK):
            plsc.store_scatter(out_v, [flat0 + j], ti[j])
        return carry

    lax.fori_loop(0, rpw // _L, group, 0)
    pltpu.sync_copy(out_v, out_hbm.at[pl.ds(base * _TOPK, rpw * _TOPK)])


def _sc_topk(lt):
    n_experts, rows = lt.shape
    rpw = rows // _NW
    mesh = plsc.VectorSubcoreMesh(core_axis_name="c", subcore_axis_name="s")
    f = pl.kernel(
        functools.partial(_sc_topk_body, rpw, n_experts),
        out_type=jax.ShapeDtypeStruct((rows * _TOPK,), jnp.int32),
        mesh=mesh,
        compiler_params=pltpu.CompilerParams(needs_layout_passes=False),
        scratch_types=[
            pltpu.VMEM((n_experts, rpw), jnp.float32),
            pltpu.VMEM((rpw * _TOPK,), jnp.int32),
        ],
    )
    return f(lt)


def kernel(x, W):
    rows = x.shape[0]
    n_chunks = 4
    crows = rows // n_chunks
    lts = []
    outs = []
    for c in range(n_chunks):
        lts.append(_tc_logits(x, W, 1024, c * crows, crows))
        if c > 0:
            outs.append(_sc_topk(lts[c - 1]))
    outs.append(_sc_topk(lts[-1]))
    return jnp.concatenate(outs, axis=0).reshape(rows, _TOPK)

# --- scband reference (transcript-rebuilt; emitter-appended) ---
"""Pipeline reference for scband-linear-gate-1108101562616 (READ-ONLY COPY).

The authoritative reference and input builder live on the scoring server;
editing this copy changes nothing except your own understanding.
"""

import jax, jax.numpy as jnp
import numpy as np

TOP_K = 8

def setup_inputs(seed: int = 0) -> dict:
    key = jax.random.key(seed)
    k1, k2 = jax.random.split(key)
    x = jax.random.normal(k1, (16384, 2048), dtype=jnp.float32)
    # nn.Linear(input_dim, n_experts, bias=False) weight: [n_experts, input_dim]
    bound = 1.0 / np.sqrt(2048)
    W = jax.random.uniform(k2, (64, 2048), dtype=jnp.float32, minval=-bound, maxval=bound)
    return {"x": x, "W": W}

def reference(x, W):
    logits = x @ W.T
    probs = jax.nn.softmax(logits.astype(jnp.float32), axis=-1)
    _, top_k_idx = jax.lax.top_k(probs, TOP_K)
    return top_k_idx

if __name__ == "__main__":
    import jax
    _d = setup_inputs()
    print(jax.jit(kernel)(*tuple(_d.values())))

</pallas_src>

<mosaic_0001>
#map = affine_map<(d0, d1) -> (0, 0)>
#map1 = affine_map<(d0, d1) -> (0)>
module attributes {stable_mosaic.version = 14 : i64} {
  func.func @_sc_topk_body(%arg0: i32, %arg1: i32, %arg2: memref<64x4096xf32, #tpu.memory_space<hbm>>, %arg3: memref<32768xi32, #tpu.memory_space<hbm>>, %arg4: memref<64x128xf32, #tpu.memory_space<vmem>>, %arg5: memref<1024xi32, #tpu.memory_space<vmem>>) attributes {dimension_semantics = [#tpu.dimension_semantics<core_parallel>, #tpu.dimension_semantics<subcore_parallel>], iteration_bounds = array<i64: 2, 16>, scalar_prefetch = 0 : i64, scratch_operands = 2 : i64, tpu.core_type = #tpu.core_type<sc_vector_subcore>, window_params = [{transform_indices = #map}, {transform_indices = #map1}]} {
    %mul3A = arith.constant 2 : i32
    %mul3A_0 = arith.muli %arg1, %mul3A : i32
    %add3A = arith.addi %mul3A_0, %arg0 : i32
    %mul3A_1 = arith.constant 128 : i32
    %mul3A_2 = arith.muli %add3A, %mul3A_1 : i32
    "tpu.region"() ({
      %run_scoped3A = tpu.sem_alloc : memref<!tpu.dma_semaphore, #tpu.memory_space<semaphore_mem>>
      %dma_start3A = arith.constant 0 : i32
      %dma_start3A_13 = tpu.memref_slice %arg2[%dma_start3A, %mul3A_2] : memref<64x4096xf32, #tpu.memory_space<hbm>> -> memref<64x128xf32, #tpu.memory_space<hbm>>
      %dma_start3A_14 = arith.constant 0 : i32
      %dma_start3A_15 = tpu.memref_slice %arg2[%dma_start3A_14, %mul3A_2] : memref<64x4096xf32, #tpu.memory_space<hbm>> -> memref<64x128xf32, #tpu.memory_space<hbm>>
      tpu.enqueue_dma source(%dma_start3A_15 : memref<64x128xf32, #tpu.memory_space<hbm>>) target(%arg4 : memref<64x128xf32, #tpu.memory_space<vmem>>) target_semaphore(%run_scoped3A : memref<!tpu.dma_semaphore, #tpu.memory_space<semaphore_mem>>)
      %dma_wait3A = arith.constant 0 : i32
      %dma_wait3A_16 = tpu.memref_slice %arg2[%dma_wait3A, %mul3A_2] : memref<64x4096xf32, #tpu.memory_space<hbm>> -> memref<64x128xf32, #tpu.memory_space<hbm>>
      %dma_wait3A_17 = arith.constant 0 : i32
      %dma_wait3A_18 = tpu.memref_slice %arg2[%dma_wait3A_17, %mul3A_2] : memref<64x4096xf32, #tpu.memory_space<hbm>> -> memref<64x128xf32, #tpu.memory_space<hbm>>
      tpu.wait_dma2 semaphore(%run_scoped3A : memref<!tpu.dma_semaphore, #tpu.memory_space<semaphore_mem>>) src(%dma_wait3A_18 : memref<64x128xf32, #tpu.memory_space<hbm>>) dst(%arg4 : memref<64x128xf32, #tpu.memory_space<vmem>>)
      tpu.yield
    }) : () -> ()
    %iota3A = tpu.iota {dimensions = array<i32: 0>} : vector<16xi32>
    %broadcast_in_dim3A = arith.constant 0xFF800000 : f32
    %broadcast_in_dim3A_3 = vector.broadcast %broadcast_in_dim3A : f32 to vector<16xf32>
    %broadcast_in_dim3A_4 = arith.constant 0 : i32
    %broadcast_in_dim3A_5 = vector.broadcast %broadcast_in_dim3A_4 : i32 to vector<16xi32>
    %scan3A = arith.constant 0 : i32
    %scan3A_6 = arith.constant 0 : i32
    %scan3A_7 = arith.constant 8 : i32
    %scan3A_8 = arith.addi %scan3A_6, %scan3A_7 : i32
    %scan3A_9 = arith.constant 1 : i32
    scf.for %scan3A_13 = %scan3A_6 to %scan3A_8 step %scan3A_9  : i32 {
      %mul3A_14 = arith.constant 16 : i32
      %mul3A_15 = arith.muli %scan3A_13, %mul3A_14 : i32
      %scan3A_16 = arith.constant 0 : i32
      %scan3A_17 = arith.constant 8 : i32
      %scan3A_18 = arith.addi %scan3A_16, %scan3A_17 : i32
      %scan3A_19 = arith.constant 1 : i32
      %scan3A_20:16 = scf.for %scan3A_51 = %scan3A_16 to %scan3A_18 step %scan3A_19 iter_args(%scan3A_52 = %broadcast_in_dim3A_3, %scan3A_53 = %broadcast_in_dim3A_3, %scan3A_54 = %broadcast_in_dim3A_3, %scan3A_55 = %broadcast_in_dim3A_3, %scan3A_56 = %broadcast_in_dim3A_3, %scan3A_57 = %broadcast_in_dim3A_3, %scan3A_58 = %broadcast_in_dim3A_3, %scan3A_59 = %broadcast_in_dim3A_3, %scan3A_60 = %broadcast_in_dim3A_5, %scan3A_61 = %broadcast_in_dim3A_5, %scan3A_62 = %broadcast_in_dim3A_5, %scan3A_63 = %broadcast_in_dim3A_5, %scan3A_64 = %broadcast_in_dim3A_5, %scan3A_65 = %broadcast_in_dim3A_5, %scan3A_66 = %broadcast_in_dim3A_5, %scan3A_67 = %broadcast_in_dim3A_5) -> (vector<16xf32>, vector<16xf32>, vector<16xf32>, vector<16xf32>, vector<16xf32>, vector<16xf32>, vector<16xf32>, vector<16xf32>, vector<16xi32>, vector<16xi32>, vector<16xi32>, vector<16xi32>, vector<16xi32>, vector<16xi32>, vector<16xi32>, vector<16xi32>)  : i32 {
        %mul3A_68 = arith.constant 8 : i32
        %mul3A_69 = arith.muli %scan3A_51, %mul3A_68 : i32
        %add3A_70 = arith.constant 0 : i32
        %add3A_71 = arith.addi %mul3A_69, %add3A_70 : i32
        %get3A = arith.index_cast %add3A_71 : i32 to index
        %get3A_72 = arith.index_cast %mul3A_15 : i32 to index
        %get3A_73 = tpu.vector_load %arg4[%get3A, %get3A_72] {strides = array<i32>} : memref<64x128xf32, #tpu.memory_space<vmem>>, vector<16xf32>,
        %broadcast_in_dim3A_74 = arith.constant 0 : i32
        %broadcast_in_dim3A_75 = vector.broadcast %broadcast_in_dim3A_74 : i32 to vector<16xi32>
        %add3A_76 = arith.constant 0 : i32
        %add3A_77 = arith.addi %mul3A_69, %add3A_76 : i32
        %add3A_78 = vector.broadcast %add3A_77 : i32 to vector<16xi32>
        %add3A_79 = arith.addi %broadcast_in_dim3A_75, %add3A_78 : vector<16xi32>
        %gt3A = arith.cmpf ogt, %get3A_73, %scan3A_52 : vector<16xf32>
        %select_n3A = arith.select %gt3A, %get3A_73, %scan3A_52 : vector<16xi1>, vector<16xf32>
        %select_n3A_80 = arith.select %gt3A, %add3A_79, %scan3A_60 : vector<16xi1>, vector<16xi32>
        %select_n3A_81 = arith.select %gt3A, %scan3A_52, %get3A_73 : vector<16xi1>, vector<16xf32>
        %select_n3A_82 = arith.select %gt3A, %scan3A_60, %add3A_79 : vector<16xi1>, vector<16xi32>
        %gt3A_83 = arith.cmpf ogt, %select_n3A_81, %scan3A_53 : vector<16xf32>
        %select_n3A_84 = arith.select %gt3A_83, %select_n3A_81, %scan3A_53 : vector<16xi1>, vector<16xf32>
        %select_n3A_85 = arith.select %gt3A_83, %select_n3A_82, %scan3A_61 : vector<16xi1>, vector<16xi32>
        %select_n3A_86 = arith.select %gt3A_83, %scan3A_53, %select_n3A_81 : vector<16xi1>, vector<16xf32>
        %select_n3A_87 = arith.select %gt3A_83, %scan3A_61, %select_n3A_82 : vector<16xi1>, vector<16xi32>
        %gt3A_88 = arith.cmpf ogt, %select_n3A_86, %scan3A_54 : vector<16xf32>
        %select_n3A_89 = arith.select %gt3A_88, %select_n3A_86, %scan3A_54 : vector<16xi1>, vector<16xf32>
        %select_n3A_90 = arith.select %gt3A_88, %select_n3A_87, %scan3A_62 : vector<16xi1>, vector<16xi32>
        %select_n3A_91 = arith.select %gt3A_88, %scan3A_54, %select_n3A_86 : vector<16xi1>, vector<16xf32>
        %select_n3A_92 = arith.select %gt3A_88, %scan3A_62, %select_n3A_87 : vector<16xi1>, vector<16xi32>
        %gt3A_93 = arith.cmpf ogt, %select_n3A_91, %scan3A_55 : vector<16xf32>
        %select_n3A_94 = arith.select %gt3A_93, %select_n3A_91, %scan3A_55 : vector<16xi1>, vector<16xf32>
        %select_n3A_95 = arith.select %gt3A_93, %select_n3A_92, %scan3A_63 : vector<16xi1>, vector<16xi32>
        %select_n3A_96 = arith.select %gt3A_93, %scan3A_55, %select_n3A_91 : vector<16xi1>, vector<16xf32>
        %select_n3A_97 = arith.select %gt3A_93, %scan3A_63, %select_n3A_92 : vector<16xi1>, vector<16xi32>
        %gt3A_98 = arith.cmpf ogt, %select_n3A_96, %scan3A_56 : vector<16xf32>
        %select_n3A_99 = arith.select %gt3A_98, %select_n3A_96, %scan3A_56 : vector<16xi1>, vector<16xf32>
        %select_n3A_100 = arith.select %gt3A_98, %select_n3A_97, %scan3A_64 : vector<16xi1>, vector<16xi32>
        %select_n3A_101 = arith.select %gt3A_98, %scan3A_56, %select_n3A_96 : vector<16xi1>, vector<16xf32>
        %select_n3A_102 = arith.select %gt3A_98, %scan3A_64, %select_n3A_97 : vector<16xi1>, vector<16xi32>
        %gt3A_103 = arith.cmpf ogt, %select_n3A_101, %scan3A_57 : vector<16xf32>
        %select_n3A_104 = arith.select %gt3A_103, %select_n3A_101, %scan3A_57 : vector<16xi1>, vector<16xf32>
        %select_n3A_105 = arith.select %gt3A_103, %select_n3A_102, %scan3A_65 : vector<16xi1>, vector<16xi32>
        %select_n3A_106 = arith.select %gt3A_103, %scan3A_57, %select_n3A_101 : vector<16xi1>, vector<16xf32>
        %select_n3A_107 = arith.select %gt3A_103, %scan3A_65, %select_n3A_102 : vector<16xi1>, vector<16xi32>
        %gt3A_108 = arith.cmpf ogt, %select_n3A_106, %scan3A_58 : vector<16xf32>
        %select_n3A_109 = arith.select %gt3A_108, %select_n3A_106, %scan3A_58 : vector<16xi1>, vector<16xf32>
        %select_n3A_110 = arith.select %gt3A_108, %select_n3A_107, %scan3A_66 : vector<16xi1>, vector<16xi32>
        %select_n3A_111 = arith.select %gt3A_108, %scan3A_58, %select_n3A_106 : vector<16xi1>, vector<16xf32>
        %select_n3A_112 = arith.select %gt3A_108, %scan3A_66, %select_n3A_107 : vector<16xi1>, vector<16xi32>
        %gt3A_113 = arith.cmpf ogt, %select_n3A_111, %scan3A_59 : vector<16xf32>
        %select_n3A_114 = arith.select %gt3A_113, %select_n3A_111, %scan3A_59 : vector<16xi1>, vector<16xf32>
        %select_n3A_115 = arith.select %gt3A_113, %select_n3A_112, %scan3A_67 : vector<16xi1>, vector<16xi32>
        %add3A_116 = arith.constant 1 : i32
        %add3A_117 = arith.addi %mul3A_69, %add3A_116 : i32
        %get3A_118 = arith.index_cast %add3A_117 : i32 to index
        %get3A_119 = arith.index_cast %mul3A_15 : i32 to index
        %get3A_120 = tpu.vector_load %arg4[%get3A_118, %get3A_119] {strides = array<i32>} : memref<64x128xf32, #tpu.memory_space<vmem>>, vector<16xf32>,
        %broadcast_in_dim3A_121 = arith.constant 0 : i32
        %broadcast_in_dim3A_122 = vector.broadcast %broadcast_in_dim3A_121 : i32 to vector<16xi32>
        %add3A_123 = arith.constant 1 : i32
        %add3A_124 = arith.addi %mul3A_69, %add3A_123 : i32
        %add3A_125 = vector.broadcast %add3A_124 : i32 to vector<16xi32>
        %add3A_126 = arith.addi %broadcast_in_dim3A_122, %add3A_125 : vector<16xi32>
        %gt3A_127 = arith.cmpf ogt, %get3A_120, %select_n3A : vector<16xf32>
        %select_n3A_128 = arith.select %gt3A_127, %get3A_120, %select_n3A : vector<16xi1>, vector<16xf32>
        %select_n3A_129 = arith.select %gt3A_127, %add3A_126, %select_n3A_80 : vector<16xi1>, vector<16xi32>
        %select_n3A_130 = arith.select %gt3A_127, %select_n3A, %get3A_120 : vector<16xi1>, vector<16xf32>
        %select_n3A_131 = arith.select %gt3A_127, %select_n3A_80, %add3A_126 : vector<16xi1>, vector<16xi32>
        %gt3A_132 = arith.cmpf ogt, %select_n3A_130, %select_n3A_84 : vector<16xf32>
        %select_n3A_133 = arith.select %gt3A_132, %select_n3A_130, %select_n3A_84 : vector<16xi1>, vector<16xf32>
        %select_n3A_134 = arith.select %gt3A_132, %select_n3A_131, %select_n3A_85 : vector<16xi1>, vector<16xi32>
        %select_n3A_135 = arith.select %gt3A_132, %select_n3A_84, %select_n3A_130 : vector<16xi1>, vector<16xf32>
        %select_n3A_136 = arith.select %gt3A_132, %select_n3A_85, %select_n3A_131 : vector<16xi1>, vector<16xi32>
        %gt3A_137 = arith.cmpf ogt, %select_n3A_135, %select_n3A_89 : vector<16xf32>
        %select_n3A_138 = arith.select %gt3A_137, %select_n3A_135, %select_n3A_89 : vector<16xi1>, vector<16xf32>
        %select_n3A_139 = arith.select %gt3A_137, %select_n3A_136, %select_n3A_90 : vector<16xi1>, vector<16xi32>
        %select_n3A_140 = arith.select %gt3A_137, %select_n3A_89, %select_n3A_135 : vector<16xi1>, vector<16xf32>
        %select_n3A_141 = arith.select %gt3A_137, %select_n3A_90, %select_n3A_136 : vector<16xi1>, vector<16xi32>
        %gt3A_142 = arith.cmpf ogt, %select_n3A_140, %select_n3A_94 : vector<16xf32>
        %select_n3A_143 = arith.select %gt3A_142, %select_n3A_140, %select_n3A_94 : vector<16xi1>, vector<16xf32>
        %select_n3A_144 = arith.select %gt3A_142, %select_n3A_141, %select_n3A_95 : vector<16xi1>, vector<16xi32>
        %select_n3A_145 = arith.select %gt3A_142, %select_n3A_94, %select_n3A_140 : vector<16xi1>, vector<16xf32>
        %select_n3A_146 = arith.select %gt3A_142, %select_n3A_95, %select_n3A_141 : vector<16xi1>, vector<16xi32>
        %gt3A_147 = arith.cmpf ogt, %select_n3A_145, %select_n3A_99 : vector<16xf32>
        %select_n3A_148 = arith.select %gt3A_147, %select_n3A_145, %select_n3A_99 : vector<16xi1>, vector<16xf32>
        %select_n3A_149 = arith.select %gt3A_147, %select_n3A_146, %select_n3A_100 : vector<16xi1>, vector<16xi32>
        %select_n3A_150 = arith.select %gt3A_147, %select_n3A_99, %select_n3A_145 : vector<16xi1>, vector<16xf32>
        %select_n3A_151 = arith.select %gt3A_147, %select_n3A_100, %select_n3A_146 : vector<16xi1>, vector<16xi32>
        %gt3A_152 = arith.cmpf ogt, %select_n3A_150, %select_n3A_104 : vector<16xf32>
        %select_n3A_153 = arith.select %gt3A_152, %select_n3A_150, %select_n3A_104 : vector<16xi1>, vector<16xf32>
        %select_n3A_154 = arith.select %gt3A_152, %select_n3A_151, %select_n3A_105 : vector<16xi1>, vector<16xi32>
        %select_n3A_155 = arith.select %gt3A_152, %select_n3A_104, %select_n3A_150 : vector<16xi1>, vector<16xf32>
        %select_n3A_156 = arith.select %gt3A_152, %select_n3A_105, %select_n3A_151 : vector<16xi1>, vector<16xi32>
        %gt3A_157 = arith.cmpf ogt, %select_n3A_155, %select_n3A_109 : vector<16xf32>
        %select_n3A_158 = arith.select %gt3A_157, %select_n3A_155, %select_n3A_109 : vector<16xi1>, vector<16xf32>
        %select_n3A_159 = arith.select %gt3A_157, %select_n3A_156, %select_n3A_110 : vector<16xi1>, vector<16xi32>
        %select_n3A_160 = arith.select %gt3A_157, %select_n3A_109, %select_n3A_155 : vector<16xi1>, vector<16xf32>
        %select_n3A_161 = arith.select %gt3A_157, %select_n3A_110, %select_n3A_156 : vector<16xi1>, vector<16xi32>
        %gt3A_162 = arith.cmpf ogt, %select_n3A_160, %select_n3A_114 : vector<16xf32>
        %select_n3A_163 = arith.select %gt3A_162, %select_n3A_160, %select_n3A_114 : vector<16xi1>, vector<16xf32>
        %select_n3A_164 = arith.select %gt3A_162, %select_n3A_161, %select_n3A_115 : vector<16xi1>, vector<16xi32>
        %add3A_165 = arith.constant 2 : i32
        %add3A_166 = arith.addi %mul3A_69, %add3A_165 : i32
        %get3A_167 = arith.index_cast %add3A_166 : i32 to index
        %get3A_168 = arith.index_cast %mul3A_15 : i32 to index
        %get3A_169 = tpu.vector_load %arg4[%get3A_167, %get3A_168] {strides = array<i32>} : memref<64x128xf32, #tpu.memory_space<vmem>>, vector<16xf32>,
        %broadcast_in_dim3A_170 = arith.constant 0 : i32
        %broadcast_in_dim3A_171 = vector.broadcast %broadcast_in_dim3A_170 : i32 to vector<16xi32>
        %add3A_172 = arith.constant 2 : i32
        %add3A_173 = arith.addi %mul3A_69, %add3A_172 : i32
        %add3A_174 = vector.broadcast %add3A_173 : i32 to vector<16xi32>
        %add3A_175 = arith.addi %broadcast_in_dim3A_171, %add3A_174 : vector<16xi32>
        %gt3A_176 = arith.cmpf ogt, %get3A_169, %select_n3A_128 : vector<16xf32>
        %select_n3A_177 = arith.select %gt3A_176, %get3A_169, %select_n3A_128 : vector<16xi1>, vector<16xf32>
        %select_n3A_178 = arith.select %gt3A_176, %add3A_175, %select_n3A_129 : vector<16xi1>, vector<16xi32>
        %select_n3A_179 = arith.select %gt3A_176, %select_n3A_128, %get3A_169 : vector<16xi1>, vector<16xf32>
        %select_n3A_180 = arith.select %gt3A_176, %select_n3A_129, %add3A_175 : vector<16xi1>, vector<16xi32>
        %gt3A_181 = arith.cmpf ogt, %select_n3A_179, %select_n3A_133 : vector<16xf32>
        %select_n3A_182 = arith.select %gt3A_181, %select_n3A_179, %select_n3A_133 : vector<16xi1>, vector<16xf32>
        %select_n3A_183 = arith.select %gt3A_181, %select_n3A_180, %select_n3A_134 : vector<16xi1>, vector<16xi32>
        %select_n3A_184 = arith.select %gt3A_181, %select_n3A_133, %select_n3A_179 : vector<16xi1>, vector<16xf32>
        %select_n3A_185 = arith.select %gt3A_181, %select_n3A_134, %select_n3A_180 : vector<16xi1>, vector<16xi32>
        %gt3A_186 = arith.cmpf ogt, %select_n3A_184, %select_n3A_138 : vector<16xf32>
        %select_n3A_187 = arith.select %gt3A_186, %select_n3A_184, %select_n3A_138 : vector<16xi1>, vector<16xf32>
        %select_n3A_188 = arith.select %gt3A_186, %select_n3A_185, %select_n3A_139 : vector<16xi1>, vector<16xi32>
        %select_n3A_189 = arith.select %gt3A_186, %select_n3A_138, %select_n3A_184 : vector<16xi1>, vector<16xf32>
        %select_n3A_190 = arith.select %gt3A_186, %select_n3A_139, %select_n3A_185 : vector<16xi1>, vector<16xi32>
        %gt3A_191 = arith.cmpf ogt, %select_n3A_189, %select_n3A_143 : vector<16xf32>
        %select_n3A_192 = arith.select %gt3A_191, %select_n3A_189, %select_n3A_143 : vector<16xi1>, vector<16xf32>
        %select_n3A_193 = arith.select %gt3A_191, %select_n3A_190, %select_n3A_144 : vector<16xi1>, vector<16xi32>
        %select_n3A_194 = arith.select %gt3A_191, %select_n3A_143, %select_n3A_189 : vector<16xi1>, vector<16xf32>
        %select_n3A_195 = arith.select %gt3A_191, %select_n3A_144, %select_n3A_190 : vector<16xi1>, vector<16xi32>
        %gt3A_196 = arith.cmpf ogt, %select_n3A_194, %select_n3A_148 : vector<16xf32>
        %select_n3A_197 = arith.select %gt3A_196, %select_n3A_194, %select_n3A_148 : vector<16xi1>, vector<16xf32>
        %select_n3A_198 = arith.select %gt3A_196, %select_n3A_195, %select_n3A_149 : vector<16xi1>, vector<16xi32>
        %select_n3A_199 = arith.select %gt3A_196, %select_n3A_148, %select_n3A_194 : vector<16xi1>, vector<16xf32>
        %select_n3A_200 = arith.select %gt3A_196, %select_n3A_149, %select_n3A_195 : vector<16xi1>, vector<16xi32>
        %gt3A_201 = arith.cmpf ogt, %select_n3A_199, %select_n3A_153 : vector<16xf32>
        %select_n3A_202 = arith.select %gt3A_201, %select_n3A_199, %select_n3A_153 : vector<16xi1>, vector<16xf32>
        %select_n3A_203 = arith.select %gt3A_201, %select_n3A_200, %select_n3A_154 : vector<16xi1>, vector<16xi32>
        %select_n3A_204 = arith.select %gt3A_201, %select_n3A_153, %select_n3A_199 : vector<16xi1>, vector<16xf32>
        %select_n3A_205 = arith.select %gt3A_201, %select_n3A_154, %select_n3A_200 : vector<16xi1>, vector<16xi32>
        %gt3A_206 = arith.cmpf ogt, %select_n3A_204, %select_n3A_158 : vector<16xf32>
        %select_n3A_207 = arith.select %gt3A_206, %select_n3A_204, %select_n3A_158 : vector<16xi1>, vector<16xf32>
        %select_n3A_208 = arith.select %gt3A_206, %select_n3A_205, %select_n3A_159 : vector<16xi1>, vector<16xi32>
        %select_n3A_209 = arith.select %gt3A_206, %select_n3A_158, %select_n3A_204 : vector<16xi1>, vector<16xf32>
        %select_n3A_210 = arith.select %gt3A_206, %select_n3A_159, %select_n3A_205 : vector<16xi1>, vector<16xi32>
        %gt3A_211 = arith.cmpf ogt, %select_n3A_209, %select_n3A_163 : vector<16xf32>
        %select_n3A_212 = arith.select %gt3A_211, %select_n3A_209, %select_n3A_163 : vector<16xi1>, vector<16xf32>
        %select_n3A_213 = arith.select %gt3A_211, %select_n3A_210, %select_n3A_164 : vector<16xi1>, vector<16xi32>
        %add3A_214 = arith.constant 3 : i32
        %add3A_215 = arith.addi %mul3A_69, %add3A_214 : i32
        %get3A_216 = arith.index_cast %add3A_215 : i32 to index
        %get3A_217 = arith.index_cast %mul3A_15 : i32 to index
        %get3A_218 = tpu.vector_load %arg4[%get3A_216, %get3A_217] {strides = array<i32>} : memref<64x128xf32, #tpu.memory_space<vmem>>, vector<16xf32>,
        %broadcast_in_dim3A_219 = arith.constant 0 : i32
        %broadcast_in_dim3A_220 = vector.broadcast %broadcast_in_dim3A_219 : i32 to vector<16xi32>
        %add3A_221 = arith.constant 3 : i32
        %add3A_222 = arith.addi %mul3A_69, %add3A_221 : i32
        %add3A_223 = vector.broadcast %add3A_222 : i32 to vector<16xi32>
        %add3A_224 = arith.addi %broadcast_in_dim3A_220, %add3A_223 : vector<16xi32>
        %gt3A_225 = arith.cmpf ogt, %get3A_218, %select_n3A_177 : vector<16xf32>
        %select_n3A_226 = arith.select %gt3A_225, %get3A_218, %select_n3A_177 : vector<16xi1>, vector<16xf32>
        %select_n3A_227 = arith.select %gt3A_225, %add3A_224, %select_n3A_178 : vector<16xi1>, vector<16xi32>
        %select_n3A_228 = arith.select %gt3A_225, %select_n3A_177, %get3A_218 : vector<16xi1>, vector<16xf32>
        %select_n3A_229 = arith.select %gt3A_225, %select_n3A_178, %add3A_224 : vector<16xi1>, vector<16xi32>
        %gt3A_230 = arith.cmpf ogt, %select_n3A_228, %select_n3A_182 : vector<16xf32>
        %select_n3A_231 = arith.select %gt3A_230, %select_n3A_228, %select_n3A_182 : vector<16xi1>, vector<16xf32>
        %select_n3A_232 = arith.select %gt3A_230, %select_n3A_229, %select_n3A_183 : vector<16xi1>, vector<16xi32>
        %select_n3A_233 = arith.select %gt3A_230, %select_n3A_182, %select_n3A_228 : vector<16xi1>, vector<16xf32>
        %select_n3A_234 = arith.select %gt3A_230, %select_n3A_183, %select_n3A_229 : vector<16xi1>, vector<16xi32>
        %gt3A_235 = arith.cmpf ogt, %select_n3A_233, %select_n3A_187 : vector<16xf32>
        %select_n3A_236 = arith.select %gt3A_235, %select_n3A_233, %select_n3A_187 : vector<16xi1>, vector<16xf32>
        %select_n3A_237 = arith.select %gt3A_235, %select_n3A_234, %select_n3A_188 : vector<16xi1>, vector<16xi32>
        %select_n3A_238 = arith.select %gt3A_235, %select_n3A_187, %select_n3A_233 : vector<16xi1>, vector<16xf32>
        %select_n3A_239 = arith.select %gt3A_235, %select_n3A_188, %select_n3A_234 : vector<16xi1>, vector<16xi32>
        %gt3A_240 = arith.cmpf ogt, %select_n3A_238, %select_n3A_192 : vector<16xf32>
        %select_n3A_241 = arith.select %gt3A_240, %select_n3A_238, %select_n3A_192 : vector<16xi1>, vector<16xf32>
        %select_n3A_242 = arith.select %gt3A_240, %select_n3A_239, %select_n3A_193 : vector<16xi1>, vector<16xi32>
        %select_n3A_243 = arith.select %gt3A_240, %select_n3A_192, %select_n3A_238 : vector<16xi1>, vector<16xf32>
        %select_n3A_244 = arith.select %gt3A_240, %select_n3A_193, %select_n3A_239 : vector<16xi1>, vector<16xi32>
        %gt3A_245 = arith.cmpf ogt, %select_n3A_243, %select_n3A_197 : vector<16xf32>
        %select_n3A_246 = arith.select %gt3A_245, %select_n3A_243, %select_n3A_197 : vector<16xi1>, vector<16xf32>
        %select_n3A_247 = arith.select %gt3A_245, %select_n3A_244, %select_n3A_198 : vector<16xi1>, vector<16xi32>
        %select_n3A_248 = arith.select %gt3A_245, %select_n3A_197, %select_n3A_243 : vector<16xi1>, vector<16xf32>
        %select_n3A_249 = arith.select %gt3A_245, %select_n3A_198, %select_n3A_244 : vector<16xi1>, vector<16xi32>
        %gt3A_250 = arith.cmpf ogt, %select_n3A_248, %select_n3A_202 : vector<16xf32>
        %select_n3A_251 = arith.select %gt3A_250, %select_n3A_248, %select_n3A_202 : vector<16xi1>, vector<16xf32>
        %select_n3A_252 = arith.select %gt3A_250, %select_n3A_249, %select_n3A_203 : vector<16xi1>, vector<16xi32>
        %select_n3A_253 = arith.select %gt3A_250, %select_n3A_202, %select_n3A_248 : vector<16xi1>, vector<16xf32>
        %select_n3A_254 = arith.select %gt3A_250, %select_n3A_203, %select_n3A_249 : vector<16xi1>, vector<16xi32>
        %gt3A_255 = arith.cmpf ogt, %select_n3A_253, %select_n3A_207 : vector<16xf32>
        %select_n3A_256 = arith.select %gt3A_255, %select_n3A_253, %select_n3A_207 : vector<16xi1>, vector<16xf32>
        %select_n3A_257 = arith.select %gt3A_255, %select_n3A_254, %select_n3A_208 : vector<16xi1>, vector<16xi32>
        %select_n3A_258 = arith.select %gt3A_255, %select_n3A_207, %select_n3A_253 : vector<16xi1>, vector<16xf32>
        %select_n3A_259 = arith.select %gt3A_255, %select_n3A_208, %select_n3A_254 : vector<16xi1>, vector<16xi32>
        %gt3A_260 = arith.cmpf ogt, %select_n3A_258, %select_n3A_212 : vector<16xf32>
        %select_n3A_261 = arith.select %gt3A_260, %select_n3A_258, %select_n3A_212 : vector<16xi1>, vector<16xf32>
        %select_n3A_262 = arith.select %gt3A_260, %select_n3A_259, %select_n3A_213 : vector<16xi1>, vector<16xi32>
        %add3A_263 = arith.constant 4 : i32
        %add3A_264 = arith.addi %mul3A_69, %add3A_263 : i32
        %get3A_265 = arith.index_cast %add3A_264 : i32 to index
        %get3A_266 = arith.index_cast %mul3A_15 : i32 to index
        %get3A_267 = tpu.vector_load %arg4[%get3A_265, %get3A_266] {strides = array<i32>} : memref<64x128xf32, #tpu.memory_space<vmem>>, vector<16xf32>,
        %broadcast_in_dim3A_268 = arith.constant 0 : i32
        %broadcast_in_dim3A_269 = vector.broadcast %broadcast_in_dim3A_268 : i32 to vector<16xi32>
        %add3A_270 = arith.constant 4 : i32
        %add3A_271 = arith.addi %mul3A_69, %add3A_270 : i32
        %add3A_272 = vector.broadcast %add3A_271 : i32 to vector<16xi32>
        %add3A_273 = arith.addi %broadcast_in_dim3A_269, %add3A_272 : vector<16xi32>
        %gt3A_274 = arith.cmpf ogt, %get3A_267, %select_n3A_226 : vector<16xf32>
        %select_n3A_275 = arith.select %gt3A_274, %get3A_267, %select_n3A_226 : vector<16xi1>, vector<16xf32>
        %select_n3A_276 = arith.select %gt3A_274, %add3A_273, %select_n3A_227 : vector<16xi1>, vector<16xi32>
        %select_n3A_277 = arith.select %gt3A_274, %select_n3A_226, %get3A_267 : vector<16xi1>, vector<16xf32>
        %select_n3A_278 = arith.select %gt3A_274, %select_n3A_227, %add3A_273 : vector<16xi1>, vector<16xi32>
        %gt3A_279 = arith.cmpf ogt, %select_n3A_277, %select_n3A_231 : vector<16xf32>
        %select_n3A_280 = arith.select %gt3A_279, %select_n3A_277, %select_n3A_231 : vector<16xi1>, vector<16xf32>
        %select_n3A_281 = arith.select %gt3A_279, %select_n3A_278, %select_n3A_232 : vector<16xi1>, vector<16xi32>
        %select_n3A_282 = arith.select %gt3A_279, %select_n3A_231, %select_n3A_277 : vector<16xi1>, vector<16xf32>
        %select_n3A_283 = arith.select %gt3A_279, %select_n3A_232, %select_n3A_278 : vector<16xi1>, vector<16xi32>
        %gt3A_284 = arith.cmpf ogt, %select_n3A_282, %select_n3A_236 : vector<16xf32>
        %select_n3A_285 = arith.select %gt3A_284, %select_n3A_282, %select_n3A_236 : vector<16xi1>, vector<16xf32>
        %select_n3A_286 = arith.select %gt3A_284, %select_n3A_283, %select_n3A_237 : vector<16xi1>, vector<16xi32>
        %select_n3A_287 = arith.select %gt3A_284, %select_n3A_236, %select_n3A_282 : vector<16xi1>, vector<16xf32>
        %select_n3A_288 = arith.select %gt3A_284, %select_n3A_237, %select_n3A_283 : vector<16xi1>, vector<16xi32>
        %gt3A_289 = arith.cmpf ogt, %select_n3A_287, %select_n3A_241 : vector<16xf32>
        %select_n3A_290 = arith.select %gt3A_289, %select_n3A_287, %select_n3A_241 : vector<16xi1>, vector<16xf32>
        %select_n3A_291 = arith.select %gt3A_289, %select_n3A_288, %select_n3A_242 : vector<16xi1>, vector<16xi32>
        %select_n3A_292 = arith.select %gt3A_289, %select_n3A_241, %select_n3A_287 : vector<16xi1>, vector<16xf32>
        %select_n3A_293 = arith.select %gt3A_289, %select_n3A_242, %select_n3A_288 : vector<16xi1>, vector<16xi32>
        %gt3A_294 = arith.cmpf ogt, %select_n3A_292, %select_n3A_246 : vector<16xf32>
        %select_n3A_295 = arith.select %gt3A_294, %select_n3A_292, %select_n3A_246 : vector<16xi1>, vector<16xf32>
        %select_n3A_296 = arith.select %gt3A_294, %select_n3A_293, %select_n3A_247 : vector<16xi1>, vector<16xi32>
        %select_n3A_297 = arith.select %gt3A_294, %select_n3A_246, %select_n3A_292 : vector<16xi1>, vector<16xf32>
        %select_n3A_298 = arith.select %gt3A_294, %select_n3A_247, %select_n3A_293 : vector<16xi1>, vector<16xi32>
        %gt3A_299 = arith.cmpf ogt, %select_n3A_297, %select_n3A_251 : vector<16xf32>
        %select_n3A_300 = arith.select %gt3A_299, %select_n3A_297, %select_n3A_251 : vector<16xi1>, vector<16xf32>
        %select_n3A_301 = arith.select %gt3A_299, %select_n3A_298, %select_n3A_252 : vector<16xi1>, vector<16xi32>
        %select_n3A_302 = arith.select %gt3A_299, %select_n3A_251, %select_n3A_297 : vector<16xi1>, vector<16xf32>
        %select_n3A_303 = arith.select %gt3A_299, %select_n3A_252, %select_n3A_298 : vector<16xi1>, vector<16xi32>
        %gt3A_304 = arith.cmpf ogt, %select_n3A_302, %select_n3A_256 : vector<16xf32>
        %select_n3A_305 = arith.select %gt3A_304, %select_n3A_302, %select_n3A_256 : vector<16xi1>, vector<16xf32>
        %select_n3A_306 = arith.select %gt3A_304, %select_n3A_303, %select_n3A_257 : vector<16xi1>, vector<16xi32>
        %select_n3A_307 = arith.select %gt3A_304, %select_n3A_256, %select_n3A_302 : vector<16xi1>, vector<16xf32>
        %select_n3A_308 = arith.select %gt3A_304, %select_n3A_257, %select_n3A_303 : vector<16xi1>, vector<16xi32>
        %gt3A_309 = arith.cmpf ogt, %select_n3A_307, %select_n3A_261 : vector<16xf32>
        %select_n3A_310 = arith.select %gt3A_309, %select_n3A_307, %select_n3A_261 : vector<16xi1>, vector<16xf32>
        %select_n3A_311 = arith.select %gt3A_309, %select_n3A_308, %select_n3A_262 : vector<16xi1>, vector<16xi32>
        %add3A_312 = arith.constant 5 : i32
        %add3A_313 = arith.addi %mul3A_69, %add3A_312 : i32
        %get3A_314 = arith.index_cast %add3A_313 : i32 to index
        %get3A_315 = arith.index_cast %mul3A_15 : i32 to index
        %get3A_316 = tpu.vector_load %arg4[%get3A_314, %get3A_315] {strides = array<i32>} : memref<64x128xf32, #tpu.memory_space<vmem>>, vector<16xf32>,
        %broadcast_in_dim3A_317 = arith.constant 0 : i32
        %broadcast_in_dim3A_318 = vector.broadcast %broadcast_in_dim3A_317 : i32 to vector<16xi32>
        %add3A_319 = arith.constant 5 : i32
        %add3A_320 = arith.addi %mul3A_69, %add3A_319 : i32
        %add3A_321 = vector.broadcast %add3A_320 : i32 to vector<16xi32>
        %add3A_322 = arith.addi %broadcast_in_dim3A_318, %add3A_321 : vector<16xi32>
        %gt3A_323 = arith.cmpf ogt, %get3A_316, %select_n3A_275 : vector<16xf32>
        %select_n3A_324 = arith.select %gt3A_323, %get3A_316, %select_n3A_275 : vector<16xi1>, vector<16xf32>
        %select_n3A_325 = arith.select %gt3A_323, %add3A_322, %select_n3A_276 : vector<16xi1>, vector<16xi32>
        %select_n3A_326 = arith.select %gt3A_323, %select_n3A_275, %get3A_316 : vector<16xi1>, vector<16xf32>
        %select_n3A_327 = arith.select %gt3A_323, %select_n3A_276, %add3A_322 : vector<16xi1>, vector<16xi32>
        %gt3A_328 = arith.cmpf ogt, %select_n3A_326, %select_n3A_280 : vector<16xf32>
        %select_n3A_329 = arith.select %gt3A_328, %select_n3A_326, %select_n3A_280 : vector<16xi1>, vector<16xf32>
        %select_n3A_330 = arith.select %gt3A_328, %select_n3A_327, %select_n3A_281 : vector<16xi1>, vector<16xi32>
        %select_n3A_331 = arith.select %gt3A_328, %select_n3A_280, %select_n3A_326 : vector<16xi1>, vector<16xf32>
        %select_n3A_332 = arith.select %gt3A_328, %select_n3A_281, %select_n3A_327 : vector<16xi1>, vector<16xi32>
        %gt3A_333 = arith.cmpf ogt, %select_n3A_331, %select_n3A_285 : vector<16xf32>
        %select_n3A_334 = arith.select %gt3A_333, %select_n3A_331, %select_n3A_285 : vector<16xi1>, vector<16xf32>
        %select_n3A_335 = arith.select %gt3A_333, %select_n3A_332, %select_n3A_286 : vector<16xi1>, vector<16xi32>
        %select_n3A_336 = arith.select %gt3A_333, %select_n3A_285, %select_n3A_331 : vector<16xi1>, vector<16xf32>
        %select_n3A_337 = arith.select %gt3A_333, %select_n3A_286, %select_n3A_332 : vector<16xi1>, vector<16xi32>
        %gt3A_338 = arith.cmpf ogt, %select_n3A_336, %select_n3A_290 : vector<16xf32>
        %select_n3A_339 = arith.select %gt3A_338, %select_n3A_336, %select_n3A_290 : vector<16xi1>, vector<16xf32>
        %select_n3A_340 = arith.select %gt3A_338, %select_n3A_337, %select_n3A_291 : vector<16xi1>, vector<16xi32>
        %select_n3A_341 = arith.select %gt3A_338, %select_n3A_290, %select_n3A_336 : vector<16xi1>, vector<16xf32>
        %select_n3A_342 = arith.select %gt3A_338, %select_n3A_291, %select_n3A_337 : vector<16xi1>, vector<16xi32>
        %gt3A_343 = arith.cmpf ogt, %select_n3A_341, %select_n3A_295 : vector<16xf32>
        %select_n3A_344 = arith.select %gt3A_343, %select_n3A_341, %select_n3A_295 : vector<16xi1>, vector<16xf32>
        %select_n3A_345 = arith.select %gt3A_343, %select_n3A_342, %select_n3A_296 : vector<16xi1>, vector<16xi32>
        %select_n3A_346 = arith.select %gt3A_343, %select_n3A_295, %select_n3A_341 : vector<16xi1>, vector<16xf32>
        %select_n3A_347 = arith.select %gt3A_343, %select_n3A_296, %select_n3A_342 : vector<16xi1>, vector<16xi32>
        %gt3A_348 = arith.cmpf ogt, %select_n3A_346, %select_n3A_300 : vector<16xf32>
        %select_n3A_349 = arith.select %gt3A_348, %select_n3A_346, %select_n3A_300 : vector<16xi1>, vector<16xf32>
        %select_n3A_350 = arith.select %gt3A_348, %select_n3A_347, %select_n3A_301 : vector<16xi1>, vector<16xi32>
        %select_n3A_351 = arith.select %gt3A_348, %select_n3A_300, %select_n3A_346 : vector<16xi1>, vector<16xf32>
        %select_n3A_352 = arith.select %gt3A_348, %select_n3A_301, %select_n3A_347 : vector<16xi1>, vector<16xi32>
        %gt3A_353 = arith.cmpf ogt, %select_n3A_351, %select_n3A_305 : vector<16xf32>
        %select_n3A_354 = arith.select %gt3A_353, %select_n3A_351, %select_n3A_305 : vector<16xi1>, vector<16xf32>
        %select_n3A_355 = arith.select %gt3A_353, %select_n3A_352, %select_n3A_306 : vector<16xi1>, vector<16xi32>
        %select_n3A_356 = arith.select %gt3A_353, %select_n3A_305, %select_n3A_351 : vector<16xi1>, vector<16xf32>
        %select_n3A_357 = arith.select %gt3A_353, %select_n3A_306, %select_n3A_352 : vector<16xi1>, vector<16xi32>
        %gt3A_358 = arith.cmpf ogt, %select_n3A_356, %select_n3A_310 : vector<16xf32>
        %select_n3A_359 = arith.select %gt3A_358, %select_n3A_356, %select_n3A_310 : vector<16xi1>, vector<16xf32>
        %select_n3A_360 = arith.select %gt3A_358, %select_n3A_357, %select_n3A_311 : vector<16xi1>, vector<16xi32>
        %add3A_361 = arith.constant 6 : i32
        %add3A_362 = arith.addi %mul3A_69, %add3A_361 : i32
        %get3A_363 = arith.index_cast %add3A_362 : i32 to index
        %get3A_364 = arith.index_cast %mul3A_15 : i32 to index
        %get3A_365 = tpu.vector_load %arg4[%get3A_363, %get3A_364] {strides = array<i32>} : memref<64x128xf32, #tpu.memory_space<vmem>>, vector<16xf32>,
        %broadcast_in_dim3A_366 = arith.constant 0 : i32
        %broadcast_in_dim3A_367 = vector.broadcast %broadcast_in_dim3A_366 : i32 to vector<16xi32>
        %add3A_368 = arith.constant 6 : i32
        %add3A_369 = arith.addi %mul3A_69, %add3A_368 : i32
        %add3A_370 = vector.broadcast %add3A_369 : i32 to vector<16xi32>
        %add3A_371 = arith.addi %broadcast_in_dim3A_367, %add3A_370 : vector<16xi32>
        %gt3A_372 = arith.cmpf ogt, %get3A_365, %select_n3A_324 : vector<16xf32>
        %select_n3A_373 = arith.select %gt3A_372, %get3A_365, %select_n3A_324 : vector<16xi1>, vector<16xf32>
        %select_n3A_374 = arith.select %gt3A_372, %add3A_371, %select_n3A_325 : vector<16xi1>, vector<16xi32>
        %select_n3A_375 = arith.select %gt3A_372, %select_n3A_324, %get3A_365 : vector<16xi1>, vector<16xf32>
        %select_n3A_376 = arith.select %gt3A_372, %select_n3A_325, %add3A_371 : vector<16xi1>, vector<16xi32>
        %gt3A_377 = arith.cmpf ogt, %select_n3A_375, %select_n3A_329 : vector<16xf32>
        %select_n3A_378 = arith.select %gt3A_377, %select_n3A_375, %select_n3A_329 : vector<16xi1>, vector<16xf32>
        %select_n3A_379 = arith.select %gt3A_377, %select_n3A_376, %select_n3A_330 : vector<16xi1>, vector<16xi32>
        %select_n3A_380 = arith.select %gt3A_377, %select_n3A_329, %select_n3A_375 : vector<16xi1>, vector<16xf32>
        %select_n3A_381 = arith.select %gt3A_377, %select_n3A_330, %select_n3A_376 : vector<16xi1>, vector<16xi32>
        %gt3A_382 = arith.cmpf ogt, %select_n3A_380, %select_n3A_334 : vector<16xf32>
        %select_n3A_383 = arith.select %gt3A_382, %select_n3A_380, %select_n3A_334 : vector<16xi1>, vector<16xf32>
        %select_n3A_384 = arith.select %gt3A_382, %select_n3A_381, %select_n3A_335 : vector<16xi1>, vector<16xi32>
        %select_n3A_385 = arith.select %gt3A_382, %select_n3A_334, %select_n3A_380 : vector<16xi1>, vector<16xf32>
        %select_n3A_386 = arith.select %gt3A_382, %select_n3A_335, %select_n3A_381 : vector<16xi1>, vector<16xi32>
        %gt3A_387 = arith.cmpf ogt, %select_n3A_385, %select_n3A_339 : vector<16xf32>
        %select_n3A_388 = arith.select %gt3A_387, %select_n3A_385, %select_n3A_339 : vector<16xi1>, vector<16xf32>
        %select_n3A_389 = arith.select %gt3A_387, %select_n3A_386, %select_n3A_340 : vector<16xi1>, vector<16xi32>
        %select_n3A_390 = arith.select %gt3A_387, %select_n3A_339, %select_n3A_385 : vector<16xi1>, vector<16xf32>
        %select_n3A_391 = arith.select %gt3A_387, %select_n3A_340, %select_n3A_386 : vector<16xi1>, vector<16xi32>
        %gt3A_392 = arith.cmpf ogt, %select_n3A_390, %select_n3A_344 : vector<16xf32>
        %select_n3A_393 = arith.select %gt3A_392, %select_n3A_390, %select_n3A_344 : vector<16xi1>, vector<16xf32>
        %select_n3A_394 = arith.select %gt3A_392, %select_n3A_391, %select_n3A_345 : vector<16xi1>, vector<16xi32>
        %select_n3A_395 = arith.select %gt3A_392, %select_n3A_344, %select_n3A_390 : vector<16xi1>, vector<16xf32>
        %select_n3A_396 = arith.select %gt3A_392, %select_n3A_345, %select_n3A_391 : vector<16xi1>, vector<16xi32>
        %gt3A_397 = arith.cmpf ogt, %select_n3A_395, %select_n3A_349 : vector<16xf32>
        %select_n3A_398 = arith.select %gt3A_397, %select_n3A_395, %select_n3A_349 : vector<16xi1>, vector<16xf32>
        %select_n3A_399 = arith.select %gt3A_397, %select_n3A_396, %select_n3A_350 : vector<16xi1>, vector<16xi32>
        %select_n3A_400 = arith.select %gt3A_397, %select_n3A_349, %select_n3A_395 : vector<16xi1>, vector<16xf32>
        %select_n3A_401 = arith.select %gt3A_397, %select_n3A_350, %select_n3A_396 : vector<16xi1>, vector<16xi32>
        %gt3A_402 = arith.cmpf ogt, %select_n3A_400, %select_n3A_354 : vector<16xf32>
        %select_n3A_403 = arith.select %gt3A_402, %select_n3A_400, %select_n3A_354 : vector<16xi1>, vector<16xf32>
        %select_n3A_404 = arith.select %gt3A_402, %select_n3A_401, %select_n3A_355 : vector<16xi1>, vector<16xi32>
        %select_n3A_405 = arith.select %gt3A_402, %select_n3A_354, %select_n3A_400 : vector<16xi1>, vector<16xf32>
        %select_n3A_406 = arith.select %gt3A_402, %select_n3A_355, %select_n3A_401 : vector<16xi1>, vector<16xi32>
        %gt3A_407 = arith.cmpf ogt, %select_n3A_405, %select_n3A_359 : vector<16xf32>
        %select_n3A_408 = arith.select %gt3A_407, %select_n3A_405, %select_n3A_359 : vector<16xi1>, vector<16xf32>
        %select_n3A_409 = arith.select %gt3A_407, %select_n3A_406, %select_n3A_360 : vector<16xi1>, vector<16xi32>
        %add3A_410 = arith.constant 7 : i32
        %add3A_411 = arith.addi %mul3A_69, %add3A_410 : i32
        %get3A_412 = arith.index_cast %add3A_411 : i32 to index
        %get3A_413 = arith.index_cast %mul3A_15 : i32 to index
        %get3A_414 = tpu.vector_load %arg4[%get3A_412, %get3A_413] {strides = array<i32>} : memref<64x128xf32, #tpu.memory_space<vmem>>, vector<16xf32>,
        %broadcast_in_dim3A_415 = arith.constant 0 : i32
        %broadcast_in_dim3A_416 = vector.broadcast %broadcast_in_dim3A_415 : i32 to vector<16xi32>
        %add3A_417 = arith.constant 7 : i32
        %add3A_418 = arith.addi %mul3A_69, %add3A_417 : i32
        %add3A_419 = vector.broadcast %add3A_418 : i32 to vector<16xi32>
        %add3A_420 = arith.addi %broadcast_in_dim3A_416, %add3A_419 : vector<16xi32>
        %gt3A_421 = arith.cmpf ogt, %get3A_414, %select_n3A_373 : vector<16xf32>
        %select_n3A_422 = arith.select %gt3A_421, %get3A_414, %select_n3A_373 : vector<16xi1>, vector<16xf32>
        %select_n3A_423 = arith.select %gt3A_421, %add3A_420, %select_n3A_374 : vector<16xi1>, vector<16xi32>
        %select_n3A_424 = arith.select %gt3A_421, %select_n3A_373, %get3A_414 : vector<16xi1>, vector<16xf32>
        %select_n3A_425 = arith.select %gt3A_421, %select_n3A_374, %add3A_420 : vector<16xi1>, vector<16xi32>
        %gt3A_426 = arith.cmpf ogt, %select_n3A_424, %select_n3A_378 : vector<16xf32>
        %select_n3A_427 = arith.select %gt3A_426, %select_n3A_424, %select_n3A_378 : vector<16xi1>, vector<16xf32>
        %select_n3A_428 = arith.select %gt3A_426, %select_n3A_425, %select_n3A_379 : vector<16xi1>, vector<16xi32>
        %select_n3A_429 = arith.select %gt3A_426, %select_n3A_378, %select_n3A_424 : vector<16xi1>, vector<16xf32>
        %select_n3A_430 = arith.select %gt3A_426, %select_n3A_379, %select_n3A_425 : vector<16xi1>, vector<16xi32>
        %gt3A_431 = arith.cmpf ogt, %select_n3A_429, %select_n3A_383 : vector<16xf32>
        %select_n3A_432 = arith.select %gt3A_431, %select_n3A_429, %select_n3A_383 : vector<16xi1>, vector<16xf32>
        %select_n3A_433 = arith.select %gt3A_431, %select_n3A_430, %select_n3A_384 : vector<16xi1>, vector<16xi32>
        %select_n3A_434 = arith.select %gt3A_431, %select_n3A_383, %select_n3A_429 : vector<16xi1>, vector<16xf32>
        %select_n3A_435 = arith.select %gt3A_431, %select_n3A_384, %select_n3A_430 : vector<16xi1>, vector<16xi32>
        %gt3A_436 = arith.cmpf ogt, %select_n3A_434, %select_n3A_388 : vector<16xf32>
        %select_n3A_437 = arith.select %gt3A_436, %select_n3A_434, %select_n3A_388 : vector<16xi1>, vector<16xf32>
        %select_n3A_438 = arith.select %gt3A_436, %select_n3A_435, %select_n3A_389 : vector<16xi1>, vector<16xi32>
        %select_n3A_439 = arith.select %gt3A_436, %select_n3A_388, %select_n3A_434 : vector<16xi1>, vector<16xf32>
        %select_n3A_440 = arith.select %gt3A_436, %select_n3A_389, %select_n3A_435 : vector<16xi1>, vector<16xi32>
        %gt3A_441 = arith.cmpf ogt, %select_n3A_439, %select_n3A_393 : vector<16xf32>
        %select_n3A_442 = arith.select %gt3A_441, %select_n3A_439, %select_n3A_393 : vector<16xi1>, vector<16xf32>
        %select_n3A_443 = arith.select %gt3A_441, %select_n3A_440, %select_n3A_394 : vector<16xi1>, vector<16xi32>
        %select_n3A_444 = arith.select %gt3A_441, %select_n3A_393, %select_n3A_439 : vector<16xi1>, vector<16xf32>
        %select_n3A_445 = arith.select %gt3A_441, %select_n3A_394, %select_n3A_440 : vector<16xi1>, vector<16xi32>
        %gt3A_446 = arith.cmpf ogt, %select_n3A_444, %select_n3A_398 : vector<16xf32>
        %select_n3A_447 = arith.select %gt3A_446, %select_n3A_444, %select_n3A_398 : vector<16xi1>, vector<16xf32>
        %select_n3A_448 = arith.select %gt3A_446, %select_n3A_445, %select_n3A_399 : vector<16xi1>, vector<16xi32>
        %select_n3A_449 = arith.select %gt3A_446, %select_n3A_398, %select_n3A_444 : vector<16xi1>, vector<16xf32>
        %select_n3A_450 = arith.select %gt3A_446, %select_n3A_399, %select_n3A_445 : vector<16xi1>, vector<16xi32>
        %gt3A_451 = arith.cmpf ogt, %select_n3A_449, %select_n3A_403 : vector<16xf32>
        %select_n3A_452 = arith.select %gt3A_451, %select_n3A_449, %select_n3A_403 : vector<16xi1>, vector<16xf32>
        %select_n3A_453 = arith.select %gt3A_451, %select_n3A_450, %select_n3A_404 : vector<16xi1>, vector<16xi32>
        %select_n3A_454 = arith.select %gt3A_451, %select_n3A_403, %select_n3A_449 : vector<16xi1>, vector<16xf32>
        %select_n3A_455 = arith.select %gt3A_451, %select_n3A_404, %select_n3A_450 : vector<16xi1>, vector<16xi32>
        %gt3A_456 = arith.cmpf ogt, %select_n3A_454, %select_n3A_408 : vector<16xf32>
        %select_n3A_457 = arith.select %gt3A_456, %select_n3A_454, %select_n3A_408 : vector<16xi1>, vector<16xf32>
        %select_n3A_458 = arith.select %gt3A_456, %select_n3A_455, %select_n3A_409 : vector<16xi1>, vector<16xi32>
        scf.yield %select_n3A_422, %select_n3A_427, %select_n3A_432, %select_n3A_437, %select_n3A_442, %select_n3A_447, %select_n3A_452, %select_n3A_457, %select_n3A_423, %select_n3A_428, %select_n3A_433, %select_n3A_438, %select_n3A_443, %select_n3A_448, %select_n3A_453, %select_n3A_458 : vector<16xf32>, vector<16xf32>, vector<16xf32>, vector<16xf32>, vector<16xf32>, vector<16xf32>, vector<16xf32>, vector<16xf32>, vector<16xi32>, vector<16xi32>, vector<16xi32>, vector<16xi32>, vector<16xi32>, vector<16xi32>, vector<16xi32>, vector<16xi32>
      }
      %scan3A_21 = arith.constant 8 : i32
      %add3A_22 = vector.broadcast %mul3A_15 : i32 to vector<16xi32>
      %add3A_23 = arith.addi %add3A_22, %iota3A : vector<16xi32>
      %mul3A_24 = arith.constant 8 : i32
      %mul3A_25 = vector.broadcast %mul3A_24 : i32 to vector<16xi32>
      %mul3A_26 = arith.muli %add3A_23, %mul3A_25 : vector<16xi32>
      %add3A_27 = arith.constant 0 : i32
      %add3A_28 = vector.broadcast %add3A_27 : i32 to vector<16xi32>
      %add3A_29 = arith.addi %mul3A_26, %add3A_28 : vector<16xi32>
      tpu.vector_store_idx %arg5[%add3A_29], %scan3A_20#8 : memref<1024xi32, #tpu.memory_space<vmem>>[vector<16xi32>], vector<16xi32>,
      %add3A_30 = arith.constant 1 : i32
      %add3A_31 = vector.broadcast %add3A_30 : i32 to vector<16xi32>
      %add3A_32 = arith.addi %mul3A_26, %add3A_31 : vector<16xi32>
      tpu.vector_store_idx %arg5[%add3A_32], %scan3A_20#9 : memref<1024xi32, #tpu.memory_space<vmem>>[vector<16xi32>], vector<16xi32>,
      %add3A_33 = arith.constant 2 : i32
      %add3A_34 = vector.broadcast %add3A_33 : i32 to vector<16xi32>
      %add3A_35 = arith.addi %mul3A_26, %add3A_34 : vector<16xi32>
      tpu.vector_store_idx %arg5[%add3A_35], %scan3A_20#10 : memref<1024xi32, #tpu.memory_space<vmem>>[vector<16xi32>], vector<16xi32>,
      %add3A_36 = arith.constant 3 : i32
      %add3A_37 = vector.broadcast %add3A_36 : i32 to vector<16xi32>
      %add3A_38 = arith.addi %mul3A_26, %add3A_37 : vector<16xi32>
      tpu.vector_store_idx %arg5[%add3A_38], %scan3A_20#11 : memref<1024xi32, #tpu.memory_space<vmem>>[vector<16xi32>], vector<16xi32>,
      %add3A_39 = arith.constant 4 : i32
      %add3A_40 = vector.broadcast %add3A_39 : i32 to vector<16xi32>
      %add3A_41 = arith.addi %mul3A_26, %add3A_40 : vector<16xi32>
      tpu.vector_store_idx %arg5[%add3A_41], %scan3A_20#12 : memref<1024xi32, #tpu.memory_space<vmem>>[vector<16xi32>], vector<16xi32>,
      %add3A_42 = arith.constant 5 : i32
      %add3A_43 = vector.broadcast %add3A_42 : i32 to vector<16xi32>
      %add3A_44 = arith.addi %mul3A_26, %add3A_43 : vector<16xi32>
      tpu.vector_store_idx %arg5[%add3A_44], %scan3A_20#13 : memref<1024xi32, #tpu.memory_space<vmem>>[vector<16xi32>], vector<16xi32>,
      %add3A_45 = arith.constant 6 : i32
      %add3A_46 = vector.broadcast %add3A_45 : i32 to vector<16xi32>
      %add3A_47 = arith.addi %mul3A_26, %add3A_46 : vector<16xi32>
      tpu.vector_store_idx %arg5[%add3A_47], %scan3A_20#14 : memref<1024xi32, #tpu.memory_space<vmem>>[vector<16xi32>], vector<16xi32>,
      %add3A_48 = arith.constant 7 : i32
      %add3A_49 = vector.broadcast %add3A_48 : i32 to vector<16xi32>
      %add3A_50 = arith.addi %mul3A_26, %add3A_49 : vector<16xi32>
      tpu.vector_store_idx %arg5[%add3A_50], %scan3A_20#15 : memref<1024xi32, #tpu.memory_space<vmem>>[vector<16xi32>], vector<16xi32>,
    }
    %scan3A_10 = arith.constant 8 : i32
    %mul3A_11 = arith.constant 8 : i32
    %mul3A_12 = arith.muli %mul3A_2, %mul3A_11 : i32
    "tpu.region"() ({
      %run_scoped3A = tpu.sem_alloc : memref<!tpu.dma_semaphore, #tpu.memory_space<semaphore_mem>>
      %dma_start3A = tpu.memref_slice %arg3[%mul3A_12] : memref<32768xi32, #tpu.memory_space<hbm>> -> memref<1024xi32, #tpu.memory_space<hbm>>
      %dma_start3A_13 = tpu.memref_slice %arg3[%mul3A_12] : memref<32768xi32, #tpu.memory_space<hbm>> -> memref<1024xi32, #tpu.memory_space<hbm>>
      tpu.enqueue_dma source(%arg5 : memref<1024xi32, #tpu.memory_space<vmem>>) target(%dma_start3A_13 : memref<1024xi32, #tpu.memory_space<hbm>>) target_semaphore(%run_scoped3A : memref<!tpu.dma_semaphore, #tpu.memory_space<semaphore_mem>>)
      %dma_wait3A = tpu.memref_slice %arg3[%mul3A_12] : memref<32768xi32, #tpu.memory_space<hbm>> -> memref<1024xi32, #tpu.memory_space<hbm>>
      %dma_wait3A_14 = tpu.memref_slice %arg3[%mul3A_12] : memref<32768xi32, #tpu.memory_space<hbm>> -> memref<1024xi32, #tpu.memory_space<hbm>>
      tpu.wait_dma2 semaphore(%run_scoped3A : memref<!tpu.dma_semaphore, #tpu.memory_space<semaphore_mem>>) src(%arg5 : memref<1024xi32, #tpu.memory_space<vmem>>) dst(%dma_wait3A_14 : memref<1024xi32, #tpu.memory_space<hbm>>)
      tpu.yield
    }) : () -> ()
    return
  }
}

#map = affine_map<(d0, d1) -> (0, 0)>
#map1 = affine_map<(d0, d1) -> (0)>
module attributes {stable_mosaic.version = 14 : i64} {
  func.func @_sc_topk_body(%arg0: i32, %arg1: i32, %arg2: memref<64x4096xf32, #tpu.memory_space<hbm>>, %arg3: memref<32768xi32, #tpu.memory_space<hbm>>, %arg4: memref<64x128xf32, #tpu.memory_space<vmem>>, %arg5: memref<1024xi32, #tpu.memory_space<vmem>>) attributes {dimension_semantics = [#tpu.dimension_semantics<core_parallel>, #tpu.dimension_semantics<subcore_parallel>], iteration_bounds = array<i64: 2, 16>, scalar_prefetch = 0 : i64, scratch_operands = 2 : i64, tpu.core_type = #tpu.core_type<sc_vector_subcore>, window_params = [{transform_indices = #map}, {transform_indices = #map1}]} {
    %mul3A = arith.constant 2 : i32
    %mul3A_0 = arith.muli %arg1, %mul3A : i32
    %add3A = arith.addi %mul3A_0, %arg0 : i32
    %mul3A_1 = arith.constant 128 : i32
    %mul3A_2 = arith.muli %add3A, %mul3A_1 : i32
    "tpu.region"() ({
      %run_scoped3A = tpu.sem_alloc : memref<!tpu.dma_semaphore, #tpu.memory_space<semaphore_mem>>
      %dma_start3A = arith.constant 0 : i32
      %dma_start3A_13 = tpu.memref_slice %arg2[%dma_start3A, %mul3A_2] : memref<64x4096xf32, #tpu.memory_space<hbm>> -> memref<64x128xf32, #tpu.memory_space<hbm>>
      %dma_start3A_14 = arith.constant 0 : i32
      %dma_start3A_15 = tpu.memref_slice %arg2[%dma_start3A_14, %mul3A_2] : memref<64x4096xf32, #tpu.memory_space<hbm>> -> memref<64x128xf32, #tpu.memory_space<hbm>>
      tpu.enqueue_dma source(%dma_start3A_15 : memref<64x128xf32, #tpu.memory_space<hbm>>) target(%arg4 : memref<64x128xf32, #tpu.memory_space<vmem>>) target_semaphore(%run_scoped3A : memref<!tpu.dma_semaphore, #tpu.memory_space<semaphore_mem>>)
      %dma_wait3A = arith.constant 0 : i32
      %dma_wait3A_16 = tpu.memref_slice %arg2[%dma_wait3A, %mul3A_2] : memref<64x4096xf32, #tpu.memory_space<hbm>> -> memref<64x128xf32, #tpu.memory_space<hbm>>
      %dma_wait3A_17 = arith.constant 0 : i32
      %dma_wait3A_18 = tpu.memref_slice %arg2[%dma_wait3A_17, %mul3A_2] : memref<64x4096xf32, #tpu.memory_space<hbm>> -> memref<64x128xf32, #tpu.memory_space<hbm>>
      tpu.wait_dma2 semaphore(%run_scoped3A : memref<!tpu.dma_semaphore, #tpu.memory_space<semaphore_mem>>) src(%dma_wait3A_18 : memref<64x128xf32, #tpu.memory_space<hbm>>) dst(%arg4 : memref<64x128xf32, #tpu.memory_space<vmem>>)
      tpu.yield
    }) : () -> ()
    %iota3A = tpu.iota {dimensions = array<i32: 0>} : vector<16xi32>
    %broadcast_in_dim3A = arith.constant 0xFF800000 : f32
    %broadcast_in_dim3A_3 = vector.broadcast %broadcast_in_dim3A : f32 to vector<16xf32>
    %broadcast_in_dim3A_4 = arith.constant 0 : i32
    %broadcast_in_dim3A_5 = vector.broadcast %broadcast_in_dim3A_4 : i32 to vector<16xi32>
    %scan3A = arith.constant 0 : i32
    %scan3A_6 = arith.constant 0 : i32
    %scan3A_7 = arith.constant 8 : i32
    %scan3A_8 = arith.addi %scan3A_6, %scan3A_7 : i32
    %scan3A_9 = arith.constant 1 : i32
    scf.for %scan3A_13 = %scan3A_6 to %scan3A_8 step %scan3A_9  : i32 {
      %mul3A_14 = arith.constant 16 : i32
      %mul3A_15 = arith.muli %scan3A_13, %mul3A_14 : i32
      %scan3A_16 = arith.constant 0 : i32
      %scan3A_17 = arith.constant 8 : i32
      %scan3A_18 = arith.addi %scan3A_16, %scan3A_17 : i32
      %scan3A_19 = arith.constant 1 : i32
      %scan3A_20:16 = scf.for %scan3A_51 = %scan3A_16 to %scan3A_18 step %scan3A_19 iter_args(%scan3A_52 = %broadcast_in_dim3A_3, %scan3A_53 = %broadcast_in_dim3A_3, %scan3A_54 = %broadcast_in_dim3A_3, %scan3A_55 = %broadcast_in_dim3A_3, %scan3A_56 = %broadcast_in_dim3A_3, %scan3A_57 = %broadcast_in_dim3A_3, %scan3A_58 = %broadcast_in_dim3A_3, %scan3A_59 = %broadcast_in_dim3A_3, %scan3A_60 = %broadcast_in_dim3A_5, %scan3A_61 = %broadcast_in_dim3A_5, %scan3A_62 = %broadcast_in_dim3A_5, %scan3A_63 = %broadcast_in_dim3A_5, %scan3A_64 = %broadcast_in_dim3A_5, %scan3A_65 = %broadcast_in_dim3A_5, %scan3A_66 = %broadcast_in_dim3A_5, %scan3A_67 = %broadcast_in_dim3A_5) -> (vector<16xf32>, vector<16xf32>, vector<16xf32>, vector<16xf32>, vector<16xf32>, vector<16xf32>, vector<16xf32>, vector<16xf32>, vector<16xi32>, vector<16xi32>, vector<16xi32>, vector<16xi32>, vector<16xi32>, vector<16xi32>, vector<16xi32>, vector<16xi32>)  : i32 {
        %mul3A_68 = arith.constant 8 : i32
        %mul3A_69 = arith.muli %scan3A_51, %mul3A_68 : i32
        %add3A_70 = arith.constant 0 : i32
        %add3A_71 = arith.addi %mul3A_69, %add3A_70 : i32
        %get3A = arith.index_cast %add3A_71 : i32 to index
        %get3A_72 = arith.index_cast %mul3A_15 : i32 to index
        %get3A_73 = tpu.vector_load %arg4[%get3A, %get3A_72] {strides = array<i32>} : memref<64x128xf32, #tpu.memory_space<vmem>>, vector<16xf32>,
        %broadcast_in_dim3A_74 = arith.constant 0 : i32
        %broadcast_in_dim3A_75 = vector.broadcast %broadcast_in_dim3A_74 : i32 to vector<16xi32>
        %add3A_76 = arith.constant 0 : i32
        %add3A_77 = arith.addi %mul3A_69, %add3A_76 : i32
        %add3A_78 = vector.broadcast %add3A_77 : i32 to vector<16xi32>
        %add3A_79 = arith.addi %broadcast_in_dim3A_75, %add3A_78 : vector<16xi32>
        %gt3A = arith.cmpf ogt, %get3A_73, %scan3A_52 : vector<16xf32>
        %select_n3A = arith.select %gt3A, %get3A_73, %scan3A_52 : vector<16xi1>, vector<16xf32>
        %select_n3A_80 = arith.select %gt3A, %add3A_79, %scan3A_60 : vector<16xi1>, vector<16xi32>
        %select_n3A_81 = arith.select %gt3A, %scan3A_52, %get3A_73 : vector<16xi1>, vector<16xf32>
        %select_n3A_82 = arith.select %gt3A, %scan3A_60, %add3A_79 : vector<16xi1>, vector<16xi32>
        %gt3A_83 = arith.cmpf ogt, %select_n3A_81, %scan3A_53 : vector<16xf32>
        %select_n3A_84 = arith.select %gt3A_83, %select_n3A_81, %scan3A_53 : vector<16xi1>, vector<16xf32>
        %select_n3A_85 = arith.select %gt3A_83, %select_n3A_82, %scan3A_61 : vector<16xi1>, vector<16xi32>
        %select_n3A_86 = arith.select %gt3A_83, %scan3A_53, %select_n3A_81 : vector<16xi1>, vector<16xf32>
        %select_n3A_87 = arith.select %gt3A_83, %scan3A_61, %select_n3A_82 : vector<16xi1>, vector<16xi32>
        %gt3A_88 = arith.cmpf ogt, %select_n3A_86, %scan3A_54 : vector<16xf32>
        %select_n3A_89 = arith.select %gt3A_88, %select_n3A_86, %scan3A_54 : vector<16xi1>, vector<16xf32>
        %select_n3A_90 = arith.select %gt3A_88, %select_n3A_87, %scan3A_62 : vector<16xi1>, vector<16xi32>
        %select_n3A_91 = arith.select %gt3A_88, %scan3A_54, %select_n3A_86 : vector<16xi1>, vector<16xf32>
        %select_n3A_92 = arith.select %gt3A_88, %scan3A_62, %select_n3A_87 : vector<16xi1>, vector<16xi32>
        %gt3A_93 = arith.cmpf ogt, %select_n3A_91, %scan3A_55 : vector<16xf32>
        %select_n3A_94 = arith.select %gt3A_93, %select_n3A_91, %scan3A_55 : vector<16xi1>, vector<16xf32>
        %select_n3A_95 = arith.select %gt3A_93, %select_n3A_92, %scan3A_63 : vector<16xi1>, vector<16xi32>
        %select_n3A_96 = arith.select %gt3A_93, %scan3A_55, %select_n3A_91 : vector<16xi1>, vector<16xf32>
        %select_n3A_97 = arith.select %gt3A_93, %scan3A_63, %select_n3A_92 : vector<16xi1>, vector<16xi32>
        %gt3A_98 = arith.cmpf ogt, %select_n3A_96, %scan3A_56 : vector<16xf32>
        %select_n3A_99 = arith.select %gt3A_98, %select_n3A_96, %scan3A_56 : vector<16xi1>, vector<16xf32>
        %select_n3A_100 = arith.select %gt3A_98, %select_n3A_97, %scan3A_64 : vector<16xi1>, vector<16xi32>
        %select_n3A_101 = arith.select %gt3A_98, %scan3A_56, %select_n3A_96 : vector<16xi1>, vector<16xf32>
        %select_n3A_102 = arith.select %gt3A_98, %scan3A_64, %select_n3A_97 : vector<16xi1>, vector<16xi32>
        %gt3A_103 = arith.cmpf ogt, %select_n3A_101, %scan3A_57 : vector<16xf32>
        %select_n3A_104 = arith.select %gt3A_103, %select_n3A_101, %scan3A_57 : vector<16xi1>, vector<16xf32>
        %select_n3A_105 = arith.select %gt3A_103, %select_n3A_102, %scan3A_65 : vector<16xi1>, vector<16xi32>
        %select_n3A_106 = arith.select %gt3A_103, %scan3A_57, %select_n3A_101 : vector<16xi1>, vector<16xf32>
        %select_n3A_107 = arith.select %gt3A_103, %scan3A_65, %select_n3A_102 : vector<16xi1>, vector<16xi32>
        %gt3A_108 = arith.cmpf ogt, %select_n3A_106, %scan3A_58 : vector<16xf32>
        %select_n3A_109 = arith.select %gt3A_108, %select_n3A_106, %scan3A_58 : vector<16xi1>, vector<16xf32>
        %select_n3A_110 = arith.select %gt3A_108, %select_n3A_107, %scan3A_66 : vector<16xi1>, vector<16xi32>
        %select_n3A_111 = arith.select %gt3A_108, %scan3A_58, %select_n3A_106 : vector<16xi1>, vector<16xf32>
        %select_n3A_112 = arith.select %gt3A_108, %scan3A_66, %select_n3A_107 : vector<16xi1>, vector<16xi32>
        %gt3A_113 = arith.cmpf ogt, %select_n3A_111, %scan3A_59 : vector<16xf32>
        %select_n3A_114 = arith.select %gt3A_113, %select_n3A_111, %scan3A_59 : vector<16xi1>, vector<16xf32>
        %select_n3A_115 = arith.select %gt3A_113, %select_n3A_112, %scan3A_67 : vector<16xi1>, vector<16xi32>
        %add3A_116 = arith.constant 1 : i32
        %add3A_117 = arith.addi %mul3A_69, %add3A_116 : i32
        %get3A_118 = arith.index_cast %add3A_117 : i32 to index
        %get3A_119 = arith.index_cast %mul3A_15 : i32 to index
        %get3A_120 = tpu.vector_load %arg4[%get3A_118, %get3A_119] {strides = array<i32>} : memref<64x128xf32, #tpu.memory_space<vmem>>, vector<16xf32>,
        %broadcast_in_dim3A_121 = arith.constant 0 : i32
        %broadcast_in_dim3A_122 = vector.broadcast %broadcast_in_dim3A_121 : i32 to vector<16xi32>
        %add3A_123 = arith.constant 1 : i32
        %add3A_124 = arith.addi %mul3A_69, %add3A_123 : i32
        %add3A_125 = vector.broadcast %add3A_124 : i32 to vector<16xi32>
        %add3A_126 = arith.addi %broadcast_in_dim3A_122, %add3A_125 : vector<16xi32>
        %gt3A_127 = arith.cmpf ogt, %get3A_120, %select_n3A : vector<16xf32>
        %select_n3A_128 = arith.select %gt3A_127, %get3A_120, %select_n3A : vector<16xi1>, vector<16xf32>
        %select_n3A_129 = arith.select %gt3A_127, %add3A_126, %select_n3A_80 : vector<16xi1>, vector<16xi32>
        %select_n3A_130 = arith.select %gt3A_127, %select_n3A, %get3A_120 : vector<16xi1>, vector<16xf32>
        %select_n3A_131 = arith.select %gt3A_127, %select_n3A_80, %add3A_126 : vector<16xi1>, vector<16xi32>
        %gt3A_132 = arith.cmpf ogt, %select_n3A_130, %select_n3A_84 : vector<16xf32>
        %select_n3A_133 = arith.select %gt3A_132, %select_n3A_130, %select_n3A_84 : vector<16xi1>, vector<16xf32>
        %select_n3A_134 = arith.select %gt3A_132, %select_n3A_131, %select_n3A_85 : vector<16xi1>, vector<16xi32>
        %select_n3A_135 = arith.select %gt3A_132, %select_n3A_84, %select_n3A_130 : vector<16xi1>, vector<16xf32>
        %select_n3A_136 = arith.select %gt3A_132, %select_n3A_85, %select_n3A_131 : vector<16xi1>, vector<16xi32>
        %gt3A_137 = arith.cmpf ogt, %select_n3A_135, %select_n3A_89 : vector<16xf32>
        %select_n3A_138 = arith.select %gt3A_137, %select_n3A_135, %select_n3A_89 : vector<16xi1>, vector<16xf32>
        %select_n3A_139 = arith.select %gt3A_137, %select_n3A_136, %select_n3A_90 : vector<16xi1>, vector<16xi32>
        %select_n3A_140 = arith.select %gt3A_137, %select_n3A_89, %select_n3A_135 : vector<16xi1>, vector<16xf32>
        %select_n3A_141 = arith.select %gt3A_137, %select_n3A_90, %select_n3A_136 : vector<16xi1>, vector<16xi32>
        %gt3A_142 = arith.cmpf ogt, %select_n3A_140, %select_n3A_94 : vector<16xf32>
        %select_n3A_143 = arith.select %gt3A_142, %select_n3A_140, %select_n3A_94 : vector<16xi1>, vector<16xf32>
        %select_n3A_144 = arith.select %gt3A_142, %select_n3A_141, %select_n3A_95 : vector<16xi1>, vector<16xi32>
        %select_n3A_145 = arith.select %gt3A_142, %select_n3A_94, %select_n3A_140 : vector<16xi1>, vector<16xf32>
        %select_n3A_146 = arith.select %gt3A_142, %select_n3A_95, %select_n3A_141 : vector<16xi1>, vector<16xi32>
        %gt3A_147 = arith.cmpf ogt, %select_n3A_145, %select_n3A_99 : vector<16xf32>
        %select_n3A_148 = arith.select %gt3A_147, %select_n3A_145, %select_n3A_99 : vector<16xi1>, vector<16xf32>
        %select_n3A_149 = arith.select %gt3A_147, %select_n3A_146, %select_n3A_100 : vector<16xi1>, vector<16xi32>
        %select_n3A_150 = arith.select %gt3A_147, %select_n3A_99, %select_n3A_145 : vector<16xi1>, vector<16xf32>
        %select_n3A_151 = arith.select %gt3A_147, %select_n3A_100, %select_n3A_146 : vector<16xi1>, vector<16xi32>
        %gt3A_152 = arith.cmpf ogt, %select_n3A_150, %select_n3A_104 : vector<16xf32>
        %select_n3A_153 = arith.select %gt3A_152, %select_n3A_150, %select_n3A_104 : vector<16xi1>, vector<16xf32>
        %select_n3A_154 = arith.select %gt3A_152, %select_n3A_151, %select_n3A_105 : vector<16xi1>, vector<16xi32>
        %select_n3A_155 = arith.select %gt3A_152, %select_n3A_104, %select_n3A_150 : vector<16xi1>, vector<16xf32>
        %select_n3A_156 = arith.select %gt3A_152, %select_n3A_105, %select_n3A_151 : vector<16xi1>, vector<16xi32>
        %gt3A_157 = arith.cmpf ogt, %select_n3A_155, %select_n3A_109 : vector<16xf32>
        %select_n3A_158 = arith.select %gt3A_157, %select_n3A_155, %select_n3A_109 : vector<16xi1>, vector<16xf32>
        %select_n3A_159 = arith.select %gt3A_157, %select_n3A_156, %select_n3A_110 : vector<16xi1>, vector<16xi32>
        %select_n3A_160 = arith.select %gt3A_157, %select_n3A_109, %select_n3A_155 : vector<16xi1>, vector<16xf32>
        %select_n3A_161 = arith.select %gt3A_157, %select_n3A_110, %select_n3A_156 : vector<16xi1>, vector<16xi32>
        %gt3A_162 = arith.cmpf ogt, %select_n3A_160, %select_n3A_114 : vector<16xf32>
        %select_n3A_163 = arith.select %gt3A_162, %select_n3A_160, %select_n3A_114 : vector<16xi1>, vector<16xf32>
        %select_n3A_164 = arith.select %gt3A_162, %select_n3A_161, %select_n3A_115 : vector<16xi1>, vector<16xi32>
        %add3A_165 = arith.constant 2 : i32
        %add3A_166 = arith.addi %mul3A_69, %add3A_165 : i32
        %get3A_167 = arith.index_cast %add3A_166 : i32 to index
        %get3A_168 = arith.index_cast %mul3A_15 : i32 to index
        %get3A_169 = tpu.vector_load %arg4[%get3A_167, %get3A_168] {strides = array<i32>} : memref<64x128xf32, #tpu.memory_space<vmem>>, vector<16xf32>,
        %broadcast_in_dim3A_170 = arith.constant 0 : i32
        %broadcast_in_dim3A_171 = vector.broadcast %broadcast_in_dim3A_170 : i32 to vector<16xi32>
        %add3A_172 = arith.constant 2 : i32
        %add3A_173 = arith.addi %mul3A_69, %add3A_172 : i32
        %add3A_174 = vector.broadcast %add3A_173 : i32 to vector<16xi32>
        %add3A_175 = arith.addi %broadcast_in_dim3A_171, %add3A_174 : vector<16xi32>
        %gt3A_176 = arith.cmpf ogt, %get3A_169, %select_n3A_128 : vector<16xf32>
        %select_n3A_177 = arith.select %gt3A_176, %get3A_169, %select_n3A_128 : vector<16xi1>, vector<16xf32>
        %select_n3A_178 = arith.select %gt3A_176, %add3A_175, %select_n3A_129 : vector<16xi1>, vector<16xi32>
        %select_n3A_179 = arith.select %gt3A_176, %select_n3A_128, %get3A_169 : vector<16xi1>, vector<16xf32>
        %select_n3A_180 = arith.select %gt3A_176, %select_n3A_129, %add3A_175 : vector<16xi1>, vector<16xi32>
        %gt3A_181 = arith.cmpf ogt, %select_n3A_179, %select_n3A_133 : vector<16xf32>
        %select_n3A_182 = arith.select %gt3A_181, %select_n3A_179, %select_n3A_133 : vector<16xi1>, vector<16xf32>
        %select_n3A_183 = arith.select %gt3A_181, %select_n3A_180, %select_n3A_134 : vector<16xi1>, vector<16xi32>
        %select_n3A_184 = arith.select %gt3A_181, %select_n3A_133, %select_n3A_179 : vector<16xi1>, vector<16xf32>
        %select_n3A_185 = arith.select %gt3A_181, %select_n3A_134, %select_n3A_180 : vector<16xi1>, vector<16xi32>
        %gt3A_186 = arith.cmpf ogt, %select_n3A_184, %select_n3A_138 : vector<16xf32>
        %select_n3A_187 = arith.select %gt3A_186, %select_n3A_184, %select_n3A_138 : vector<16xi1>, vector<16xf32>
        %select_n3A_188 = arith.select %gt3A_186, %select_n3A_185, %select_n3A_139 : vector<16xi1>, vector<16xi32>
        %select_n3A_189 = arith.select %gt3A_186, %select_n3A_138, %select_n3A_184 : vector<16xi1>, vector<16xf32>
        %select_n3A_190 = arith.select %gt3A_186, %select_n3A_139, %select_n3A_185 : vector<16xi1>, vector<16xi32>
        %gt3A_191 = arith.cmpf ogt, %select_n3A_189, %select_n3A_143 : vector<16xf32>
        %select_n3A_192 = arith.select %gt3A_191, %select_n3A_189, %select_n3A_143 : vector<16xi1>, vector<16xf32>
        %select_n3A_193 = arith.select %gt3A_191, %select_n3A_190, %select_n3A_144 : vector<16xi1>, vector<16xi32>
        %select_n3A_194 = arith.select %gt3A_191, %select_n3A_143, %select_n3A_189 : vector<16xi1>, vector<16xf32>
        %select_n3A_195 = arith.select %gt3A_191, %select_n3A_144, %select_n3A_190 : vector<16xi1>, vector<16xi32>
        %gt3A_196 = arith.cmpf ogt, %select_n3A_194, %select_n3A_148 : vector<16xf32>
        %select_n3A_197 = arith.select %gt3A_196, %select_n3A_194, %select_n3A_148 : vector<16xi1>, vector<16xf32>
        %select_n3A_198 = arith.select %gt3A_196, %select_n3A_195, %select_n3A_149 : vector<16xi1>, vector<16xi32>
        %select_n3A_199 = arith.select %gt3A_196, %select_n3A_148, %select_n3A_194 : vector<16xi1>, vector<16xf32>
        %select_n3A_200 = arith.select %gt3A_196, %select_n3A_149, %select_n3A_195 : vector<16xi1>, vector<16xi32>
        %gt3A_201 = arith.cmpf ogt, %select_n3A_199, %select_n3A_153 : vector<16xf32>
        %select_n3A_202 = arith.select %gt3A_201, %select_n3A_199, %select_n3A_153 : vector<16xi1>, vector<16xf32>
        %select_n3A_203 = arith.select %gt3A_201, %select_n3A_200, %select_n3A_154 : vector<16xi1>, vector<16xi32>
        %select_n3A_204 = arith.select %gt3A_201, %select_n3A_153, %select_n3A_199 : vector<16xi1>, vector<16xf32>
        %select_n3A_205 = arith.select %gt3A_201, %select_n3A_154, %select_n3A_200 : vector<16xi1>, vector<16xi32>
        %gt3A_206 = arith.cmpf ogt, %select_n3A_204, %select_n3A_158 : vector<16xf32>
        %select_n3A_207 = arith.select %gt3A_206, %select_n3A_204, %select_n3A_158 : vector<16xi1>, vector<16xf32>
        %select_n3A_208 = arith.select %gt3A_206, %select_n3A_205, %select_n3A_159 : vector<16xi1>, vector<16xi32>
        %select_n3A_209 = arith.select %gt3A_206, %select_n3A_158, %select_n3A_204 : vector<16xi1>, vector<16xf32>
        %select_n3A_210 = arith.select %gt3A_206, %select_n3A_159, %select_n3A_205 : vector<16xi1>, vector<16xi32>
        %gt3A_211 = arith.cmpf ogt, %select_n3A_209, %select_n3A_163 : vector<16xf32>
        %select_n3A_212 = arith.select %gt3A_211, %select_n3A_209, %select_n3A_163 : vector<16xi1>, vector<16xf32>
        %select_n3A_213 = arith.select %gt3A_211, %select_n3A_210, %select_n3A_164 : vector<16xi1>, vector<16xi32>
        %add3A_214 = arith.constant 3 : i32
        %add3A_215 = arith.addi %mul3A_69, %add3A_214 : i32
        %get3A_216 = arith.index_cast %add3A_215 : i32 to index
        %get3A_217 = arith.index_cast %mul3A_15 : i32 to index
        %get3A_218 = tpu.vector_load %arg4[%get3A_216, %get3A_217] {strides = array<i32>} : memref<64x128xf32, #tpu.memory_space<vmem>>, vector<16xf32>,
        %broadcast_in_dim3A_219 = arith.constant 0 : i32
        %broadcast_in_dim3A_220 = vector.broadcast %broadcast_in_dim3A_219 : i32 to vector<16xi32>
        %add3A_221 = arith.constant 3 : i32
        %add3A_222 = arith.addi %mul3A_69, %add3A_221 : i32
        %add3A_223 = vector.broadcast %add3A_222 : i32 to vector<16xi32>
        %add3A_224 = arith.addi %broadcast_in_dim3A_220, %add3A_223 : vector<16xi32>
        %gt3A_225 = arith.cmpf ogt, %get3A_218, %select_n3A_177 : vector<16xf32>
        %select_n3A_226 = arith.select %gt3A_225, %get3A_218, %select_n3A_177 : vector<16xi1>, vector<16xf32>
        %select_n3A_227 = arith.select %gt3A_225, %add3A_224, %select_n3A_178 : vector<16xi1>, vector<16xi32>
        %select_n3A_228 = arith.select %gt3A_225, %select_n3A_177, %get3A_218 : vector<16xi1>, vector<16xf32>
        %select_n3A_229 = arith.select %gt3A_225, %select_n3A_178, %add3A_224 : vector<16xi1>, vector<16xi32>
        %gt3A_230 = arith.cmpf ogt, %select_n3A_228, %select_n3A_182 : vector<16xf32>
        %select_n3A_231 = arith.select %gt3A_230, %select_n3A_228, %select_n3A_182 : vector<16xi1>, vector<16xf32>
        %select_n3A_232 = arith.select %gt3A_230, %select_n3A_229, %select_n3A_183 : vector<16xi1>, vector<16xi32>
        %select_n3A_233 = arith.select %gt3A_230, %select_n3A_182, %select_n3A_228 : vector<16xi1>, vector<16xf32>
        %select_n3A_234 = arith.select %gt3A_230, %select_n3A_183, %select_n3A_229 : vector<16xi1>, vector<16xi32>
        %gt3A_235 = arith.cmpf ogt, %select_n3A_233, %select_n3A_187 : vector<16xf32>
        %select_n3A_236 = arith.select %gt3A_235, %select_n3A_233, %select_n3A_187 : vector<16xi1>, vector<16xf32>
        %select_n3A_237 = arith.select %gt3A_235, %select_n3A_234, %select_n3A_188 : vector<16xi1>, vector<16xi32>
        %select_n3A_238 = arith.select %gt3A_235, %select_n3A_187, %select_n3A_233 : vector<16xi1>, vector<16xf32>
        %select_n3A_239 = arith.select %gt3A_235, %select_n3A_188, %select_n3A_234 : vector<16xi1>, vector<16xi32>
        %gt3A_240 = arith.cmpf ogt, %select_n3A_238, %select_n3A_192 : vector<16xf32>
        %select_n3A_241 = arith.select %gt3A_240, %select_n3A_238, %select_n3A_192 : vector<16xi1>, vector<16xf32>
        %select_n3A_242 = arith.select %gt3A_240, %select_n3A_239, %select_n3A_193 : vector<16xi1>, vector<16xi32>
        %select_n3A_243 = arith.select %gt3A_240, %select_n3A_192, %select_n3A_238 : vector<16xi1>, vector<16xf32>
        %select_n3A_244 = arith.select %gt3A_240, %select_n3A_193, %select_n3A_239 : vector<16xi1>, vector<16xi32>
        %gt3A_245 = arith.cmpf ogt, %select_n3A_243, %select_n3A_197 : vector<16xf32>
        %select_n3A_246 = arith.select %gt3A_245, %select_n3A_243, %select_n3A_197 : vector<16xi1>, vector<16xf32>
        %select_n3A_247 = arith.select %gt3A_245, %select_n3A_244, %select_n3A_198 : vector<16xi1>, vector<16xi32>
        %select_n3A_248 = arith.select %gt3A_245, %select_n3A_197, %select_n3A_243 : vector<16xi1>, vector<16xf32>
        %select_n3A_249 = arith.select %gt3A_245, %select_n3A_198, %select_n3A_244 : vector<16xi1>, vector<16xi32>
        %gt3A_250 = arith.cmpf ogt, %select_n3A_248, %select_n3A_202 : vector<16xf32>
        %select_n3A_251 = arith.select %gt3A_250, %select_n3A_248, %select_n3A_202 : vector<16xi1>, vector<16xf32>
        %select_n3A_252 = arith.select %gt3A_250, %select_n3A_249, %select_n3A_203 : vector<16xi1>, vector<16xi32>
        %select_n3A_253 = arith.select %gt3A_250, %select_n3A_202, %select_n3A_248 : vector<16xi1>, vector<16xf32>
        %select_n3A_254 = arith.select %gt3A_250, %select_n3A_203, %select_n3A_249 : vector<16xi1>, vector<16xi32>
        %gt3A_255 = arith.cmpf ogt, %select_n3A_253, %select_n3A_207 : vector<16xf32>
        %select_n3A_256 = arith.select %gt3A_255, %select_n3A_253, %select_n3A_207 : vector<16xi1>, vector<16xf32>
        %select_n3A_257 = arith.select %gt3A_255, %select_n3A_254, %select_n3A_208 : vector<16xi1>, vector<16xi32>
        %select_n3A_258 = arith.select %gt3A_255, %select_n3A_207, %select_n3A_253 : vector<16xi1>, vector<16xf32>
        %select_n3A_259 = arith.select %gt3A_255, %select_n3A_208, %select_n3A_254 : vector<16xi1>, vector<16xi32>
        %gt3A_260 = arith.cmpf ogt, %select_n3A_258, %select_n3A_212 : vector<16xf32>
        %select_n3A_261 = arith.select %gt3A_260, %select_n3A_258, %select_n3A_212 : vector<16xi1>, vector<16xf32>
        %select_n3A_262 = arith.select %gt3A_260, %select_n3A_259, %select_n3A_213 : vector<16xi1>, vector<16xi32>
        %add3A_263 = arith.constant 4 : i32
        %add3A_264 = arith.addi %mul3A_69, %add3A_263 : i32
        %get3A_265 = arith.index_cast %add3A_264 : i32 to index
        %get3A_266 = arith.index_cast %mul3A_15 : i32 to index
        %get3A_267 = tpu.vector_load %arg4[%get3A_265, %get3A_266] {strides = array<i32>} : memref<64x128xf32, #tpu.memory_space<vmem>>, vector<16xf32>,
        %broadcast_in_dim3A_268 = arith.constant 0 : i32
        %broadcast_in_dim3A_269 = vector.broadcast %broadcast_in_dim3A_268 : i32 to vector<16xi32>
        %add3A_270 = arith.constant 4 : i32
        %add3A_271 = arith.addi %mul3A_69, %add3A_270 : i32
        %add3A_272 = vector.broadcast %add3A_271 : i32 to vector<16xi32>
        %add3A_273 = arith.addi %broadcast_in_dim3A_269, %add3A_272 : vector<16xi32>
        %gt3A_274 = arith.cmpf ogt, %get3A_267, %select_n3A_226 : vector<16xf32>
        %select_n3A_275 = arith.select %gt3A_274, %get3A_267, %select_n3A_226 : vector<16xi1>, vector<16xf32>
        %select_n3A_276 = arith.select %gt3A_274, %add3A_273, %select_n3A_227 : vector<16xi1>, vector<16xi32>
        %select_n3A_277 = arith.select %gt3A_274, %select_n3A_226, %get3A_267 : vector<16xi1>, vector<16xf32>
        %select_n3A_278 = arith.select %gt3A_274, %select_n3A_227, %add3A_273 : vector<16xi1>, vector<16xi32>
        %gt3A_279 = arith.cmpf ogt, %select_n3A_277, %select_n3A_231 : vector<16xf32>
        %select_n3A_280 = arith.select %gt3A_279, %select_n3A_277, %select_n3A_231 : vector<16xi1>, vector<16xf32>
        %select_n3A_281 = arith.select %gt3A_279, %select_n3A_278, %select_n3A_232 : vector<16xi1>, vector<16xi32>
        %select_n3A_282 = arith.select %gt3A_279, %select_n3A_231, %select_n3A_277 : vector<16xi1>, vector<16xf32>
        %select_n3A_283 = arith.select %gt3A_279, %select_n3A_232, %select_n3A_278 : vector<16xi1>, vector<16xi32>
        %gt3A_284 = arith.cmpf ogt, %select_n3A_282, %select_n3A_236 : vector<16xf32>
        %select_n3A_285 = arith.select %gt3A_284, %select_n3A_282, %select_n3A_236 : vector<16xi1>, vector<16xf32>
        %select_n3A_286 = arith.select %gt3A_284, %select_n3A_283, %select_n3A_237 : vector<16xi1>, vector<16xi32>
        %select_n3A_287 = arith.select %gt3A_284, %select_n3A_236, %select_n3A_282 : vector<16xi1>, vector<16xf32>
        %select_n3A_288 = arith.select %gt3A_284, %select_n3A_237, %select_n3A_283 : vector<16xi1>, vector<16xi32>
        %gt3A_289 = arith.cmpf ogt, %select_n3A_287, %select_n3A_241 : vector<16xf32>
        %select_n3A_290 = arith.select %gt3A_289, %select_n3A_287, %select_n3A_241 : vector<16xi1>, vector<16xf32>
        %select_n3A_291 = arith.select %gt3A_289, %select_n3A_288, %select_n3A_242 : vector<16xi1>, vector<16xi32>
        %select_n3A_292 = arith.select %gt3A_289, %select_n3A_241, %select_n3A_287 : vector<16xi1>, vector<16xf32>
        %select_n3A_293 = arith.select %gt3A_289, %select_n3A_242, %select_n3A_288 : vector<16xi1>, vector<16xi32>
        %gt3A_294 = arith.cmpf ogt, %select_n3A_292, %select_n3A_246 : vector<16xf32>
        %select_n3A_295 = arith.select %gt3A_294, %select_n3A_292, %select_n3A_246 : vector<16xi1>, vector<16xf32>
        %select_n3A_296 = arith.select %gt3A_294, %select_n3A_293, %select_n3A_247 : vector<16xi1>, vector<16xi32>
        %select_n3A_297 = arith.select %gt3A_294, %select_n3A_246, %select_n3A_292 : vector<16xi1>, vector<16xf32>
        %select_n3A_298 = arith.select %gt3A_294, %select_n3A_247, %select_n3A_293 : vector<16xi1>, vector<16xi32>
        %gt3A_299 = arith.cmpf ogt, %select_n3A_297, %select_n3A_251 : vector<16xf32>
        %select_n3A_300 = arith.select %gt3A_299, %select_n3A_297, %select_n3A_251 : vector<16xi1>, vector<16xf32>
        %select_n3A_301 = arith.select %gt3A_299, %select_n3A_298, %select_n3A_252 : vector<16xi1>, vector<16xi32>
        %select_n3A_302 = arith.select %gt3A_299, %select_n3A_251, %select_n3A_297 : vector<16xi1>, vector<16xf32>
        %select_n3A_303 = arith.select %gt3A_299, %select_n3A_252, %select_n3A_298 : vector<16xi1>, vector<16xi32>
        %gt3A_304 = arith.cmpf ogt, %select_n3A_302, %select_n3A_256 : vector<16xf32>
        %select_n3A_305 = arith.select %gt3A_304, %select_n3A_302, %select_n3A_256 : vector<16xi1>, vector<16xf32>
        %select_n3A_306 = arith.select %gt3A_304, %select_n3A_303, %select_n3A_257 : vector<16xi1>, vector<16xi32>
        %select_n3A_307 = arith.select %gt3A_304, %select_n3A_256, %select_n3A_302 : vector<16xi1>, vector<16xf32>
        %select_n3A_308 = arith.select %gt3A_304, %select_n3A_257, %select_n3A_303 : vector<16xi1>, vector<16xi32>
        %gt3A_309 = arith.cmpf ogt, %select_n3A_307, %select_n3A_261 : vector<16xf32>
        %select_n3A_310 = arith.select %gt3A_309, %select_n3A_307, %select_n3A_261 : vector<16xi1>, vector<16xf32>
        %select_n3A_311 = arith.select %gt3A_309, %select_n3A_308, %select_n3A_262 : vector<16xi1>, vector<16xi32>
        %add3A_312 = arith.constant 5 : i32
        %add3A_313 = arith.addi %mul3A_69, %add3A_312 : i32
        %get3A_314 = arith.index_cast %add3A_313 : i32 to index
        %get3A_315 = arith.index_cast %mul3A_15 : i32 to index
        %get3A_316 = tpu.vector_load %arg4[%get3A_314, %get3A_315] {strides = array<i32>} : memref<64x128xf32, #tpu.memory_space<vmem>>, vector<16xf32>,
        %broadcast_in_dim3A_317 = arith.constant 0 : i32
        %broadcast_in_dim3A_318 = vector.broadcast %broadcast_in_dim3A_317 : i32 to vector<16xi32>
        %add3A_319 = arith.constant 5 : i32
        %add3A_320 = arith.addi %mul3A_69, %add3A_319 : i32
        %add3A_321 = vector.broadcast %add3A_320 : i32 to vector<16xi32>
        %add3A_322 = arith.addi %broadcast_in_dim3A_318, %add3A_321 : vector<16xi32>
        %gt3A_323 = arith.cmpf ogt, %get3A_316, %select_n3A_275 : vector<16xf32>
        %select_n3A_324 = arith.select %gt3A_323, %get3A_316, %select_n3A_275 : vector<16xi1>, vector<16xf32>
        %select_n3A_325 = arith.select %gt3A_323, %add3A_322, %select_n3A_276 : vector<16xi1>, vector<16xi32>
        %select_n3A_326 = arith.select %gt3A_323, %select_n3A_275, %get3A_316 : vector<16xi1>, vector<16xf32>
        %select_n3A_327 = arith.select %gt3A_323, %select_n3A_276, %add3A_322 : vector<16xi1>, vector<16xi32>
        %gt3A_328 = arith.cmpf ogt, %select_n3A_326, %select_n3A_280 : vector<16xf32>
        %select_n3A_329 = arith.select %gt3A_328, %select_n3A_326, %select_n3A_280 : vector<16xi1>, vector<16xf32>
        %select_n3A_330 = arith.select %gt3A_328, %select_n3A_327, %select_n3A_281 : vector<16xi1>, vector<16xi32>
        %select_n3A_331 = arith.select %gt3A_328, %select_n3A_280, %select_n3A_326 : vector<16xi1>, vector<16xf32>
        %select_n3A_332 = arith.select %gt3A_328, %select_n3A_281, %select_n3A_327 : vector<16xi1>, vector<16xi32>
        %gt3A_333 = arith.cmpf ogt, %select_n3A_331, %select_n3A_285 : vector<16xf32>
        %select_n3A_334 = arith.select %gt3A_333, %select_n3A_331, %select_n3A_285 : vector<16xi1>, vector<16xf32>
        %select_n3A_335 = arith.select %gt3A_333, %select_n3A_332, %select_n3A_286 : vector<16xi1>, vector<16xi32>
        %select_n3A_336 = arith.select %gt3A_333, %select_n3A_285, %select_n3A_331 : vector<16xi1>, vector<16xf32>
        %select_n3A_337 = arith.select %gt3A_333, %select_n3A_286, %select_n3A_332 : vector<16xi1>, vector<16xi32>
        %gt3A_338 = arith.cmpf ogt, %select_n3A_336, %select_n3A_290 : vector<16xf32>
        %select_n3A_339 = arith.select %gt3A_338, %select_n3A_336, %select_n3A_290 : vector<16xi1>, vector<16xf32>
        %select_n3A_340 = arith.select %gt3A_338, %select_n3A_337, %select_n3A_291 : vector<16xi1>, vector<16xi32>
        %select_n3A_341 = arith.select %gt3A_338, %select_n3A_290, %select_n3A_336 : vector<16xi1>, vector<16xf32>
        %select_n3A_342 = arith.select %gt3A_338, %select_n3A_291, %select_n3A_337 : vector<16xi1>, vector<16xi32>
        %gt3A_343 = arith.cmpf ogt, %select_n3A_341, %select_n3A_295 : vector<16xf32>
        %select_n3A_344 = arith.select %gt3A_343, %select_n3A_341, %select_n3A_295 : vector<16xi1>, vector<16xf32>
        %select_n3A_345 = arith.select %gt3A_343, %select_n3A_342, %select_n3A_296 : vector<16xi1>, vector<16xi32>
        %select_n3A_346 = arith.select %gt3A_343, %select_n3A_295, %select_n3A_341 : vector<16xi1>, vector<16xf32>
        %select_n3A_347 = arith.select %gt3A_343, %select_n3A_296, %select_n3A_342 : vector<16xi1>, vector<16xi32>
        %gt3A_348 = arith.cmpf ogt, %select_n3A_346, %select_n3A_300 : vector<16xf32>
        %select_n3A_349 = arith.select %gt3A_348, %select_n3A_346, %select_n3A_300 : vector<16xi1>, vector<16xf32>
        %select_n3A_350 = arith.select %gt3A_348, %select_n3A_347, %select_n3A_301 : vector<16xi1>, vector<16xi32>
        %select_n3A_351 = arith.select %gt3A_348, %select_n3A_300, %select_n3A_346 : vector<16xi1>, vector<16xf32>
        %select_n3A_352 = arith.select %gt3A_348, %select_n3A_301, %select_n3A_347 : vector<16xi1>, vector<16xi32>
        %gt3A_353 = arith.cmpf ogt, %select_n3A_351, %select_n3A_305 : vector<16xf32>
        %select_n3A_354 = arith.select %gt3A_353, %select_n3A_351, %select_n3A_305 : vector<16xi1>, vector<16xf32>
        %select_n3A_355 = arith.select %gt3A_353, %select_n3A_352, %select_n3A_306 : vector<16xi1>, vector<16xi32>
        %select_n3A_356 = arith.select %gt3A_353, %select_n3A_305, %select_n3A_351 : vector<16xi1>, vector<16xf32>
        %select_n3A_357 = arith.select %gt3A_353, %select_n3A_306, %select_n3A_352 : vector<16xi1>, vector<16xi32>
        %gt3A_358 = arith.cmpf ogt, %select_n3A_356, %select_n3A_310 : vector<16xf32>
        %select_n3A_359 = arith.select %gt3A_358, %select_n3A_356, %select_n3A_310 : vector<16xi1>, vector<16xf32>
        %select_n3A_360 = arith.select %gt3A_358, %select_n3A_357, %select_n3A_311 : vector<16xi1>, vector<16xi32>
        %add3A_361 = arith.constant 6 : i32
        %add3A_362 = arith.addi %mul3A_69, %add3A_361 : i32
        %get3A_363 = arith.index_cast %add3A_362 : i32 to index
        %get3A_364 = arith.index_cast %mul3A_15 : i32 to index
        %get3A_365 = tpu.vector_load %arg4[%get3A_363, %get3A_364] {strides = array<i32>} : memref<64x128xf32, #tpu.memory_space<vmem>>, vector<16xf32>,
        %broadcast_in_dim3A_366 = arith.constant 0 : i32
        %broadcast_in_dim3A_367 = vector.broadcast %broadcast_in_dim3A_366 : i32 to vector<16xi32>
        %add3A_368 = arith.constant 6 : i32
        %add3A_369 = arith.addi %mul3A_69, %add3A_368 : i32
        %add3A_370 = vector.broadcast %add3A_369 : i32 to vector<16xi32>
        %add3A_371 = arith.addi %broadcast_in_dim3A_367, %add3A_370 : vector<16xi32>
        %gt3A_372 = arith.cmpf ogt, %get3A_365, %select_n3A_324 : vector<16xf32>
        %select_n3A_373 = arith.select %gt3A_372, %get3A_365, %select_n3A_324 : vector<16xi1>, vector<16xf32>
        %select_n3A_374 = arith.select %gt3A_372, %add3A_371, %select_n3A_325 : vector<16xi1>, vector<16xi32>
        %select_n3A_375 = arith.select %gt3A_372, %select_n3A_324, %get3A_365 : vector<16xi1>, vector<16xf32>
        %select_n3A_376 = arith.select %gt3A_372, %select_n3A_325, %add3A_371 : vector<16xi1>, vector<16xi32>
        %gt3A_377 = arith.cmpf ogt, %select_n3A_375, %select_n3A_329 : vector<16xf32>
        %select_n3A_378 = arith.select %gt3A_377, %select_n3A_375, %select_n3A_329 : vector<16xi1>, vector<16xf32>
        %select_n3A_379 = arith.select %gt3A_377, %select_n3A_376, %select_n3A_330 : vector<16xi1>, vector<16xi32>
        %select_n3A_380 = arith.select %gt3A_377, %select_n3A_329, %select_n3A_375 : vector<16xi1>, vector<16xf32>
        %select_n3A_381 = arith.select %gt3A_377, %select_n3A_330, %select_n3A_376 : vector<16xi1>, vector<16xi32>
        %gt3A_382 = arith.cmpf ogt, %select_n3A_380, %select_n3A_334 : vector<16xf32>
        %select_n3A_383 = arith.select %gt3A_382, %select_n3A_380, %select_n3A_334 : vector<16xi1>, vector<16xf32>
        %select_n3A_384 = arith.select %gt3A_382, %select_n3A_381, %select_n3A_335 : vector<16xi1>, vector<16xi32>
        %select_n3A_385 = arith.select %gt3A_382, %select_n3A_334, %select_n3A_380 : vector<16xi1>, vector<16xf32>
        %select_n3A_386 = arith.select %gt3A_382, %select_n3A_335, %select_n3A_381 : vector<16xi1>, vector<16xi32>
        %gt3A_387 = arith.cmpf ogt, %select_n3A_385, %select_n3A_339 : vector<16xf32>
        %select_n3A_388 = arith.select %gt3A_387, %select_n3A_385, %select_n3A_339 : vector<16xi1>, vector<16xf32>
        %select_n3A_389 = arith.select %gt3A_387, %select_n3A_386, %select_n3A_340 : vector<16xi1>, vector<16xi32>
        %select_n3A_390 = arith.select %gt3A_387, %select_n3A_339, %select_n3A_385 : vector<16xi1>, vector<16xf32>
        %select_n3A_391 = arith.select %gt3A_387, %select_n3A_340, %select_n3A_386 : vector<16xi1>, vector<16xi32>
        %gt3A_392 = arith.cmpf ogt, %select_n3A_390, %select_n3A_344 : vector<16xf32>
        %select_n3A_393 = arith.select %gt3A_392, %select_n3A_390, %select_n3A_344 : vector<16xi1>, vector<16xf32>
        %select_n3A_394 = arith.select %gt3A_392, %select_n3A_391, %select_n3A_345 : vector<16xi1>, vector<16xi32>
        %select_n3A_395 = arith.select %gt3A_392, %select_n3A_344, %select_n3A_390 : vector<16xi1>, vector<16xf32>
        %select_n3A_396 = arith.select %gt3A_392, %select_n3A_345, %select_n3A_391 : vector<16xi1>, vector<16xi32>
        %gt3A_397 = arith.cmpf ogt, %select_n3A_395, %select_n3A_349 : vector<16xf32>
        %select_n3A_398 = arith.select %gt3A_397, %select_n3A_395, %select_n3A_349 : vector<16xi1>, vector<16xf32>
        %select_n3A_399 = arith.select %gt3A_397, %select_n3A_396, %select_n3A_350 : vector<16xi1>, vector<16xi32>
        %select_n3A_400 = arith.select %gt3A_397, %select_n3A_349, %select_n3A_395 : vector<16xi1>, vector<16xf32>
        %select_n3A_401 = arith.select %gt3A_397, %select_n3A_350, %select_n3A_396 : vector<16xi1>, vector<16xi32>
        %gt3A_402 = arith.cmpf ogt, %select_n3A_400, %select_n3A_354 : vector<16xf32>
        %select_n3A_403 = arith.select %gt3A_402, %select_n3A_400, %select_n3A_354 : vector<16xi1>, vector<16xf32>
        %select_n3A_404 = arith.select %gt3A_402, %select_n3A_401, %select_n3A_355 : vector<16xi1>, vector<16xi32>
        %select_n3A_405 = arith.select %gt3A_402, %select_n3A_354, %select_n3A_400 : vector<16xi1>, vector<16xf32>
        %select_n3A_406 = arith.select %gt3A_402, %select_n3A_355, %select_n3A_401 : vector<16xi1>, vector<16xi32>
        %gt3A_407 = arith.cmpf ogt, %select_n3A_405, %select_n3A_359 : vector<16xf32>
        %select_n3A_408 = arith.select %gt3A_407, %select_n3A_405, %select_n3A_359 : vector<16xi1>, vector<16xf32>
        %select_n3A_409 = arith.select %gt3A_407, %select_n3A_406, %select_n3A_360 : vector<16xi1>, vector<16xi32>
        %add3A_410 = arith.constant 7 : i32
        %add3A_411 = arith.addi %mul3A_69, %add3A_410 : i32
        %get3A_412 = arith.index_cast %add3A_411 : i32 to index
        %get3A_413 = arith.index_cast %mul3A_15 : i32 to index
        %get3A_414 = tpu.vector_load %arg4[%get3A_412, %get3A_413] {strides = array<i32>} : memref<64x128xf32, #tpu.memory_space<vmem>>, vector<16xf32>,
        %broadcast_in_dim3A_415 = arith.constant 0 : i32
        %broadcast_in_dim3A_416 = vector.broadcast %broadcast_in_dim3A_415 : i32 to vector<16xi32>
        %add3A_417 = arith.constant 7 : i32
        %add3A_418 = arith.addi %mul3A_69, %add3A_417 : i32
        %add3A_419 = vector.broadcast %add3A_418 : i32 to vector<16xi32>
        %add3A_420 = arith.addi %broadcast_in_dim3A_416, %add3A_419 : vector<16xi32>
        %gt3A_421 = arith.cmpf ogt, %get3A_414, %select_n3A_373 : vector<16xf32>
        %select_n3A_422 = arith.select %gt3A_421, %get3A_414, %select_n3A_373 : vector<16xi1>, vector<16xf32>
        %select_n3A_423 = arith.select %gt3A_421, %add3A_420, %select_n3A_374 : vector<16xi1>, vector<16xi32>
        %select_n3A_424 = arith.select %gt3A_421, %select_n3A_373, %get3A_414 : vector<16xi1>, vector<16xf32>
        %select_n3A_425 = arith.select %gt3A_421, %select_n3A_374, %add3A_420 : vector<16xi1>, vector<16xi32>
        %gt3A_426 = arith.cmpf ogt, %select_n3A_424, %select_n3A_378 : vector<16xf32>
        %select_n3A_427 = arith.select %gt3A_426, %select_n3A_424, %select_n3A_378 : vector<16xi1>, vector<16xf32>
        %select_n3A_428 = arith.select %gt3A_426, %select_n3A_425, %select_n3A_379 : vector<16xi1>, vector<16xi32>
        %select_n3A_429 = arith.select %gt3A_426, %select_n3A_378, %select_n3A_424 : vector<16xi1>, vector<16xf32>
        %select_n3A_430 = arith.select %gt3A_426, %select_n3A_379, %select_n3A_425 : vector<16xi1>, vector<16xi32>
        %gt3A_431 = arith.cmpf ogt, %select_n3A_429, %select_n3A_383 : vector<16xf32>
        %select_n3A_432 = arith.select %gt3A_431, %select_n3A_429, %select_n3A_383 : vector<16xi1>, vector<16xf32>
        %select_n3A_433 = arith.select %gt3A_431, %select_n3A_430, %select_n3A_384 : vector<16xi1>, vector<16xi32>
        %select_n3A_434 = arith.select %gt3A_431, %select_n3A_383, %select_n3A_429 : vector<16xi1>, vector<16xf32>
        %select_n3A_435 = arith.select %gt3A_431, %select_n3A_384, %select_n3A_430 : vector<16xi1>, vector<16xi32>
        %gt3A_436 = arith.cmpf ogt, %select_n3A_434, %select_n3A_388 : vector<16xf32>
        %select_n3A_437 = arith.select %gt3A_436, %select_n3A_434, %select_n3A_388 : vector<16xi1>, vector<16xf32>
        %select_n3A_438 = arith.select %gt3A_436, %select_n3A_435, %select_n3A_389 : vector<16xi1>, vector<16xi32>
        %select_n3A_439 = arith.select %gt3A_436, %select_n3A_388, %select_n3A_434 : vector<16xi1>, vector<16xf32>
        %select_n3A_440 = arith.select %gt3A_436, %select_n3A_389, %select_n3A_435 : vector<16xi1>, vector<16xi32>
        %gt3A_441 = arith.cmpf ogt, %select_n3A_439, %select_n3A_393 : vector<16xf32>
        %select_n3A_442 = arith.select %gt3A_441, %select_n3A_439, %select_n3A_393 : vector<16xi1>, vector<16xf32>
        %select_n3A_443 = arith.select %gt3A_441, %select_n3A_440, %select_n3A_394 : vector<16xi1>, vector<16xi32>
        %select_n3A_444 = arith.select %gt3A_441, %select_n3A_393, %select_n3A_439 : vector<16xi1>, vector<16xf32>
        %select_n3A_445 = arith.select %gt3A_441, %select_n3A_394, %select_n3A_440 : vector<16xi1>, vector<16xi32>
        %gt3A_446 = arith.cmpf ogt, %select_n3A_444, %select_n3A_398 : vector<16xf32>
        %select_n3A_447 = arith.select %gt3A_446, %select_n3A_444, %select_n3A_398 : vector<16xi1>, vector<16xf32>
        %select_n3A_448 = arith.select %gt3A_446, %select_n3A_445, %select_n3A_399 : vector<16xi1>, vector<16xi32>
        %select_n3A_449 = arith.select %gt3A_446, %select_n3A_398, %select_n3A_444 : vector<16xi1>, vector<16xf32>
        %select_n3A_450 = arith.select %gt3A_446, %select_n3A_399, %select_n3A_445 : vector<16xi1>, vector<16xi32>
        %gt3A_451 = arith.cmpf ogt, %select_n3A_449, %select_n3A_403 : vector<16xf32>
        %select_n3A_452 = arith.select %gt3A_451, %select_n3A_449, %select_n3A_403 : vector<16xi1>, vector<16xf32>
        %select_n3A_453 = arith.select %gt3A_451, %select_n3A_450, %select_n3A_404 : vector<16xi1>, vector<16xi32>
        %select_n3A_454 = arith.select %gt3A_451, %select_n3A_403, %select_n3A_449 : vector<16xi1>, vector<16xf32>
        %select_n3A_455 = arith.select %gt3A_451, %select_n3A_404, %select_n3A_450 : vector<16xi1>, vector<16xi32>
        %gt3A_456 = arith.cmpf ogt, %select_n3A_454, %select_n3A_408 : vector<16xf32>
        %select_n3A_457 = arith.select %gt3A_456, %select_n3A_454, %select_n3A_408 : vector<16xi1>, vector<16xf32>
        %select_n3A_458 = arith.select %gt3A_456, %select_n3A_455, %select_n3A_409 : vector<16xi1>, vector<16xi32>
        scf.yield %select_n3A_422, %select_n3A_427, %select_n3A_432, %select_n3A_437, %select_n3A_442, %select_n3A_447, %select_n3A_452, %select_n3A_457, %select_n3A_423, %select_n3A_428, %select_n3A_433, %select_n3A_438, %select_n3A_443, %select_n3A_448, %select_n3A_453, %select_n3A_458 : vector<16xf32>, vector<16xf32>, vector<16xf32>, vector<16xf32>, vector<16xf32>, vector<16xf32>, vector<16xf32>, vector<16xf32>, vector<16xi32>, vector<16xi32>, vector<16xi32>, vector<16xi32>, vector<16xi32>, vector<16xi32>, vector<16xi32>, vector<16xi32>
      }
      %scan3A_21 = arith.constant 8 : i32
      %add3A_22 = vector.broadcast %mul3A_15 : i32 to vector<16xi32>
      %add3A_23 = arith.addi %add3A_22, %iota3A : vector<16xi32>
      %mul3A_24 = arith.constant 8 : i32
      %mul3A_25 = vector.broadcast %mul3A_24 : i32 to vector<16xi32>
      %mul3A_26 = arith.muli %add3A_23, %mul3A_25 : vector<16xi32>
      %add3A_27 = arith.constant 0 : i32
      %add3A_28 = vector.broadcast %add3A_27 : i32 to vector<16xi32>
      %add3A_29 = arith.addi %mul3A_26, %add3A_28 : vector<16xi32>
      tpu.vector_store_idx %arg5[%add3A_29], %scan3A_20#8 : memref<1024xi32, #tpu.memory_space<vmem>>[vector<16xi32>], vector<16xi32>,
      %add3A_30 = arith.constant 1 : i32
      %add3A_31 = vector.broadcast %add3A_30 : i32 to vector<16xi32>
      %add3A_32 = arith.addi %mul3A_26, %add3A_31 : vector<16xi32>
      tpu.vector_store_idx %arg5[%add3A_32], %scan3A_20#9 : memref<1024xi32, #tpu.memory_space<vmem>>[vector<16xi32>], vector<16xi32>,
      %add3A_33 = arith.constant 2 : i32
      %add3A_34 = vector.broadcast %add3A_33 : i32 to vector<16xi32>
      %add3A_35 = arith.addi %mul3A_26, %add3A_34 : vector<16xi32>
      tpu.vector_store_idx %arg5[%add3A_35], %scan3A_20#10 : memref<1024xi32, #tpu.memory_space<vmem>>[vector<16xi32>], vector<16xi32>,
      %add3A_36 = arith.constant 3 : i32
      %add3A_37 = vector.broadcast %add3A_36 : i32 to vector<16xi32>
      %add3A_38 = arith.addi %mul3A_26, %add3A_37 : vector<16xi32>
      tpu.vector_store_idx %arg5[%add3A_38], %scan3A_20#11 : memref<1024xi32, #tpu.memory_space<vmem>>[vector<16xi32>], vector<16xi32>,
      %add3A_39 = arith.constant 4 : i32
      %add3A_40 = vector.broadcast %add3A_39 : i32 to vector<16xi32>
      %add3A_41 = arith.addi %mul3A_26, %add3A_40 : vector<16xi32>
      tpu.vector_store_idx %arg5[%add3A_41], %scan3A_20#12 : memref<1024xi32, #tpu.memory_space<vmem>>[vector<16xi32>], vector<16xi32>,
      %add3A_42 = arith.constant 5 : i32
      %add3A_43 = vector.broadcast %add3A_42 : i32 to vector<16xi32>
      %add3A_44 = arith.addi %mul3A_26, %add3A_43 : vector<16xi32>
      tpu.vector_store_idx %arg5[%add3A_44], %scan3A_20#13 : memref<1024xi32, #tpu.memory_space<vmem>>[vector<16xi32>], vector<16xi32>,
      %add3A_45 = arith.constant 6 : i32
      %add3A_46 = vector.broadcast %add3A_45 : i32 to vector<16xi32>
      %add3A_47 = arith.addi %mul3A_26, %add3A_46 : vector<16xi32>
      tpu.vector_store_idx %arg5[%add3A_47], %scan3A_20#14 : memref<1024xi32, #tpu.memory_space<vmem>>[vector<16xi32>], vector<16xi32>,
      %add3A_48 = arith.constant 7 : i32
      %add3A_49 = vector.broadcast %add3A_48 : i32 to vector<16xi32>
      %add3A_50 = arith.addi %mul3A_26, %add3A_49 : vector<16xi32>
      tpu.vector_store_idx %arg5[%add3A_50], %scan3A_20#15 : memref<1024xi32, #tpu.memory_space<vmem>>[vector<16xi32>], vector<16xi32>,
    }
    %scan3A_10 = arith.constant 8 : i32
    %mul3A_11 = arith.constant 8 : i32
    %mul3A_12 = arith.muli %mul3A_2, %mul3A_11 : i32
    "tpu.region"() ({
      %run_scoped3A = tpu.sem_alloc : memref<!tpu.dma_semaphore, #tpu.memory_space<semaphore_mem>>
      %dma_start3A = tpu.memref_slice %arg3[%mul3A_12] : memref<32768xi32, #tpu.memory_space<hbm>> -> memref<1024xi32, #tpu.memory_space<hbm>>
      %dma_start3A_13 = tpu.memref_slice %arg3[%mul3A_12] : memref<32768xi32, #tpu.memory_space<hbm>> -> memref<1024xi32, #tpu.memory_space<hbm>>
      tpu.enqueue_dma source(%arg5 : memref<1024xi32, #tpu.memory_space<vmem>>) target(%dma_start3A_13 : memref<1024xi32, #tpu.memory_space<hbm>>) target_semaphore(%run_scoped3A : memref<!tpu.dma_semaphore, #tpu.memory_space<semaphore_mem>>)
      %dma_wait3A = tpu.memref_slice %arg3[%mul3A_12] : memref<32768xi32, #tpu.memory_space<hbm>> -> memref<1024xi32, #tpu.memory_space<hbm>>
      %dma_wait3A_14 = tpu.memref_slice %arg3[%mul3A_12] : memref<32768xi32, #tpu.memory_space<hbm>> -> memref<1024xi32, #tpu.memory_space<hbm>>
      tpu.wait_dma2 semaphore(%run_scoped3A : memref<!tpu.dma_semaphore, #tpu.memory_space<semaphore_mem>>) src(%arg5 : memref<1024xi32, #tpu.memory_space<vmem>>) dst(%dma_wait3A_14 : memref<1024xi32, #tpu.memory_space<hbm>>)
      tpu.yield
    }) : () -> ()
    return
  }
}

#map = affine_map<(d0, d1) -> (0, 0)>
#map1 = affine_map<(d0, d1) -> (0)>
module attributes {stable_mosaic.version = 14 : i64} {
  func.func @_sc_topk_body(%arg0: i32, %arg1: i32, %arg2: memref<64x4096xf32, #tpu.memory_space<hbm>>, %arg3: memref<32768xi32, #tpu.memory_space<hbm>>, %arg4: memref<64x128xf32, #tpu.memory_space<vmem>>, %arg5: memref<1024xi32, #tpu.memory_space<vmem>>) attributes {dimension_semantics = [#tpu.dimension_semantics<core_parallel>, #tpu.dimension_semantics<subcore_parallel>], iteration_bounds = array<i64: 2, 16>, scalar_prefetch = 0 : i64, scratch_operands = 2 : i64, tpu.core_type = #tpu.core_type<sc_vector_subcore>, window_params = [{transform_indices = #map}, {transform_indices = #map1}]} {
    %mul3A = arith.constant 2 : i32
    %mul3A_0 = arith.muli %arg1, %mul3A : i32
    %add3A = arith.addi %mul3A_0, %arg0 : i32
    %mul3A_1 = arith.constant 128 : i32
    %mul3A_2 = arith.muli %add3A, %mul3A_1 : i32
    "tpu.region"() ({
      %run_scoped3A = tpu.sem_alloc : memref<!tpu.dma_semaphore, #tpu.memory_space<semaphore_mem>>
      %dma_start3A = arith.constant 0 : i32
      %dma_start3A_13 = tpu.memref_slice %arg2[%dma_start3A, %mul3A_2] : memref<64x4096xf32, #tpu.memory_space<hbm>> -> memref<64x128xf32, #tpu.memory_space<hbm>>
      %dma_start3A_14 = arith.constant 0 : i32
      %dma_start3A_15 = tpu.memref_slice %arg2[%dma_start3A_14, %mul3A_2] : memref<64x4096xf32, #tpu.memory_space<hbm>> -> memref<64x128xf32, #tpu.memory_space<hbm>>
      tpu.enqueue_dma source(%dma_start3A_15 : memref<64x128xf32, #tpu.memory_space<hbm>>) target(%arg4 : memref<64x128xf32, #tpu.memory_space<vmem>>) target_semaphore(%run_scoped3A : memref<!tpu.dma_semaphore, #tpu.memory_space<semaphore_mem>>)
      %dma_wait3A = arith.constant 0 : i32
      %dma_wait3A_16 = tpu.memref_slice %arg2[%dma_wait3A, %mul3A_2] : memref<64x4096xf32, #tpu.memory_space<hbm>> -> memref<64x128xf32, #tpu.memory_space<hbm>>
      %dma_wait3A_17 = arith.constant 0 : i32
      %dma_wait3A_18 = tpu.memref_slice %arg2[%dma_wait3A_17, %mul3A_2] : memref<64x4096xf32, #tpu.memory_space<hbm>> -> memref<64x128xf32, #tpu.memory_space<hbm>>
      tpu.wait_dma2 semaphore(%run_scoped3A : memref<!tpu.dma_semaphore, #tpu.memory_space<semaphore_mem>>) src(%dma_wait3A_18 : memref<64x128xf32, #tpu.memory_space<hbm>>) dst(%arg4 : memref<64x128xf32, #tpu.memory_space<vmem>>)
      tpu.yield
    }) : () -> ()
    %iota3A = tpu.iota {dimensions = array<i32: 0>} : vector<16xi32>
    %broadcast_in_dim3A = arith.constant 0xFF800000 : f32
    %broadcast_in_dim3A_3 = vector.broadcast %broadcast_in_dim3A : f32 to vector<16xf32>
    %broadcast_in_dim3A_4 = arith.constant 0 : i32
    %broadcast_in_dim3A_5 = vector.broadcast %broadcast_in_dim3A_4 : i32 to vector<16xi32>
    %scan3A = arith.constant 0 : i32
    %scan3A_6 = arith.constant 0 : i32
    %scan3A_7 = arith.constant 8 : i32
    %scan3A_8 = arith.addi %scan3A_6, %scan3A_7 : i32
    %scan3A_9 = arith.constant 1 : i32
    scf.for %scan3A_13 = %scan3A_6 to %scan3A_8 step %scan3A_9  : i32 {
      %mul3A_14 = arith.constant 16 : i32
      %mul3A_15 = arith.muli %scan3A_13, %mul3A_14 : i32
      %scan3A_16 = arith.constant 0 : i32
      %scan3A_17 = arith.constant 8 : i32
      %scan3A_18 = arith.addi %scan3A_16, %scan3A_17 : i32
      %scan3A_19 = arith.constant 1 : i32
      %scan3A_20:16 = scf.for %scan3A_51 = %scan3A_16 to %scan3A_18 step %scan3A_19 iter_args(%scan3A_52 = %broadcast_in_dim3A_3, %scan3A_53 = %broadcast_in_dim3A_3, %scan3A_54 = %broadcast_in_dim3A_3, %scan3A_55 = %broadcast_in_dim3A_3, %scan3A_56 = %broadcast_in_dim3A_3, %scan3A_57 = %broadcast_in_dim3A_3, %scan3A_58 = %broadcast_in_dim3A_3, %scan3A_59 = %broadcast_in_dim3A_3, %scan3A_60 = %broadcast_in_dim3A_5, %scan3A_61 = %broadcast_in_dim3A_5, %scan3A_62 = %broadcast_in_dim3A_5, %scan3A_63 = %broadcast_in_dim3A_5, %scan3A_64 = %broadcast_in_dim3A_5, %scan3A_65 = %broadcast_in_dim3A_5, %scan3A_66 = %broadcast_in_dim3A_5, %scan3A_67 = %broadcast_in_dim3A_5) -> (vector<16xf32>, vector<16xf32>, vector<16xf32>, vector<16xf32>, vector<16xf32>, vector<16xf32>, vector<16xf32>, vector<16xf32>, vector<16xi32>, vector<16xi32>, vector<16xi32>, vector<16xi32>, vector<16xi32>, vector<16xi32>, vector<16xi32>, vector<16xi32>)  : i32 {
        %mul3A_68 = arith.constant 8 : i32
        %mul3A_69 = arith.muli %scan3A_51, %mul3A_68 : i32
        %add3A_70 = arith.constant 0 : i32
        %add3A_71 = arith.addi %mul3A_69, %add3A_70 : i32
        %get3A = arith.index_cast %add3A_71 : i32 to index
        %get3A_72 = arith.index_cast %mul3A_15 : i32 to index
        %get3A_73 = tpu.vector_load %arg4[%get3A, %get3A_72] {strides = array<i32>} : memref<64x128xf32, #tpu.memory_space<vmem>>, vector<16xf32>,
        %broadcast_in_dim3A_74 = arith.constant 0 : i32
        %broadcast_in_dim3A_75 = vector.broadcast %broadcast_in_dim3A_74 : i32 to vector<16xi32>
        %add3A_76 = arith.constant 0 : i32
        %add3A_77 = arith.addi %mul3A_69, %add3A_76 : i32
        %add3A_78 = vector.broadcast %add3A_77 : i32 to vector<16xi32>
        %add3A_79 = arith.addi %broadcast_in_dim3A_75, %add3A_78 : vector<16xi32>
        %gt3A = arith.cmpf ogt, %get3A_73, %scan3A_52 : vector<16xf32>
        %select_n3A = arith.select %gt3A, %get3A_73, %scan3A_52 : vector<16xi1>, vector<16xf32>
        %select_n3A_80 = arith.select %gt3A, %add3A_79, %scan3A_60 : vector<16xi1>, vector<16xi32>
        %select_n3A_81 = arith.select %gt3A, %scan3A_52, %get3A_73 : vector<16xi1>, vector<16xf32>
        %select_n3A_82 = arith.select %gt3A, %scan3A_60, %add3A_79 : vector<16xi1>, vector<16xi32>
        %gt3A_83 = arith.cmpf ogt, %select_n3A_81, %scan3A_53 : vector<16xf32>
        %select_n3A_84 = arith.select %gt3A_83, %select_n3A_81, %scan3A_53 : vector<16xi1>, vector<16xf32>
        %select_n3A_85 = arith.select %gt3A_83, %select_n3A_82, %scan3A_61 : vector<16xi1>, vector<16xi32>
        %select_n3A_86 = arith.select %gt3A_83, %scan3A_53, %select_n3A_81 : vector<16xi1>, vector<16xf32>
        %select_n3A_87 = arith.select %gt3A_83, %scan3A_61, %select_n3A_82 : vector<16xi1>, vector<16xi32>
        %gt3A_88 = arith.cmpf ogt, %select_n3A_86, %scan3A_54 : vector<16xf32>
        %select_n3A_89 = arith.select %gt3A_88, %select_n3A_86, %scan3A_54 : vector<16xi1>, vector<16xf32>
        %select_n3A_90 = arith.select %gt3A_88, %select_n3A_87, %scan3A_62 : vector<16xi1>, vector<16xi32>
        %select_n3A_91 = arith.select %gt3A_88, %scan3A_54, %select_n3A_86 : vector<16xi1>, vector<16xf32>
        %select_n3A_92 = arith.select %gt3A_88, %scan3A_62, %select_n3A_87 : vector<16xi1>, vector<16xi32>
        %gt3A_93 = arith.cmpf ogt, %select_n3A_91, %scan3A_55 : vector<16xf32>
        %select_n3A_94 = arith.select %gt3A_93, %select_n3A_91, %scan3A_55 : vector<16xi1>, vector<16xf32>
        %select_n3A_95 = arith.select %gt3A_93, %select_n3A_92, %scan3A_63 : vector<16xi1>, vector<16xi32>
        %select_n3A_96 = arith.select %gt3A_93, %scan3A_55, %select_n3A_91 : vector<16xi1>, vector<16xf32>
        %select_n3A_97 = arith.select %gt3A_93, %scan3A_63, %select_n3A_92 : vector<16xi1>, vector<16xi32>
        %gt3A_98 = arith.cmpf ogt, %select_n3A_96, %scan3A_56 : vector<16xf32>
        %select_n3A_99 = arith.select %gt3A_98, %select_n3A_96, %scan3A_56 : vector<16xi1>, vector<16xf32>
        %select_n3A_100 = arith.select %gt3A_98, %select_n3A_97, %scan3A_64 : vector<16xi1>, vector<16xi32>
        %select_n3A_101 = arith.select %gt3A_98, %scan3A_56, %select_n3A_96 : vector<16xi1>, vector<16xf32>
        %select_n3A_102 = arith.select %gt3A_98, %scan3A_64, %select_n3A_97 : vector<16xi1>, vector<16xi32>
        %gt3A_103 = arith.cmpf ogt, %select_n3A_101, %scan3A_57 : vector<16xf32>
        %select_n3A_104 = arith.select %gt3A_103, %select_n3A_101, %scan3A_57 : vector<16xi1>, vector<16xf32>
        %select_n3A_105 = arith.select %gt3A_103, %select_n3A_102, %scan3A_65 : vector<16xi1>, vector<16xi32>
        %select_n3A_106 = arith.select %gt3A_103, %scan3A_57, %select_n3A_101 : vector<16xi1>, vector<16xf32>
        %select_n3A_107 = arith.select %gt3A_103, %scan3A_65, %select_n3A_102 : vector<16xi1>, vector<16xi32>
        %gt3A_108 = arith.cmpf ogt, %select_n3A_106, %scan3A_58 : vector<16xf32>
        %select_n3A_109 = arith.select %gt3A_108, %select_n3A_106, %scan3A_58 : vector<16xi1>, vector<16xf32>
        %select_n3A_110 = arith.select %gt3A_108, %select_n3A_107, %scan3A_66 : vector<16xi1>, vector<16xi32>
        %select_n3A_111 = arith.select %gt3A_108, %scan3A_58, %select_n3A_106 : vector<16xi1>, vector<16xf32>
        %select_n3A_112 = arith.select %gt3A_108, %scan3A_66, %select_n3A_107 : vector<16xi1>, vector<16xi32>
        %gt3A_113 = arith.cmpf ogt, %select_n3A_111, %scan3A_59 : vector<16xf32>
        %select_n3A_114 = arith.select %gt3A_113, %select_n3A_111, %scan3A_59 : vector<16xi1>, vector<16xf32>
        %select_n3A_115 = arith.select %gt3A_113, %select_n3A_112, %scan3A_67 : vector<16xi1>, vector<16xi32>
        %add3A_116 = arith.constant 1 : i32
        %add3A_117 = arith.addi %mul3A_69, %add3A_116 : i32
        %get3A_118 = arith.index_cast %add3A_117 : i32 to index
        %get3A_119 = arith.index_cast %mul3A_15 : i32 to index
        %get3A_120 = tpu.vector_load %arg4[%get3A_118, %get3A_119] {strides = array<i32>} : memref<64x128xf32, #tpu.memory_space<vmem>>, vector<16xf32>,
        %broadcast_in_dim3A_121 = arith.constant 0 : i32
        %broadcast_in_dim3A_122 = vector.broadcast %broadcast_in_dim3A_121 : i32 to vector<16xi32>
        %add3A_123 = arith.constant 1 : i32
        %add3A_124 = arith.addi %mul3A_69, %add3A_123 : i32
        %add3A_125 = vector.broadcast %add3A_124 : i32 to vector<16xi32>
        %add3A_126 = arith.addi %broadcast_in_dim3A_122, %add3A_125 : vector<16xi32>
        %gt3A_127 = arith.cmpf ogt, %get3A_120, %select_n3A : vector<16xf32>
        %select_n3A_128 = arith.select %gt3A_127, %get3A_120, %select_n3A : vector<16xi1>, vector<16xf32>
        %select_n3A_129 = arith.select %gt3A_127, %add3A_126, %select_n3A_80 : vector<16xi1>, vector<16xi32>
        %select_n3A_130 = arith.select %gt3A_127, %select_n3A, %get3A_120 : vector<16xi1>, vector<16xf32>
        %select_n3A_131 = arith.select %gt3A_127, %select_n3A_80, %add3A_126 : vector<16xi1>, vector<16xi32>
        %gt3A_132 = arith.cmpf ogt, %select_n3A_130, %select_n3A_84 : vector<16xf32>
        %select_n3A_133 = arith.select %gt3A_132, %select_n3A_130, %select_n3A_84 : vector<16xi1>, vector<16xf32>
        %select_n3A_134 = arith.select %gt3A_132, %select_n3A_131, %select_n3A_85 : vector<16xi1>, vector<16xi32>
        %select_n3A_135 = arith.select %gt3A_132, %select_n3A_84, %select_n3A_130 : vector<16xi1>, vector<16xf32>
        %select_n3A_136 = arith.select %gt3A_132, %select_n3A_85, %select_n3A_131 : vector<16xi1>, vector<16xi32>
        %gt3A_137 = arith.cmpf ogt, %select_n3A_135, %select_n3A_89 : vector<16xf32>
        %select_n3A_138 = arith.select %gt3A_137, %select_n3A_135, %select_n3A_89 : vector<16xi1>, vector<16xf32>
        %select_n3A_139 = arith.select %gt3A_137, %select_n3A_136, %select_n3A_90 : vector<16xi1>, vector<16xi32>
        %select_n3A_140 = arith.select %gt3A_137, %select_n3A_89, %select_n3A_135 : vector<16xi1>, vector<16xf32>
        %select_n3A_141 = arith.select %gt3A_137, %select_n3A_90, %select_n3A_136 : vector<16xi1>, vector<16xi32>
        %gt3A_142 = arith.cmpf ogt, %select_n3A_140, %select_n3A_94 : vector<16xf32>
        %select_n3A_143 = arith.select %gt3A_142, %select_n3A_140, %select_n3A_94 : vector<16xi1>, vector<16xf32>
        %select_n3A_144 = arith.select %gt3A_142, %select_n3A_141, %select_n3A_95 : vector<16xi1>, vector<16xi32>
        %select_n3A_145 = arith.select %gt3A_142, %select_n3A_94, %select_n3A_140 : vector<16xi1>, vector<16xf32>
        %select_n3A_146 = arith.select %gt3A_142, %select_n3A_95, %select_n3A_141 : vector<16xi1>, vector<16xi32>
        %gt3A_147 = arith.cmpf ogt, %select_n3A_145, %select_n3A_99 : vector<16xf32>
        %select_n3A_148 = arith.select %gt3A_147, %select_n3A_145, %select_n3A_99 : vector<16xi1>, vector<16xf32>
        %select_n3A_149 = arith.select %gt3A_147, %select_n3A_146, %select_n3A_100 : vector<16xi1>, vector<16xi32>
        %select_n3A_150 = arith.select %gt3A_147, %select_n3A_99, %select_n3A_145 : vector<16xi1>, vector<16xf32>
        %select_n3A_151 = arith.select %gt3A_147, %select_n3A_100, %select_n3A_146 : vector<16xi1>, vector<16xi32>
        %gt3A_152 = arith.cmpf ogt, %select_n3A_150, %select_n3A_104 : vector<16xf32>
        %select_n3A_153 = arith.select %gt3A_152, %select_n3A_150, %select_n3A_104 : vector<16xi1>, vector<16xf32>
        %select_n3A_154 = arith.select %gt3A_152, %select_n3A_151, %select_n3A_105 : vector<16xi1>, vector<16xi32>
        %select_n3A_155 = arith.select %gt3A_152, %select_n3A_104, %select_n3A_150 : vector<16xi1>, vector<16xf32>
        %select_n3A_156 = arith.select %gt3A_152, %select_n3A_105, %select_n3A_151 : vector<16xi1>, vector<16xi32>
        %gt3A_157 = arith.cmpf ogt, %select_n3A_155, %select_n3A_109 : vector<16xf32>
        %select_n3A_158 = arith.select %gt3A_157, %select_n3A_155, %select_n3A_109 : vector<16xi1>, vector<16xf32>
        %select_n3A_159 = arith.select %gt3A_157, %select_n3A_156, %select_n3A_110 : vector<16xi1>, vector<16xi32>
        %select_n3A_160 = arith.select %gt3A_157, %select_n3A_109, %select_n3A_155 : vector<16xi1>, vector<16xf32>
        %select_n3A_161 = arith.select %gt3A_157, %select_n3A_110, %select_n3A_156 : vector<16xi1>, vector<16xi32>
        %gt3A_162 = arith.cmpf ogt, %select_n3A_160, %select_n3A_114 : vector<16xf32>
        %select_n3A_163 = arith.select %gt3A_162, %select_n3A_160, %select_n3A_114 : vector<16xi1>, vector<16xf32>
        %select_n3A_164 = arith.select %gt3A_162, %select_n3A_161, %select_n3A_115 : vector<16xi1>, vector<16xi32>
        %add3A_165 = arith.constant 2 : i32
        %add3A_166 = arith.addi %mul3A_69, %add3A_165 : i32
        %get3A_167 = arith.index_cast %add3A_166 : i32 to index
        %get3A_168 = arith.index_cast %mul3A_15 : i32 to index
        %get3A_169 = tpu.vector_load %arg4[%get3A_167, %get3A_168] {strides = array<i32>} : memref<64x128xf32, #tpu.memory_space<vmem>>, vector<16xf32>,
        %broadcast_in_dim3A_170 = arith.constant 0 : i32
        %broadcast_in_dim3A_171 = vector.broadcast %broadcast_in_dim3A_170 : i32 to vector<16xi32>
        %add3A_172 = arith.constant 2 : i32
        %add3A_173 = arith.addi %mul3A_69, %add3A_172 : i32
        %add3A_174 = vector.broadcast %add3A_173 : i32 to vector<16xi32>
        %add3A_175 = arith.addi %broadcast_in_dim3A_171, %add3A_174 : vector<16xi32>
        %gt3A_176 = arith.cmpf ogt, %get3A_169, %select_n3A_128 : vector<16xf32>
        %select_n3A_177 = arith.select %gt3A_176, %get3A_169, %select_n3A_128 : vector<16xi1>, vector<16xf32>
        %select_n3A_178 = arith.select %gt3A_176, %add3A_175, %select_n3A_129 : vector<16xi1>, vector<16xi32>
        %select_n3A_179 = arith.select %gt3A_176, %select_n3A_128, %get3A_169 : vector<16xi1>, vector<16xf32>
        %select_n3A_180 = arith.select %gt3A_176, %select_n3A_129, %add3A_175 : vector<16xi1>, vector<16xi32>
        %gt3A_181 = arith.cmpf ogt, %select_n3A_179, %select_n3A_133 : vector<16xf32>
        %select_n3A_182 = arith.select %gt3A_181, %select_n3A_179, %select_n3A_133 : vector<16xi1>, vector<16xf32>
        %select_n3A_183 = arith.select %gt3A_181, %select_n3A_180, %select_n3A_134 : vector<16xi1>, vector<16xi32>
        %select_n3A_184 = arith.select %gt3A_181, %select_n3A_133, %select_n3A_179 : vector<16xi1>, vector<16xf32>
        %select_n3A_185 = arith.select %gt3A_181, %select_n3A_134, %select_n3A_180 : vector<16xi1>, vector<16xi32>
        %gt3A_186 = arith.cmpf ogt, %select_n3A_184, %select_n3A_138 : vector<16xf32>
        %select_n3A_187 = arith.select %gt3A_186, %select_n3A_184, %select_n3A_138 : vector<16xi1>, vector<16xf32>
        %select_n3A_188 = arith.select %gt3A_186, %select_n3A_185, %select_n3A_139 : vector<16xi1>, vector<16xi32>
        %select_n3A_189 = arith.select %gt3A_186, %select_n3A_138, %select_n3A_184 : vector<16xi1>, vector<16xf32>
        %select_n3A_190 = arith.select %gt3A_186, %select_n3A_139, %select_n3A_185 : vector<16xi1>, vector<16xi32>
        %gt3A_191 = arith.cmpf ogt, %select_n3A_189, %select_n3A_143 : vector<16xf32>
        %select_n3A_192 = arith.select %gt3A_191, %select_n3A_189, %select_n3A_143 : vector<16xi1>, vector<16xf32>
        %select_n3A_193 = arith.select %gt3A_191, %select_n3A_190, %select_n3A_144 : vector<16xi1>, vector<16xi32>
        %select_n3A_194 = arith.select %gt3A_191, %select_n3A_143, %select_n3A_189 : vector<16xi1>, vector<16xf32>
        %select_n3A_195 = arith.select %gt3A_191, %select_n3A_144, %select_n3A_190 : vector<16xi1>, vector<16xi32>
        %gt3A_196 = arith.cmpf ogt, %select_n3A_194, %select_n3A_148 : vector<16xf32>
        %select_n3A_197 = arith.select %gt3A_196, %select_n3A_194, %select_n3A_148 : vector<16xi1>, vector<16xf32>
        %select_n3A_198 = arith.select %gt3A_196, %select_n3A_195, %select_n3A_149 : vector<16xi1>, vector<16xi32>
        %select_n3A_199 = arith.select %gt3A_196, %select_n3A_148, %select_n3A_194 : vector<16xi1>, vector<16xf32>
        %select_n3A_200 = arith.select %gt3A_196, %select_n3A_149, %select_n3A_195 : vector<16xi1>, vector<16xi32>
        %gt3A_201 = arith.cmpf ogt, %select_n3A_199, %select_n3A_153 : vector<16xf32>
        %select_n3A_202 = arith.select %gt3A_201, %select_n3A_199, %select_n3A_153 : vector<16xi1>, vector<16xf32>
        %select_n3A_203 = arith.select %gt3A_201, %select_n3A_200, %select_n3A_154 : vector<16xi1>, vector<16xi32>
        %select_n3A_204 = arith.select %gt3A_201, %select_n3A_153, %select_n3A_199 : vector<16xi1>, vector<16xf32>
        %select_n3A_205 = arith.select %gt3A_201, %select_n3A_154, %select_n3A_200 : vector<16xi1>, vector<16xi32>
        %gt3A_206 = arith.cmpf ogt, %select_n3A_204, %select_n3A_158 : vector<16xf32>
        %select_n3A_207 = arith.select %gt3A_206, %select_n3A_204, %select_n3A_158 : vector<16xi1>, vector<16xf32>
        %select_n3A_208 = arith.select %gt3A_206, %select_n3A_205, %select_n3A_159 : vector<16xi1>, vector<16xi32>
        %select_n3A_209 = arith.select %gt3A_206, %select_n3A_158, %select_n3A_204 : vector<16xi1>, vector<16xf32>
        %select_n3A_210 = arith.select %gt3A_206, %select_n3A_159, %select_n3A_205 : vector<16xi1>, vector<16xi32>
        %gt3A_211 = arith.cmpf ogt, %select_n3A_209, %select_n3A_163 : vector<16xf32>
        %select_n3A_212 = arith.select %gt3A_211, %select_n3A_209, %select_n3A_163 : vector<16xi1>, vector<16xf32>
        %select_n3A_213 = arith.select %gt3A_211, %select_n3A_210, %select_n3A_164 : vector<16xi1>, vector<16xi32>
        %add3A_214 = arith.constant 3 : i32
        %add3A_215 = arith.addi %mul3A_69, %add3A_214 : i32
        %get3A_216 = arith.index_cast %add3A_215 : i32 to index
        %get3A_217 = arith.index_cast %mul3A_15 : i32 to index
        %get3A_218 = tpu.vector_load %arg4[%get3A_216, %get3A_217] {strides = array<i32>} : memref<64x128xf32, #tpu.memory_space<vmem>>, vector<16xf32>,
        %broadcast_in_dim3A_219 = arith.constant 0 : i32
        %broadcast_in_dim3A_220 = vector.broadcast %broadcast_in_dim3A_219 : i32 to vector<16xi32>
        %add3A_221 = arith.constant 3 : i32
        %add3A_222 = arith.addi %mul3A_69, %add3A_221 : i32
        %add3A_223 = vector.broadcast %add3A_222 : i32 to vector<16xi32>
        %add3A_224 = arith.addi %broadcast_in_dim3A_220, %add3A_223 : vector<16xi32>
        %gt3A_225 = arith.cmpf ogt, %get3A_218, %select_n3A_177 : vector<16xf32>
        %select_n3A_226 = arith.select %gt3A_225, %get3A_218, %select_n3A_177 : vector<16xi1>, vector<16xf32>
        %select_n3A_227 = arith.select %gt3A_225, %add3A_224, %select_n3A_178 : vector<16xi1>, vector<16xi32>
        %select_n3A_228 = arith.select %gt3A_225, %select_n3A_177, %get3A_218 : vector<16xi1>, vector<16xf32>
        %select_n3A_229 = arith.select %gt3A_225, %select_n3A_178, %add3A_224 : vector<16xi1>, vector<16xi32>
        %gt3A_230 = arith.cmpf ogt, %select_n3A_228, %select_n3A_182 : vector<16xf32>
        %select_n3A_231 = arith.select %gt3A_230, %select_n3A_228, %select_n3A_182 : vector<16xi1>, vector<16xf32>
        %select_n3A_232 = arith.select %gt3A_230, %select_n3A_229, %select_n3A_183 : vector<16xi1>, vector<16xi32>
        %select_n3A_233 = arith.select %gt3A_230, %select_n3A_182, %select_n3A_228 : vector<16xi1>, vector<16xf32>
        %select_n3A_234 = arith.select %gt3A_230, %select_n3A_183, %select_n3A_229 : vector<16xi1>, vector<16xi32>
        %gt3A_235 = arith.cmpf ogt, %select_n3A_233, %select_n3A_187 : vector<16xf32>
        %select_n3A_236 = arith.select %gt3A_235, %select_n3A_233, %select_n3A_187 : vector<16xi1>, vector<16xf32>
        %select_n3A_237 = arith.select %gt3A_235, %select_n3A_234, %select_n3A_188 : vector<16xi1>, vector<16xi32>
        %select_n3A_238 = arith.select %gt3A_235, %select_n3A_187, %select_n3A_233 : vector<16xi1>, vector<16xf32>
        %select_n3A_239 = arith.select %gt3A_235, %select_n3A_188, %select_n3A_234 : vector<16xi1>, vector<16xi32>
        %gt3A_240 = arith.cmpf ogt, %select_n3A_238, %select_n3A_192 : vector<16xf32>
        %select_n3A_241 = arith.select %gt3A_240, %select_n3A_238, %select_n3A_192 : vector<16xi1>, vector<16xf32>
        %select_n3A_242 = arith.select %gt3A_240, %select_n3A_239, %select_n3A_193 : vector<16xi1>, vector<16xi32>
        %select_n3A_243 = arith.select %gt3A_240, %select_n3A_192, %select_n3A_238 : vector<16xi1>, vector<16xf32>
        %select_n3A_244 = arith.select %gt3A_240, %select_n3A_193, %select_n3A_239 : vector<16xi1>, vector<16xi32>
        %gt3A_245 = arith.cmpf ogt, %select_n3A_243, %select_n3A_197 : vector<16xf32>
        %select_n3A_246 = arith.select %gt3A_245, %select_n3A_243, %select_n3A_197 : vector<16xi1>, vector<16xf32>
        %select_n3A_247 = arith.select %gt3A_245, %select_n3A_244, %select_n3A_198 : vector<16xi1>, vector<16xi32>
        %select_n3A_248 = arith.select %gt3A_245, %select_n3A_197, %select_n3A_243 : vector<16xi1>, vector<16xf32>
        %select_n3A_249 = arith.select %gt3A_245, %select_n3A_198, %select_n3A_244 : vector<16xi1>, vector<16xi32>
        %gt3A_250 = arith.cmpf ogt, %select_n3A_248, %select_n3A_202 : vector<16xf32>
        %select_n3A_251 = arith.select %gt3A_250, %select_n3A_248, %select_n3A_202 : vector<16xi1>, vector<16xf32>
        %select_n3A_252 = arith.select %gt3A_250, %select_n3A_249, %select_n3A_203 : vector<16xi1>, vector<16xi32>
        %select_n3A_253 = arith.select %gt3A_250, %select_n3A_202, %select_n3A_248 : vector<16xi1>, vector<16xf32>
        %select_n3A_254 = arith.select %gt3A_250, %select_n3A_203, %select_n3A_249 : vector<16xi1>, vector<16xi32>
        %gt3A_255 = arith.cmpf ogt, %select_n3A_253, %select_n3A_207 : vector<16xf32>
        %select_n3A_256 = arith.select %gt3A_255, %select_n3A_253, %select_n3A_207 : vector<16xi1>, vector<16xf32>
        %select_n3A_257 = arith.select %gt3A_255, %select_n3A_254, %select_n3A_208 : vector<16xi1>, vector<16xi32>
        %select_n3A_258 = arith.select %gt3A_255, %select_n3A_207, %select_n3A_253 : vector<16xi1>, vector<16xf32>
        %select_n3A_259 = arith.select %gt3A_255, %select_n3A_208, %select_n3A_254 : vector<16xi1>, vector<16xi32>
        %gt3A_260 = arith.cmpf ogt, %select_n3A_258, %select_n3A_212 : vector<16xf32>
        %select_n3A_261 = arith.select %gt3A_260, %select_n3A_258, %select_n3A_212 : vector<16xi1>, vector<16xf32>
        %select_n3A_262 = arith.select %gt3A_260, %select_n3A_259, %select_n3A_213 : vector<16xi1>, vector<16xi32>
        %add3A_263 = arith.constant 4 : i32
        %add3A_264 = arith.addi %mul3A_69, %add3A_263 : i32
        %get3A_265 = arith.index_cast %add3A_264 : i32 to index
        %get3A_266 = arith.index_cast %mul3A_15 : i32 to index
        %get3A_267 = tpu.vector_load %arg4[%get3A_265, %get3A_266] {strides = array<i32>} : memref<64x128xf32, #tpu.memory_space<vmem>>, vector<16xf32>,
        %broadcast_in_dim3A_268 = arith.constant 0 : i32
        %broadcast_in_dim3A_269 = vector.broadcast %broadcast_in_dim3A_268 : i32 to vector<16xi32>
        %add3A_270 = arith.constant 4 : i32
        %add3A_271 = arith.addi %mul3A_69, %add3A_270 : i32
        %add3A_272 = vector.broadcast %add3A_271 : i32 to vector<16xi32>
        %add3A_273 = arith.addi %broadcast_in_dim3A_269, %add3A_272 : vector<16xi32>
        %gt3A_274 = arith.cmpf ogt, %get3A_267, %select_n3A_226 : vector<16xf32>
        %select_n3A_275 = arith.select %gt3A_274, %get3A_267, %select_n3A_226 : vector<16xi1>, vector<16xf32>
        %select_n3A_276 = arith.select %gt3A_274, %add3A_273, %select_n3A_227 : vector<16xi1>, vector<16xi32>
        %select_n3A_277 = arith.select %gt3A_274, %select_n3A_226, %get3A_267 : vector<16xi1>, vector<16xf32>
        %select_n3A_278 = arith.select %gt3A_274, %select_n3A_227, %add3A_273 : vector<16xi1>, vector<16xi32>
        %gt3A_279 = arith.cmpf ogt, %select_n3A_277, %select_n3A_231 : vector<16xf32>
        %select_n3A_280 = arith.select %gt3A_279, %select_n3A_277, %select_n3A_231 : vector<16xi1>, vector<16xf32>
        %select_n3A_281 = arith.select %gt3A_279, %select_n3A_278, %select_n3A_232 : vector<16xi1>, vector<16xi32>
        %select_n3A_282 = arith.select %gt3A_279, %select_n3A_231, %select_n3A_277 : vector<16xi1>, vector<16xf32>
        %select_n3A_283 = arith.select %gt3A_279, %select_n3A_232, %select_n3A_278 : vector<16xi1>, vector<16xi32>
        %gt3A_284 = arith.cmpf ogt, %select_n3A_282, %select_n3A_236 : vector<16xf32>
        %select_n3A_285 = arith.select %gt3A_284, %select_n3A_282, %select_n3A_236 : vector<16xi1>, vector<16xf32>
        %select_n3A_286 = arith.select %gt3A_284, %select_n3A_283, %select_n3A_237 : vector<16xi1>, vector<16xi32>
        %select_n3A_287 = arith.select %gt3A_284, %select_n3A_236, %select_n3A_282 : vector<16xi1>, vector<16xf32>
        %select_n3A_288 = arith.select %gt3A_284, %select_n3A_237, %select_n3A_283 : vector<16xi1>, vector<16xi32>
        %gt3A_289 = arith.cmpf ogt, %select_n3A_287, %select_n3A_241 : vector<16xf32>
        %select_n3A_290 = arith.select %gt3A_289, %select_n3A_287, %select_n3A_241 : vector<16xi1>, vector<16xf32>
        %select_n3A_291 = arith.select %gt3A_289, %select_n3A_288, %select_n3A_242 : vector<16xi1>, vector<16xi32>
        %select_n3A_292 = arith.select %gt3A_289, %select_n3A_241, %select_n3A_287 : vector<16xi1>, vector<16xf32>
        %select_n3A_293 = arith.select %gt3A_289, %select_n3A_242, %select_n3A_288 : vector<16xi1>, vector<16xi32>
        %gt3A_294 = arith.cmpf ogt, %select_n3A_292, %select_n3A_246 : vector<16xf32>
        %select_n3A_295 = arith.select %gt3A_294, %select_n3A_292, %select_n3A_246 : vector<16xi1>, vector<16xf32>
        %select_n3A_296 = arith.select %gt3A_294, %select_n3A_293, %select_n3A_247 : vector<16xi1>, vector<16xi32>
        %select_n3A_297 = arith.select %gt3A_294, %select_n3A_246, %select_n3A_292 : vector<16xi1>, vector<16xf32>
        %select_n3A_298 = arith.select %gt3A_294, %select_n3A_247, %select_n3A_293 : vector<16xi1>, vector<16xi32>
        %gt3A_299 = arith.cmpf ogt, %select_n3A_297, %select_n3A_251 : vector<16xf32>
        %select_n3A_300 = arith.select %gt3A_299, %select_n3A_297, %select_n3A_251 : vector<16xi1>, vector<16xf32>
        %select_n3A_301 = arith.select %gt3A_299, %select_n3A_298, %select_n3A_252 : vector<16xi1>, vector<16xi32>
        %select_n3A_302 = arith.select %gt3A_299, %select_n3A_251, %select_n3A_297 : vector<16xi1>, vector<16xf32>
        %select_n3A_303 = arith.select %gt3A_299, %select_n3A_252, %select_n3A_298 : vector<16xi1>, vector<16xi32>
        %gt3A_304 = arith.cmpf ogt, %select_n3A_302, %select_n3A_256 : vector<16xf32>
        %select_n3A_305 = arith.select %gt3A_304, %select_n3A_302, %select_n3A_256 : vector<16xi1>, vector<16xf32>
        %select_n3A_306 = arith.select %gt3A_304, %select_n3A_303, %select_n3A_257 : vector<16xi1>, vector<16xi32>
        %select_n3A_307 = arith.select %gt3A_304, %select_n3A_256, %select_n3A_302 : vector<16xi1>, vector<16xf32>
        %select_n3A_308 = arith.select %gt3A_304, %select_n3A_257, %select_n3A_303 : vector<16xi1>, vector<16xi32>
        %gt3A_309 = arith.cmpf ogt, %select_n3A_307, %select_n3A_261 : vector<16xf32>
        %select_n3A_310 = arith.select %gt3A_309, %select_n3A_307, %select_n3A_261 : vector<16xi1>, vector<16xf32>
        %select_n3A_311 = arith.select %gt3A_309, %select_n3A_308, %select_n3A_262 : vector<16xi1>, vector<16xi32>
        %add3A_312 = arith.constant 5 : i32
        %add3A_313 = arith.addi %mul3A_69, %add3A_312 : i32
        %get3A_314 = arith.index_cast %add3A_313 : i32 to index
        %get3A_315 = arith.index_cast %mul3A_15 : i32 to index
        %get3A_316 = tpu.vector_load %arg4[%get3A_314, %get3A_315] {strides = array<i32>} : memref<64x128xf32, #tpu.memory_space<vmem>>, vector<16xf32>,
        %broadcast_in_dim3A_317 = arith.constant 0 : i32
        %broadcast_in_dim3A_318 = vector.broadcast %broadcast_in_dim3A_317 : i32 to vector<16xi32>
        %add3A_319 = arith.constant 5 : i32
        %add3A_320 = arith.addi %mul3A_69, %add3A_319 : i32
        %add3A_321 = vector.broadcast %add3A_320 : i32 to vector<16xi32>
        %add3A_322 = arith.addi %broadcast_in_dim3A_318, %add3A_321 : vector<16xi32>
        %gt3A_323 = arith.cmpf ogt, %get3A_316, %select_n3A_275 : vector<16xf32>
        %select_n3A_324 = arith.select %gt3A_323, %get3A_316, %select_n3A_275 : vector<16xi1>, vector<16xf32>
        %select_n3A_325 = arith.select %gt3A_323, %add3A_322, %select_n3A_276 : vector<16xi1>, vector<16xi32>
        %select_n3A_326 = arith.select %gt3A_323, %select_n3A_275, %get3A_316 : vector<16xi1>, vector<16xf32>
        %select_n3A_327 = arith.select %gt3A_323, %select_n3A_276, %add3A_322 : vector<16xi1>, vector<16xi32>
        %gt3A_328 = arith.cmpf ogt, %select_n3A_326, %select_n3A_280 : vector<16xf32>
        %select_n3A_329 = arith.select %gt3A_328, %select_n3A_326, %select_n3A_280 : vector<16xi1>, vector<16xf32>
        %select_n3A_330 = arith.select %gt3A_328, %select_n3A_327, %select_n3A_281 : vector<16xi1>, vector<16xi32>
        %select_n3A_331 = arith.select %gt3A_328, %select_n3A_280, %select_n3A_326 : vector<16xi1>, vector<16xf32>
        %select_n3A_332 = arith.select %gt3A_328, %select_n3A_281, %select_n3A_327 : vector<16xi1>, vector<16xi32>
        %gt3A_333 = arith.cmpf ogt, %select_n3A_331, %select_n3A_285 : vector<16xf32>
        %select_n3A_334 = arith.select %gt3A_333, %select_n3A_331, %select_n3A_285 : vector<16xi1>, vector<16xf32>
        %select_n3A_335 = arith.select %gt3A_333, %select_n3A_332, %select_n3A_286 : vector<16xi1>, vector<16xi32>
        %select_n3A_336 = arith.select %gt3A_333, %select_n3A_285, %select_n3A_331 : vector<16xi1>, vector<16xf32>
        %select_n3A_337 = arith.select %gt3A_333, %select_n3A_286, %select_n3A_332 : vector<16xi1>, vector<16xi32>
        %gt3A_338 = arith.cmpf ogt, %select_n3A_336, %select_n3A_290 : vector<16xf32>
        %select_n3A_339 = arith.select %gt3A_338, %select_n3A_336, %select_n3A_290 : vector<16xi1>, vector<16xf32>
        %select_n3A_340 = arith.select %gt3A_338, %select_n3A_337, %select_n3A_291 : vector<16xi1>, vector<16xi32>
        %select_n3A_341 = arith.select %gt3A_338, %select_n3A_290, %select_n3A_336 : vector<16xi1>, vector<16xf32>
        %select_n3A_342 = arith.select %gt3A_338, %select_n3A_291, %select_n3A_337 : vector<16xi1>, vector<16xi32>
        %gt3A_343 = arith.cmpf ogt, %select_n3A_341, %select_n3A_295 : vector<16xf32>
        %select_n3A_344 = arith.select %gt3A_343, %select_n3A_341, %select_n3A_295 : vector<16xi1>, vector<16xf32>
        %select_n3A_345 = arith.select %gt3A_343, %select_n3A_342, %select_n3A_296 : vector<16xi1>, vector<16xi32>
        %select_n3A_346 = arith.select %gt3A_343, %select_n3A_295, %select_n3A_341 : vector<16xi1>, vector<16xf32>
        %select_n3A_347 = arith.select %gt3A_343, %select_n3A_296, %select_n3A_342 : vector<16xi1>, vector<16xi32>
        %gt3A_348 = arith.cmpf ogt, %select_n3A_346, %select_n3A_300 : vector<16xf32>
        %select_n3A_349 = arith.select %gt3A_348, %select_n3A_346, %select_n3A_300 : vector<16xi1>, vector<16xf32>
        %select_n3A_350 = arith.select %gt3A_348, %select_n3A_347, %select_n3A_301 : vector<16xi1>, vector<16xi32>
        %select_n3A_351 = arith.select %gt3A_348, %select_n3A_300, %select_n3A_346 : vector<16xi1>, vector<16xf32>
        %select_n3A_352 = arith.select %gt3A_348, %select_n3A_301, %select_n3A_347 : vector<16xi1>, vector<16xi32>
        %gt3A_353 = arith.cmpf ogt, %select_n3A_351, %select_n3A_305 : vector<16xf32>
        %select_n3A_354 = arith.select %gt3A_353, %select_n3A_351, %select_n3A_305 : vector<16xi1>, vector<16xf32>
        %select_n3A_355 = arith.select %gt3A_353, %select_n3A_352, %select_n3A_306 : vector<16xi1>, vector<16xi32>
        %select_n3A_356 = arith.select %gt3A_353, %select_n3A_305, %select_n3A_351 : vector<16xi1>, vector<16xf32>
        %select_n3A_357 = arith.select %gt3A_353, %select_n3A_306, %select_n3A_352 : vector<16xi1>, vector<16xi32>
        %gt3A_358 = arith.cmpf ogt, %select_n3A_356, %select_n3A_310 : vector<16xf32>
        %select_n3A_359 = arith.select %gt3A_358, %select_n3A_356, %select_n3A_310 : vector<16xi1>, vector<16xf32>
        %select_n3A_360 = arith.select %gt3A_358, %select_n3A_357, %select_n3A_311 : vector<16xi1>, vector<16xi32>
        %add3A_361 = arith.constant 6 : i32
        %add3A_362 = arith.addi %mul3A_69, %add3A_361 : i32
        %get3A_363 = arith.index_cast %add3A_362 : i32 to index
        %get3A_364 = arith.index_cast %mul3A_15 : i32 to index
        %get3A_365 = tpu.vector_load %arg4[%get3A_363, %get3A_364] {strides = array<i32>} : memref<64x128xf32, #tpu.memory_space<vmem>>, vector<16xf32>,
        %broadcast_in_dim3A_366 = arith.constant 0 : i32
        %broadcast_in_dim3A_367 = vector.broadcast %broadcast_in_dim3A_366 : i32 to vector<16xi32>
        %add3A_368 = arith.constant 6 : i32
        %add3A_369 = arith.addi %mul3A_69, %add3A_368 : i32
        %add3A_370 = vector.broadcast %add3A_369 : i32 to vector<16xi32>
        %add3A_371 = arith.addi %broadcast_in_dim3A_367, %add3A_370 : vector<16xi32>
        %gt3A_372 = arith.cmpf ogt, %get3A_365, %select_n3A_324 : vector<16xf32>
        %select_n3A_373 = arith.select %gt3A_372, %get3A_365, %select_n3A_324 : vector<16xi1>, vector<16xf32>
        %select_n3A_374 = arith.select %gt3A_372, %add3A_371, %select_n3A_325 : vector<16xi1>, vector<16xi32>
        %select_n3A_375 = arith.select %gt3A_372, %select_n3A_324, %get3A_365 : vector<16xi1>, vector<16xf32>
        %select_n3A_376 = arith.select %gt3A_372, %select_n3A_325, %add3A_371 : vector<16xi1>, vector<16xi32>
        %gt3A_377 = arith.cmpf ogt, %select_n3A_375, %select_n3A_329 : vector<16xf32>
        %select_n3A_378 = arith.select %gt3A_377, %select_n3A_375, %select_n3A_329 : vector<16xi1>, vector<16xf32>
        %select_n3A_379 = arith.select %gt3A_377, %select_n3A_376, %select_n3A_330 : vector<16xi1>, vector<16xi32>
        %select_n3A_380 = arith.select %gt3A_377, %select_n3A_329, %select_n3A_375 : vector<16xi1>, vector<16xf32>
        %select_n3A_381 = arith.select %gt3A_377, %select_n3A_330, %select_n3A_376 : vector<16xi1>, vector<16xi32>
        %gt3A_382 = arith.cmpf ogt, %select_n3A_380, %select_n3A_334 : vector<16xf32>
        %select_n3A_383 = arith.select %gt3A_382, %select_n3A_380, %select_n3A_334 : vector<16xi1>, vector<16xf32>
        %select_n3A_384 = arith.select %gt3A_382, %select_n3A_381, %select_n3A_335 : vector<16xi1>, vector<16xi32>
        %select_n3A_385 = arith.select %gt3A_382, %select_n3A_334, %select_n3A_380 : vector<16xi1>, vector<16xf32>
        %select_n3A_386 = arith.select %gt3A_382, %select_n3A_335, %select_n3A_381 : vector<16xi1>, vector<16xi32>
        %gt3A_387 = arith.cmpf ogt, %select_n3A_385, %select_n3A_339 : vector<16xf32>
        %select_n3A_388 = arith.select %gt3A_387, %select_n3A_385, %select_n3A_339 : vector<16xi1>, vector<16xf32>
        %select_n3A_389 = arith.select %gt3A_387, %select_n3A_386, %select_n3A_340 : vector<16xi1>, vector<16xi32>
        %select_n3A_390 = arith.select %gt3A_387, %select_n3A_339, %select_n3A_385 : vector<16xi1>, vector<16xf32>
        %select_n3A_391 = arith.select %gt3A_387, %select_n3A_340, %select_n3A_386 : vector<16xi1>, vector<16xi32>
        %gt3A_392 = arith.cmpf ogt, %select_n3A_390, %select_n3A_344 : vector<16xf32>
        %select_n3A_393 = arith.select %gt3A_392, %select_n3A_390, %select_n3A_344 : vector<16xi1>, vector<16xf32>
        %select_n3A_394 = arith.select %gt3A_392, %select_n3A_391, %select_n3A_345 : vector<16xi1>, vector<16xi32>
        %select_n3A_395 = arith.select %gt3A_392, %select_n3A_344, %select_n3A_390 : vector<16xi1>, vector<16xf32>
        %select_n3A_396 = arith.select %gt3A_392, %select_n3A_345, %select_n3A_391 : vector<16xi1>, vector<16xi32>
        %gt3A_397 = arith.cmpf ogt, %select_n3A_395, %select_n3A_349 : vector<16xf32>
        %select_n3A_398 = arith.select %gt3A_397, %select_n3A_395, %select_n3A_349 : vector<16xi1>, vector<16xf32>
        %select_n3A_399 = arith.select %gt3A_397, %select_n3A_396, %select_n3A_350 : vector<16xi1>, vector<16xi32>
        %select_n3A_400 = arith.select %gt3A_397, %select_n3A_349, %select_n3A_395 : vector<16xi1>, vector<16xf32>
        %select_n3A_401 = arith.select %gt3A_397, %select_n3A_350, %select_n3A_396 : vector<16xi1>, vector<16xi32>
        %gt3A_402 = arith.cmpf ogt, %select_n3A_400, %select_n3A_354 : vector<16xf32>
        %select_n3A_403 = arith.select %gt3A_402, %select_n3A_400, %select_n3A_354 : vector<16xi1>, vector<16xf32>
        %select_n3A_404 = arith.select %gt3A_402, %select_n3A_401, %select_n3A_355 : vector<16xi1>, vector<16xi32>
        %select_n3A_405 = arith.select %gt3A_402, %select_n3A_354, %select_n3A_400 : vector<16xi1>, vector<16xf32>
        %select_n3A_406 = arith.select %gt3A_402, %select_n3A_355, %select_n3A_401 : vector<16xi1>, vector<16xi32>
        %gt3A_407 = arith.cmpf ogt, %select_n3A_405, %select_n3A_359 : vector<16xf32>
        %select_n3A_408 = arith.select %gt3A_407, %select_n3A_405, %select_n3A_359 : vector<16xi1>, vector<16xf32>
        %select_n3A_409 = arith.select %gt3A_407, %select_n3A_406, %select_n3A_360 : vector<16xi1>, vector<16xi32>
        %add3A_410 = arith.constant 7 : i32
        %add3A_411 = arith.addi %mul3A_69, %add3A_410 : i32
        %get3A_412 = arith.index_cast %add3A_411 : i32 to index
        %get3A_413 = arith.index_cast %mul3A_15 : i32 to index
        %get3A_414 = tpu.vector_load %arg4[%get3A_412, %get3A_413] {strides = array<i32>} : memref<64x128xf32, #tpu.memory_space<vmem>>, vector<16xf32>,
        %broadcast_in_dim3A_415 = arith.constant 0 : i32
        %broadcast_in_dim3A_416 = vector.broadcast %broadcast_in_dim3A_415 : i32 to vector<16xi32>
        %add3A_417 = arith.constant 7 : i32
        %add3A_418 = arith.addi %mul3A_69, %add3A_417 : i32
        %add3A_419 = vector.broadcast %add3A_418 : i32 to vector<16xi32>
        %add3A_420 = arith.addi %broadcast_in_dim3A_416, %add3A_419 : vector<16xi32>
        %gt3A_421 = arith.cmpf ogt, %get3A_414, %select_n3A_373 : vector<16xf32>
        %select_n3A_422 = arith.select %gt3A_421, %get3A_414, %select_n3A_373 : vector<16xi1>, vector<16xf32>
        %select_n3A_423 = arith.select %gt3A_421, %add3A_420, %select_n3A_374 : vector<16xi1>, vector<16xi32>
        %select_n3A_424 = arith.select %gt3A_421, %select_n3A_373, %get3A_414 : vector<16xi1>, vector<16xf32>
        %select_n3A_425 = arith.select %gt3A_421, %select_n3A_374, %add3A_420 : vector<16xi1>, vector<16xi32>
        %gt3A_426 = arith.cmpf ogt, %select_n3A_424, %select_n3A_378 : vector<16xf32>
        %select_n3A_427 = arith.select %gt3A_426, %select_n3A_424, %select_n3A_378 : vector<16xi1>, vector<16xf32>
        %select_n3A_428 = arith.select %gt3A_426, %select_n3A_425, %select_n3A_379 : vector<16xi1>, vector<16xi32>
        %select_n3A_429 = arith.select %gt3A_426, %select_n3A_378, %select_n3A_424 : vector<16xi1>, vector<16xf32>
        %select_n3A_430 = arith.select %gt3A_426, %select_n3A_379, %select_n3A_425 : vector<16xi1>, vector<16xi32>
        %gt3A_431 = arith.cmpf ogt, %select_n3A_429, %select_n3A_383 : vector<16xf32>
        %select_n3A_432 = arith.select %gt3A_431, %select_n3A_429, %select_n3A_383 : vector<16xi1>, vector<16xf32>
        %select_n3A_433 = arith.select %gt3A_431, %select_n3A_430, %select_n3A_384 : vector<16xi1>, vector<16xi32>
        %select_n3A_434 = arith.select %gt3A_431, %select_n3A_383, %select_n3A_429 : vector<16xi1>, vector<16xf32>
        %select_n3A_435 = arith.select %gt3A_431, %select_n3A_384, %select_n3A_430 : vector<16xi1>, vector<16xi32>
        %gt3A_436 = arith.cmpf ogt, %select_n3A_434, %select_n3A_388 : vector<16xf32>
        %select_n3A_437 = arith.select %gt3A_436, %select_n3A_434, %select_n3A_388 : vector<16xi1>, vector<16xf32>
        %select_n3A_438 = arith.select %gt3A_436, %select_n3A_435, %select_n3A_389 : vector<16xi1>, vector<16xi32>
        %select_n3A_439 = arith.select %gt3A_436, %select_n3A_388, %select_n3A_434 : vector<16xi1>, vector<16xf32>
        %select_n3A_440 = arith.select %gt3A_436, %select_n3A_389, %select_n3A_435 : vector<16xi1>, vector<16xi32>
        %gt3A_441 = arith.cmpf ogt, %select_n3A_439, %select_n3A_393 : vector<16xf32>
        %select_n3A_442 = arith.select %gt3A_441, %select_n3A_439, %select_n3A_393 : vector<16xi1>, vector<16xf32>
        %select_n3A_443 = arith.select %gt3A_441, %select_n3A_440, %select_n3A_394 : vector<16xi1>, vector<16xi32>
        %select_n3A_444 = arith.select %gt3A_441, %select_n3A_393, %select_n3A_439 : vector<16xi1>, vector<16xf32>
        %select_n3A_445 = arith.select %gt3A_441, %select_n3A_394, %select_n3A_440 : vector<16xi1>, vector<16xi32>
        %gt3A_446 = arith.cmpf ogt, %select_n3A_444, %select_n3A_398 : vector<16xf32>
        %select_n3A_447 = arith.select %gt3A_446, %select_n3A_444, %select_n3A_398 : vector<16xi1>, vector<16xf32>
        %select_n3A_448 = arith.select %gt3A_446, %select_n3A_445, %select_n3A_399 : vector<16xi1>, vector<16xi32>
        %select_n3A_449 = arith.select %gt3A_446, %select_n3A_398, %select_n3A_444 : vector<16xi1>, vector<16xf32>
        %select_n3A_450 = arith.select %gt3A_446, %select_n3A_399, %select_n3A_445 : vector<16xi1>, vector<16xi32>
        %gt3A_451 = arith.cmpf ogt, %select_n3A_449, %select_n3A_403 : vector<16xf32>
        %select_n3A_452 = arith.select %gt3A_451, %select_n3A_449, %select_n3A_403 : vector<16xi1>, vector<16xf32>
        %select_n3A_453 = arith.select %gt3A_451, %select_n3A_450, %select_n3A_404 : vector<16xi1>, vector<16xi32>
        %select_n3A_454 = arith.select %gt3A_451, %select_n3A_403, %select_n3A_449 : vector<16xi1>, vector<16xf32>
        %select_n3A_455 = arith.select %gt3A_451, %select_n3A_404, %select_n3A_450 : vector<16xi1>, vector<16xi32>
        %gt3A_456 = arith.cmpf ogt, %select_n3A_454, %select_n3A_408 : vector<16xf32>
        %select_n3A_457 = arith.select %gt3A_456, %select_n3A_454, %select_n3A_408 : vector<16xi1>, vector<16xf32>
        %select_n3A_458 = arith.select %gt3A_456, %select_n3A_455, %select_n3A_409 : vector<16xi1>, vector<16xi32>
        scf.yield %select_n3A_422, %select_n3A_427, %select_n3A_432, %select_n3A_437, %select_n3A_442, %select_n3A_447, %select_n3A_452, %select_n3A_457, %select_n3A_423, %select_n3A_428, %select_n3A_433, %select_n3A_438, %select_n3A_443, %select_n3A_448, %select_n3A_453, %select_n3A_458 : vector<16xf32>, vector<16xf32>, vector<16xf32>, vector<16xf32>, vector<16xf32>, vector<16xf32>, vector<16xf32>, vector<16xf32>, vector<16xi32>, vector<16xi32>, vector<16xi32>, vector<16xi32>, vector<16xi32>, vector<16xi32>, vector<16xi32>, vector<16xi32>
      }
      %scan3A_21 = arith.constant 8 : i32
      %add3A_22 = vector.broadcast %mul3A_15 : i32 to vector<16xi32>
      %add3A_23 = arith.addi %add3A_22, %iota3A : vector<16xi32>
      %mul3A_24 = arith.constant 8 : i32
      %mul3A_25 = vector.broadcast %mul3A_24 : i32 to vector<16xi32>
      %mul3A_26 = arith.muli %add3A_23, %mul3A_25 : vector<16xi32>
      %add3A_27 = arith.constant 0 : i32
      %add3A_28 = vector.broadcast %add3A_27 : i32 to vector<16xi32>
      %add3A_29 = arith.addi %mul3A_26, %add3A_28 : vector<16xi32>
      tpu.vector_store_idx %arg5[%add3A_29], %scan3A_20#8 : memref<1024xi32, #tpu.memory_space<vmem>>[vector<16xi32>], vector<16xi32>,
      %add3A_30 = arith.constant 1 : i32
      %add3A_31 = vector.broadcast %add3A_30 : i32 to vector<16xi32>
      %add3A_32 = arith.addi %mul3A_26, %add3A_31 : vector<16xi32>
      tpu.vector_store_idx %arg5[%add3A_32], %scan3A_20#9 : memref<1024xi32, #tpu.memory_space<vmem>>[vector<16xi32>], vector<16xi32>,
      %add3A_33 = arith.constant 2 : i32
      %add3A_34 = vector.broadcast %add3A_33 : i32 to vector<16xi32>
      %add3A_35 = arith.addi %mul3A_26, %add3A_34 : vector<16xi32>
      tpu.vector_store_idx %arg5[%add3A_35], %scan3A_20#10 : memref<1024xi32, #tpu.memory_space<vmem>>[vector<16xi32>], vector<16xi32>,
      %add3A_36 = arith.constant 3 : i32
      %add3A_37 = vector.broadcast %add3A_36 : i32 to vector<16xi32>
      %add3A_38 = arith.addi %mul3A_26, %add3A_37 : vector<16xi32>
      tpu.vector_store_idx %arg5[%add3A_38], %scan3A_20#11 : memref<1024xi32, #tpu.memory_space<vmem>>[vector<16xi32>], vector<16xi32>,
      %add3A_39 = arith.constant 4 : i32
      %add3A_40 = vector.broadcast %add3A_39 : i32 to vector<16xi32>
      %add3A_41 = arith.addi %mul3A_26, %add3A_40 : vector<16xi32>
      tpu.vector_store_idx %arg5[%add3A_41], %scan3A_20#12 : memref<1024xi32, #tpu.memory_space<vmem>>[vector<16xi32>], vector<16xi32>,
      %add3A_42 = arith.constant 5 : i32
      %add3A_43 = vector.broadcast %add3A_42 : i32 to vector<16xi32>
      %add3A_44 = arith.addi %mul3A_26, %add3A_43 : vector<16xi32>
      tpu.vector_store_idx %arg5[%add3A_44], %scan3A_20#13 : memref<1024xi32, #tpu.memory_space<vmem>>[vector<16xi32>], vector<16xi32>,
      %add3A_45 = arith.constant 6 : i32
      %add3A_46 = vector.broadcast %add3A_45 : i32 to vector<16xi32>
      %add3A_47 = arith.addi %mul3A_26, %add3A_46 : vector<16xi32>
      tpu.vector_store_idx %arg5[%add3A_47], %scan3A_20#14 : memref<1024xi32, #tpu.memory_space<vmem>>[vector<16xi32>], vector<16xi32>,
      %add3A_48 = arith.constant 7 : i32
      %add3A_49 = vector.broadcast %add3A_48 : i32 to vector<16xi32>
      %add3A_50 = arith.addi %mul3A_26, %add3A_49 : vector<16xi32>
      tpu.vector_store_idx %arg5[%add3A_50], %scan3A_20#15 : memref<1024xi32, #tpu.memory_space<vmem>>[vector<16xi32>], vector<16xi32>,
    }
    %scan3A_10 = arith.constant 8 : i32
    %mul3A_11 = arith.constant 8 : i32
    %mul3A_12 = arith.muli %mul3A_2, %mul3A_11 : i32
    "tpu.region"() ({
      %run_scoped3A = tpu.sem_alloc : memref<!tpu.dma_semaphore, #tpu.memory_space<semaphore_mem>>
      %dma_start3A = tpu.memref_slice %arg3[%mul3A_12] : memref<32768xi32, #tpu.memory_space<hbm>> -> memref<1024xi32, #tpu.memory_space<hbm>>
      %dma_start3A_13 = tpu.memref_slice %arg3[%mul3A_12] : memref<32768xi32, #tpu.memory_space<hbm>> -> memref<1024xi32, #tpu.memory_space<hbm>>
      tpu.enqueue_dma source(%arg5 : memref<1024xi32, #tpu.memory_space<vmem>>) target(%dma_start3A_13 : memref<1024xi32, #tpu.memory_space<hbm>>) target_semaphore(%run_scoped3A : memref<!tpu.dma_semaphore, #tpu.memory_space<semaphore_mem>>)
      %dma_wait3A = tpu.memref_slice %arg3[%mul3A_12] : memref<32768xi32, #tpu.memory_space<hbm>> -> memref<1024xi32, #tpu.memory_space<hbm>>
      %dma_wait3A_14 = tpu.memref_slice %arg3[%mul3A_12] : memref<32768xi32, #tpu.memory_space<hbm>> -> memref<1024xi32, #tpu.memory_space<hbm>>
      tpu.wait_dma2 semaphore(%run_scoped3A : memref<!tpu.dma_semaphore, #tpu.memory_space<semaphore_mem>>) src(%arg5 : memref<1024xi32, #tpu.memory_space<vmem>>) dst(%dma_wait3A_14 : memref<1024xi32, #tpu.memory_space<hbm>>)
      tpu.yield
    }) : () -> ()
    return
  }
}

#map = affine_map<(d0, d1) -> (0, 0)>
#map1 = affine_map<(d0, d1) -> (0)>
module attributes {stable_mosaic.version = 14 : i64} {
  func.func @_sc_topk_body(%arg0: i32, %arg1: i32, %arg2: memref<64x4096xf32, #tpu.memory_space<hbm>>, %arg3: memref<32768xi32, #tpu.memory_space<hbm>>, %arg4: memref<64x128xf32, #tpu.memory_space<vmem>>, %arg5: memref<1024xi32, #tpu.memory_space<vmem>>) attributes {dimension_semantics = [#tpu.dimension_semantics<core_parallel>, #tpu.dimension_semantics<subcore_parallel>], iteration_bounds = array<i64: 2, 16>, scalar_prefetch = 0 : i64, scratch_operands = 2 : i64, tpu.core_type = #tpu.core_type<sc_vector_subcore>, window_params = [{transform_indices = #map}, {transform_indices = #map1}]} {
    %mul3A = arith.constant 2 : i32
    %mul3A_0 = arith.muli %arg1, %mul3A : i32
    %add3A = arith.addi %mul3A_0, %arg0 : i32
    %mul3A_1 = arith.constant 128 : i32
    %mul3A_2 = arith.muli %add3A, %mul3A_1 : i32
    "tpu.region"() ({
      %run_scoped3A = tpu.sem_alloc : memref<!tpu.dma_semaphore, #tpu.memory_space<semaphore_mem>>
      %dma_start3A = arith.constant 0 : i32
      %dma_start3A_13 = tpu.memref_slice %arg2[%dma_start3A, %mul3A_2] : memref<64x4096xf32, #tpu.memory_space<hbm>> -> memref<64x128xf32, #tpu.memory_space<hbm>>
      %dma_start3A_14 = arith.constant 0 : i32
      %dma_start3A_15 = tpu.memref_slice %arg2[%dma_start3A_14, %mul3A_2] : memref<64x4096xf32, #tpu.memory_space<hbm>> -> memref<64x128xf32, #tpu.memory_space<hbm>>
      tpu.enqueue_dma source(%dma_start3A_15 : memref<64x128xf32, #tpu.memory_space<hbm>>) target(%arg4 : memref<64x128xf32, #tpu.memory_space<vmem>>) target_semaphore(%run_scoped3A : memref<!tpu.dma_semaphore, #tpu.memory_space<semaphore_mem>>)
      %dma_wait3A = arith.constant 0 : i32
      %dma_wait3A_16 = tpu.memref_slice %arg2[%dma_wait3A, %mul3A_2] : memref<64x4096xf32, #tpu.memory_space<hbm>> -> memref<64x128xf32, #tpu.memory_space<hbm>>
      %dma_wait3A_17 = arith.constant 0 : i32
      %dma_wait3A_18 = tpu.memref_slice %arg2[%dma_wait3A_17, %mul3A_2] : memref<64x4096xf32, #tpu.memory_space<hbm>> -> memref<64x128xf32, #tpu.memory_space<hbm>>
      tpu.wait_dma2 semaphore(%run_scoped3A : memref<!tpu.dma_semaphore, #tpu.memory_space<semaphore_mem>>) src(%dma_wait3A_18 : memref<64x128xf32, #tpu.memory_space<hbm>>) dst(%arg4 : memref<64x128xf32, #tpu.memory_space<vmem>>)
      tpu.yield
    }) : () -> ()
    %iota3A = tpu.iota {dimensions = array<i32: 0>} : vector<16xi32>
    %broadcast_in_dim3A = arith.constant 0xFF800000 : f32
    %broadcast_in_dim3A_3 = vector.broadcast %broadcast_in_dim3A : f32 to vector<16xf32>
    %broadcast_in_dim3A_4 = arith.constant 0 : i32
    %broadcast_in_dim3A_5 = vector.broadcast %broadcast_in_dim3A_4 : i32 to vector<16xi32>
    %scan3A = arith.constant 0 : i32
    %scan3A_6 = arith.constant 0 : i32
    %scan3A_7 = arith.constant 8 : i32
    %scan3A_8 = arith.addi %scan3A_6, %scan3A_7 : i32
    %scan3A_9 = arith.constant 1 : i32
    scf.for %scan3A_13 = %scan3A_6 to %scan3A_8 step %scan3A_9  : i32 {
      %mul3A_14 = arith.constant 16 : i32
      %mul3A_15 = arith.muli %scan3A_13, %mul3A_14 : i32
      %scan3A_16 = arith.constant 0 : i32
      %scan3A_17 = arith.constant 8 : i32
      %scan3A_18 = arith.addi %scan3A_16, %scan3A_17 : i32
      %scan3A_19 = arith.constant 1 : i32
      %scan3A_20:16 = scf.for %scan3A_51 = %scan3A_16 to %scan3A_18 step %scan3A_19 iter_args(%scan3A_52 = %broadcast_in_dim3A_3, %scan3A_53 = %broadcast_in_dim3A_3, %scan3A_54 = %broadcast_in_dim3A_3, %scan3A_55 = %broadcast_in_dim3A_3, %scan3A_56 = %broadcast_in_dim3A_3, %scan3A_57 = %broadcast_in_dim3A_3, %scan3A_58 = %broadcast_in_dim3A_3, %scan3A_59 = %broadcast_in_dim3A_3, %scan3A_60 = %broadcast_in_dim3A_5, %scan3A_61 = %broadcast_in_dim3A_5, %scan3A_62 = %broadcast_in_dim3A_5, %scan3A_63 = %broadcast_in_dim3A_5, %scan3A_64 = %broadcast_in_dim3A_5, %scan3A_65 = %broadcast_in_dim3A_5, %scan3A_66 = %broadcast_in_dim3A_5, %scan3A_67 = %broadcast_in_dim3A_5) -> (vector<16xf32>, vector<16xf32>, vector<16xf32>, vector<16xf32>, vector<16xf32>, vector<16xf32>, vector<16xf32>, vector<16xf32>, vector<16xi32>, vector<16xi32>, vector<16xi32>, vector<16xi32>, vector<16xi32>, vector<16xi32>, vector<16xi32>, vector<16xi32>)  : i32 {
        %mul3A_68 = arith.constant 8 : i32
        %mul3A_69 = arith.muli %scan3A_51, %mul3A_68 : i32
        %add3A_70 = arith.constant 0 : i32
        %add3A_71 = arith.addi %mul3A_69, %add3A_70 : i32
        %get3A = arith.index_cast %add3A_71 : i32 to index
        %get3A_72 = arith.index_cast %mul3A_15 : i32 to index
        %get3A_73 = tpu.vector_load %arg4[%get3A, %get3A_72] {strides = array<i32>} : memref<64x128xf32, #tpu.memory_space<vmem>>, vector<16xf32>,
        %broadcast_in_dim3A_74 = arith.constant 0 : i32
        %broadcast_in_dim3A_75 = vector.broadcast %broadcast_in_dim3A_74 : i32 to vector<16xi32>
        %add3A_76 = arith.constant 0 : i32
        %add3A_77 = arith.addi %mul3A_69, %add3A_76 : i32
        %add3A_78 = vector.broadcast %add3A_77 : i32 to vector<16xi32>
        %add3A_79 = arith.addi %broadcast_in_dim3A_75, %add3A_78 : vector<16xi32>
        %gt3A = arith.cmpf ogt, %get3A_73, %scan3A_52 : vector<16xf32>
        %select_n3A = arith.select %gt3A, %get3A_73, %scan3A_52 : vector<16xi1>, vector<16xf32>
        %select_n3A_80 = arith.select %gt3A, %add3A_79, %scan3A_60 : vector<16xi1>, vector<16xi32>
        %select_n3A_81 = arith.select %gt3A, %scan3A_52, %get3A_73 : vector<16xi1>, vector<16xf32>
        %select_n3A_82 = arith.select %gt3A, %scan3A_60, %add3A_79 : vector<16xi1>, vector<16xi32>
        %gt3A_83 = arith.cmpf ogt, %select_n3A_81, %scan3A_53 : vector<16xf32>
        %select_n3A_84 = arith.select %gt3A_83, %select_n3A_81, %scan3A_53 : vector<16xi1>, vector<16xf32>
        %select_n3A_85 = arith.select %gt3A_83, %select_n3A_82, %scan3A_61 : vector<16xi1>, vector<16xi32>
        %select_n3A_86 = arith.select %gt3A_83, %scan3A_53, %select_n3A_81 : vector<16xi1>, vector<16xf32>
        %select_n3A_87 = arith.select %gt3A_83, %scan3A_61, %select_n3A_82 : vector<16xi1>, vector<16xi32>
        %gt3A_88 = arith.cmpf ogt, %select_n3A_86, %scan3A_54 : vector<16xf32>
        %select_n3A_89 = arith.select %gt3A_88, %select_n3A_86, %scan3A_54 : vector<16xi1>, vector<16xf32>
        %select_n3A_90 = arith.select %gt3A_88, %select_n3A_87, %scan3A_62 : vector<16xi1>, vector<16xi32>
        %select_n3A_91 = arith.select %gt3A_88, %scan3A_54, %select_n3A_86 : vector<16xi1>, vector<16xf32>
        %select_n3A_92 = arith.select %gt3A_88, %scan3A_62, %select_n3A_87 : vector<16xi1>, vector<16xi32>
        %gt3A_93 = arith.cmpf ogt, %select_n3A_91, %scan3A_55 : vector<16xf32>
        %select_n3A_94 = arith.select %gt3A_93, %select_n3A_91, %scan3A_55 : vector<16xi1>, vector<16xf32>
        %select_n3A_95 = arith.select %gt3A_93, %select_n3A_92, %scan3A_63 : vector<16xi1>, vector<16xi32>
        %select_n3A_96 = arith.select %gt3A_93, %scan3A_55, %select_n3A_91 : vector<16xi1>, vector<16xf32>
        %select_n3A_97 = arith.select %gt3A_93, %scan3A_63, %select_n3A_92 : vector<16xi1>, vector<16xi32>
        %gt3A_98 = arith.cmpf ogt, %select_n3A_96, %scan3A_56 : vector<16xf32>
        %select_n3A_99 = arith.select %gt3A_98, %select_n3A_96, %scan3A_56 : vector<16xi1>, vector<16xf32>
        %select_n3A_100 = arith.select %gt3A_98, %select_n3A_97, %scan3A_64 : vector<16xi1>, vector<16xi32>
        %select_n3A_101 = arith.select %gt3A_98, %scan3A_56, %select_n3A_96 : vector<16xi1>, vector<16xf32>
        %select_n3A_102 = arith.select %gt3A_98, %scan3A_64, %select_n3A_97 : vector<16xi1>, vector<16xi32>
        %gt3A_103 = arith.cmpf ogt, %select_n3A_101, %scan3A_57 : vector<16xf32>
        %select_n3A_104 = arith.select %gt3A_103, %select_n3A_101, %scan3A_57 : vector<16xi1>, vector<16xf32>
        %select_n3A_105 = arith.select %gt3A_103, %select_n3A_102, %scan3A_65 : vector<16xi1>, vector<16xi32>
        %select_n3A_106 = arith.select %gt3A_103, %scan3A_57, %select_n3A_101 : vector<16xi1>, vector<16xf32>
        %select_n3A_107 = arith.select %gt3A_103, %scan3A_65, %select_n3A_102 : vector<16xi1>, vector<16xi32>
        %gt3A_108 = arith.cmpf ogt, %select_n3A_106, %scan3A_58 : vector<16xf32>
        %select_n3A_109 = arith.select %gt3A_108, %select_n3A_106, %scan3A_58 : vector<16xi1>, vector<16xf32>
        %select_n3A_110 = arith.select %gt3A_108, %select_n3A_107, %scan3A_66 : vector<16xi1>, vector<16xi32>
        %select_n3A_111 = arith.select %gt3A_108, %scan3A_58, %select_n3A_106 : vector<16xi1>, vector<16xf32>
        %select_n3A_112 = arith.select %gt3A_108, %scan3A_66, %select_n3A_107 : vector<16xi1>, vector<16xi32>
        %gt3A_113 = arith.cmpf ogt, %select_n3A_111, %scan3A_59 : vector<16xf32>
        %select_n3A_114 = arith.select %gt3A_113, %select_n3A_111, %scan3A_59 : vector<16xi1>, vector<16xf32>
        %select_n3A_115 = arith.select %gt3A_113, %select_n3A_112, %scan3A_67 : vector<16xi1>, vector<16xi32>
        %add3A_116 = arith.constant 1 : i32
        %add3A_117 = arith.addi %mul3A_69, %add3A_116 : i32
        %get3A_118 = arith.index_cast %add3A_117 : i32 to index
        %get3A_119 = arith.index_cast %mul3A_15 : i32 to index
        %get3A_120 = tpu.vector_load %arg4[%get3A_118, %get3A_119] {strides = array<i32>} : memref<64x128xf32, #tpu.memory_space<vmem>>, vector<16xf32>,
        %broadcast_in_dim3A_121 = arith.constant 0 : i32
        %broadcast_in_dim3A_122 = vector.broadcast %broadcast_in_dim3A_121 : i32 to vector<16xi32>
        %add3A_123 = arith.constant 1 : i32
        %add3A_124 = arith.addi %mul3A_69, %add3A_123 : i32
        %add3A_125 = vector.broadcast %add3A_124 : i32 to vector<16xi32>
        %add3A_126 = arith.addi %broadcast_in_dim3A_122, %add3A_125 : vector<16xi32>
        %gt3A_127 = arith.cmpf ogt, %get3A_120, %select_n3A : vector<16xf32>
        %select_n3A_128 = arith.select %gt3A_127, %get3A_120, %select_n3A : vector<16xi1>, vector<16xf32>
        %select_n3A_129 = arith.select %gt3A_127, %add3A_126, %select_n3A_80 : vector<16xi1>, vector<16xi32>
        %select_n3A_130 = arith.select %gt3A_127, %select_n3A, %get3A_120 : vector<16xi1>, vector<16xf32>
        %select_n3A_131 = arith.select %gt3A_127, %select_n3A_80, %add3A_126 : vector<16xi1>, vector<16xi32>
        %gt3A_132 = arith.cmpf ogt, %select_n3A_130, %select_n3A_84 : vector<16xf32>
        %select_n3A_133 = arith.select %gt3A_132, %select_n3A_130, %select_n3A_84 : vector<16xi1>, vector<16xf32>
        %select_n3A_134 = arith.select %gt3A_132, %select_n3A_131, %select_n3A_85 : vector<16xi1>, vector<16xi32>
        %select_n3A_135 = arith.select %gt3A_132, %select_n3A_84, %select_n3A_130 : vector<16xi1>, vector<16xf32>
        %select_n3A_136 = arith.select %gt3A_132, %select_n3A_85, %select_n3A_131 : vector<16xi1>, vector<16xi32>
        %gt3A_137 = arith.cmpf ogt, %select_n3A_135, %select_n3A_89 : vector<16xf32>
        %select_n3A_138 = arith.select %gt3A_137, %select_n3A_135, %select_n3A_89 : vector<16xi1>, vector<16xf32>
        %select_n3A_139 = arith.select %gt3A_137, %select_n3A_136, %select_n3A_90 : vector<16xi1>, vector<16xi32>
        %select_n3A_140 = arith.select %gt3A_137, %select_n3A_89, %select_n3A_135 : vector<16xi1>, vector<16xf32>
        %select_n3A_141 = arith.select %gt3A_137, %select_n3A_90, %select_n3A_136 : vector<16xi1>, vector<16xi32>
        %gt3A_142 = arith.cmpf ogt, %select_n3A_140, %select_n3A_94 : vector<16xf32>
        %select_n3A_143 = arith.select %gt3A_142, %select_n3A_140, %select_n3A_94 : vector<16xi1>, vector<16xf32>
        %select_n3A_144 = arith.select %gt3A_142, %select_n3A_141, %select_n3A_95 : vector<16xi1>, vector<16xi32>
        %select_n3A_145 = arith.select %gt3A_142, %select_n3A_94, %select_n3A_140 : vector<16xi1>, vector<16xf32>
        %select_n3A_146 = arith.select %gt3A_142, %select_n3A_95, %select_n3A_141 : vector<16xi1>, vector<16xi32>
        %gt3A_147 = arith.cmpf ogt, %select_n3A_145, %select_n3A_99 : vector<16xf32>
        %select_n3A_148 = arith.select %gt3A_147, %select_n3A_145, %select_n3A_99 : vector<16xi1>, vector<16xf32>
        %select_n3A_149 = arith.select %gt3A_147, %select_n3A_146, %select_n3A_100 : vector<16xi1>, vector<16xi32>
        %select_n3A_150 = arith.select %gt3A_147, %select_n3A_99, %select_n3A_145 : vector<16xi1>, vector<16xf32>
        %select_n3A_151 = arith.select %gt3A_147, %select_n3A_100, %select_n3A_146 : vector<16xi1>, vector<16xi32>
        %gt3A_152 = arith.cmpf ogt, %select_n3A_150, %select_n3A_104 : vector<16xf32>
        %select_n3A_153 = arith.select %gt3A_152, %select_n3A_150, %select_n3A_104 : vector<16xi1>, vector<16xf32>
        %select_n3A_154 = arith.select %gt3A_152, %select_n3A_151, %select_n3A_105 : vector<16xi1>, vector<16xi32>
        %select_n3A_155 = arith.select %gt3A_152, %select_n3A_104, %select_n3A_150 : vector<16xi1>, vector<16xf32>
        %select_n3A_156 = arith.select %gt3A_152, %select_n3A_105, %select_n3A_151 : vector<16xi1>, vector<16xi32>
        %gt3A_157 = arith.cmpf ogt, %select_n3A_155, %select_n3A_109 : vector<16xf32>
        %select_n3A_158 = arith.select %gt3A_157, %select_n3A_155, %select_n3A_109 : vector<16xi1>, vector<16xf32>
        %select_n3A_159 = arith.select %gt3A_157, %select_n3A_156, %select_n3A_110 : vector<16xi1>, vector<16xi32>
        %select_n3A_160 = arith.select %gt3A_157, %select_n3A_109, %select_n3A_155 : vector<16xi1>, vector<16xf32>
        %select_n3A_161 = arith.select %gt3A_157, %select_n3A_110, %select_n3A_156 : vector<16xi1>, vector<16xi32>
        %gt3A_162 = arith.cmpf ogt, %select_n3A_160, %select_n3A_114 : vector<16xf32>
        %select_n3A_163 = arith.select %gt3A_162, %select_n3A_160, %select_n3A_114 : vector<16xi1>, vector<16xf32>
        %select_n3A_164 = arith.select %gt3A_162, %select_n3A_161, %select_n3A_115 : vector<16xi1>, vector<16xi32>
        %add3A_165 = arith.constant 2 : i32
        %add3A_166 = arith.addi %mul3A_69, %add3A_165 : i32
        %get3A_167 = arith.index_cast %add3A_166 : i32 to index
        %get3A_168 = arith.index_cast %mul3A_15 : i32 to index
        %get3A_169 = tpu.vector_load %arg4[%get3A_167, %get3A_168] {strides = array<i32>} : memref<64x128xf32, #tpu.memory_space<vmem>>, vector<16xf32>,
        %broadcast_in_dim3A_170 = arith.constant 0 : i32
        %broadcast_in_dim3A_171 = vector.broadcast %broadcast_in_dim3A_170 : i32 to vector<16xi32>
        %add3A_172 = arith.constant 2 : i32
        %add3A_173 = arith.addi %mul3A_69, %add3A_172 : i32
        %add3A_174 = vector.broadcast %add3A_173 : i32 to vector<16xi32>
        %add3A_175 = arith.addi %broadcast_in_dim3A_171, %add3A_174 : vector<16xi32>
        %gt3A_176 = arith.cmpf ogt, %get3A_169, %select_n3A_128 : vector<16xf32>
        %select_n3A_177 = arith.select %gt3A_176, %get3A_169, %select_n3A_128 : vector<16xi1>, vector<16xf32>
        %select_n3A_178 = arith.select %gt3A_176, %add3A_175, %select_n3A_129 : vector<16xi1>, vector<16xi32>
        %select_n3A_179 = arith.select %gt3A_176, %select_n3A_128, %get3A_169 : vector<16xi1>, vector<16xf32>
        %select_n3A_180 = arith.select %gt3A_176, %select_n3A_129, %add3A_175 : vector<16xi1>, vector<16xi32>
        %gt3A_181 = arith.cmpf ogt, %select_n3A_179, %select_n3A_133 : vector<16xf32>
        %select_n3A_182 = arith.select %gt3A_181, %select_n3A_179, %select_n3A_133 : vector<16xi1>, vector<16xf32>
        %select_n3A_183 = arith.select %gt3A_181, %select_n3A_180, %select_n3A_134 : vector<16xi1>, vector<16xi32>
        %select_n3A_184 = arith.select %gt3A_181, %select_n3A_133, %select_n3A_179 : vector<16xi1>, vector<16xf32>
        %select_n3A_185 = arith.select %gt3A_181, %select_n3A_134, %select_n3A_180 : vector<16xi1>, vector<16xi32>
        %gt3A_186 = arith.cmpf ogt, %select_n3A_184, %select_n3A_138 : vector<16xf32>
        %select_n3A_187 = arith.select %gt3A_186, %select_n3A_184, %select_n3A_138 : vector<16xi1>, vector<16xf32>
        %select_n3A_188 = arith.select %gt3A_186, %select_n3A_185, %select_n3A_139 : vector<16xi1>, vector<16xi32>
        %select_n3A_189 = arith.select %gt3A_186, %select_n3A_138, %select_n3A_184 : vector<16xi1>, vector<16xf32>
        %select_n3A_190 = arith.select %gt3A_186, %select_n3A_139, %select_n3A_185 : vector<16xi1>, vector<16xi32>
        %gt3A_191 = arith.cmpf ogt, %select_n3A_189, %select_n3A_143 : vector<16xf32>
        %select_n3A_192 = arith.select %gt3A_191, %select_n3A_189, %select_n3A_143 : vector<16xi1>, vector<16xf32>
        %select_n3A_193 = arith.select %gt3A_191, %select_n3A_190, %select_n3A_144 : vector<16xi1>, vector<16xi32>
        %select_n3A_194 = arith.select %gt3A_191, %select_n3A_143, %select_n3A_189 : vector<16xi1>, vector<16xf32>
        %select_n3A_195 = arith.select %gt3A_191, %select_n3A_144, %select_n3A_190 : vector<16xi1>, vector<16xi32>
        %gt3A_196 = arith.cmpf ogt, %select_n3A_194, %select_n3A_148 : vector<16xf32>
        %select_n3A_197 = arith.select %gt3A_196, %select_n3A_194, %select_n3A_148 : vector<16xi1>, vector<16xf32>
        %select_n3A_198 = arith.select %gt3A_196, %select_n3A_195, %select_n3A_149 : vector<16xi1>, vector<16xi32>
        %select_n3A_199 = arith.select %gt3A_196, %select_n3A_148, %select_n3A_194 : vector<16xi1>, vector<16xf32>
        %select_n3A_200 = arith.select %gt3A_196, %select_n3A_149, %select_n3A_195 : vector<16xi1>, vector<16xi32>
        %gt3A_201 = arith.cmpf ogt, %select_n3A_199, %select_n3A_153 : vector<16xf32>
        %select_n3A_202 = arith.select %gt3A_201, %select_n3A_199, %select_n3A_153 : vector<16xi1>, vector<16xf32>
        %select_n3A_203 = arith.select %gt3A_201, %select_n3A_200, %select_n3A_154 : vector<16xi1>, vector<16xi32>
        %select_n3A_204 = arith.select %gt3A_201, %select_n3A_153, %select_n3A_199 : vector<16xi1>, vector<16xf32>
        %select_n3A_205 = arith.select %gt3A_201, %select_n3A_154, %select_n3A_200 : vector<16xi1>, vector<16xi32>
        %gt3A_206 = arith.cmpf ogt, %select_n3A_204, %select_n3A_158 : vector<16xf32>
        %select_n3A_207 = arith.select %gt3A_206, %select_n3A_204, %select_n3A_158 : vector<16xi1>, vector<16xf32>
        %select_n3A_208 = arith.select %gt3A_206, %select_n3A_205, %select_n3A_159 : vector<16xi1>, vector<16xi32>
        %select_n3A_209 = arith.select %gt3A_206, %select_n3A_158, %select_n3A_204 : vector<16xi1>, vector<16xf32>
        %select_n3A_210 = arith.select %gt3A_206, %select_n3A_159, %select_n3A_205 : vector<16xi1>, vector<16xi32>
        %gt3A_211 = arith.cmpf ogt, %select_n3A_209, %select_n3A_163 : vector<16xf32>
        %select_n3A_212 = arith.select %gt3A_211, %select_n3A_209, %select_n3A_163 : vector<16xi1>, vector<16xf32>
        %select_n3A_213 = arith.select %gt3A_211, %select_n3A_210, %select_n3A_164 : vector<16xi1>, vector<16xi32>
        %add3A_214 = arith.constant 3 : i32
        %add3A_215 = arith.addi %mul3A_69, %add3A_214 : i32
        %get3A_216 = arith.index_cast %add3A_215 : i32 to index
        %get3A_217 = arith.index_cast %mul3A_15 : i32 to index
        %get3A_218 = tpu.vector_load %arg4[%get3A_216, %get3A_217] {strides = array<i32>} : memref<64x128xf32, #tpu.memory_space<vmem>>, vector<16xf32>,
        %broadcast_in_dim3A_219 = arith.constant 0 : i32
        %broadcast_in_dim3A_220 = vector.broadcast %broadcast_in_dim3A_219 : i32 to vector<16xi32>
        %add3A_221 = arith.constant 3 : i32
        %add3A_222 = arith.addi %mul3A_69, %add3A_221 : i32
        %add3A_223 = vector.broadcast %add3A_222 : i32 to vector<16xi32>
        %add3A_224 = arith.addi %broadcast_in_dim3A_220, %add3A_223 : vector<16xi32>
        %gt3A_225 = arith.cmpf ogt, %get3A_218, %select_n3A_177 : vector<16xf32>
        %select_n3A_226 = arith.select %gt3A_225, %get3A_218, %select_n3A_177 : vector<16xi1>, vector<16xf32>
        %select_n3A_227 = arith.select %gt3A_225, %add3A_224, %select_n3A_178 : vector<16xi1>, vector<16xi32>
        %select_n3A_228 = arith.select %gt3A_225, %select_n3A_177, %get3A_218 : vector<16xi1>, vector<16xf32>
        %select_n3A_229 = arith.select %gt3A_225, %select_n3A_178, %add3A_224 : vector<16xi1>, vector<16xi32>
        %gt3A_230 = arith.cmpf ogt, %select_n3A_228, %select_n3A_182 : vector<16xf32>
        %select_n3A_231 = arith.select %gt3A_230, %select_n3A_228, %select_n3A_182 : vector<16xi1>, vector<16xf32>
        %select_n3A_232 = arith.select %gt3A_230, %select_n3A_229, %select_n3A_183 : vector<16xi1>, vector<16xi32>
        %select_n3A_233 = arith.select %gt3A_230, %select_n3A_182, %select_n3A_228 : vector<16xi1>, vector<16xf32>
        %select_n3A_234 = arith.select %gt3A_230, %select_n3A_183, %select_n3A_229 : vector<16xi1>, vector<16xi32>
        %gt3A_235 = arith.cmpf ogt, %select_n3A_233, %select_n3A_187 : vector<16xf32>
        %select_n3A_236 = arith.select %gt3A_235, %select_n3A_233, %select_n3A_187 : vector<16xi1>, vector<16xf32>
        %select_n3A_237 = arith.select %gt3A_235, %select_n3A_234, %select_n3A_188 : vector<16xi1>, vector<16xi32>
        %select_n3A_238 = arith.select %gt3A_235, %select_n3A_187, %select_n3A_233 : vector<16xi1>, vector<16xf32>
        %select_n3A_239 = arith.select %gt3A_235, %select_n3A_188, %select_n3A_234 : vector<16xi1>, vector<16xi32>
        %gt3A_240 = arith.cmpf ogt, %select_n3A_238, %select_n3A_192 : vector<16xf32>
        %select_n3A_241 = arith.select %gt3A_240, %select_n3A_238, %select_n3A_192 : vector<16xi1>, vector<16xf32>
        %select_n3A_242 = arith.select %gt3A_240, %select_n3A_239, %select_n3A_193 : vector<16xi1>, vector<16xi32>
        %select_n3A_243 = arith.select %gt3A_240, %select_n3A_192, %select_n3A_238 : vector<16xi1>, vector<16xf32>
        %select_n3A_244 = arith.select %gt3A_240, %select_n3A_193, %select_n3A_239 : vector<16xi1>, vector<16xi32>
        %gt3A_245 = arith.cmpf ogt, %select_n3A_243, %select_n3A_197 : vector<16xf32>
        %select_n3A_246 = arith.select %gt3A_245, %select_n3A_243, %select_n3A_197 : vector<16xi1>, vector<16xf32>
        %select_n3A_247 = arith.select %gt3A_245, %select_n3A_244, %select_n3A_198 : vector<16xi1>, vector<16xi32>
        %select_n3A_248 = arith.select %gt3A_245, %select_n3A_197, %select_n3A_243 : vector<16xi1>, vector<16xf32>
        %select_n3A_249 = arith.select %gt3A_245, %select_n3A_198, %select_n3A_244 : vector<16xi1>, vector<16xi32>
        %gt3A_250 = arith.cmpf ogt, %select_n3A_248, %select_n3A_202 : vector<16xf32>
        %select_n3A_251 = arith.select %gt3A_250, %select_n3A_248, %select_n3A_202 : vector<16xi1>, vector<16xf32>
        %select_n3A_252 = arith.select %gt3A_250, %select_n3A_249, %select_n3A_203 : vector<16xi1>, vector<16xi32>
        %select_n3A_253 = arith.select %gt3A_250, %select_n3A_202, %select_n3A_248 : vector<16xi1>, vector<16xf32>
        %select_n3A_254 = arith.select %gt3A_250, %select_n3A_203, %select_n3A_249 : vector<16xi1>, vector<16xi32>
        %gt3A_255 = arith.cmpf ogt, %select_n3A_253, %select_n3A_207 : vector<16xf32>
        %select_n3A_256 = arith.select %gt3A_255, %select_n3A_253, %select_n3A_207 : vector<16xi1>, vector<16xf32>
        %select_n3A_257 = arith.select %gt3A_255, %select_n3A_254, %select_n3A_208 : vector<16xi1>, vector<16xi32>
        %select_n3A_258 = arith.select %gt3A_255, %select_n3A_207, %select_n3A_253 : vector<16xi1>, vector<16xf32>
        %select_n3A_259 = arith.select %gt3A_255, %select_n3A_208, %select_n3A_254 : vector<16xi1>, vector<16xi32>
        %gt3A_260 = arith.cmpf ogt, %select_n3A_258, %select_n3A_212 : vector<16xf32>
        %select_n3A_261 = arith.select %gt3A_260, %select_n3A_258, %select_n3A_212 : vector<16xi1>, vector<16xf32>
        %select_n3A_262 = arith.select %gt3A_260, %select_n3A_259, %select_n3A_213 : vector<16xi1>, vector<16xi32>
        %add3A_263 = arith.constant 4 : i32
        %add3A_264 = arith.addi %mul3A_69, %add3A_263 : i32
        %get3A_265 = arith.index_cast %add3A_264 : i32 to index
        %get3A_266 = arith.index_cast %mul3A_15 : i32 to index
        %get3A_267 = tpu.vector_load %arg4[%get3A_265, %get3A_266] {strides = array<i32>} : memref<64x128xf32, #tpu.memory_space<vmem>>, vector<16xf32>,
        %broadcast_in_dim3A_268 = arith.constant 0 : i32
        %broadcast_in_dim3A_269 = vector.broadcast %broadcast_in_dim3A_268 : i32 to vector<16xi32>
        %add3A_270 = arith.constant 4 : i32
        %add3A_271 = arith.addi %mul3A_69, %add3A_270 : i32
        %add3A_272 = vector.broadcast %add3A_271 : i32 to vector<16xi32>
        %add3A_273 = arith.addi %broadcast_in_dim3A_269, %add3A_272 : vector<16xi32>
        %gt3A_274 = arith.cmpf ogt, %get3A_267, %select_n3A_226 : vector<16xf32>
        %select_n3A_275 = arith.select %gt3A_274, %get3A_267, %select_n3A_226 : vector<16xi1>, vector<16xf32>
        %select_n3A_276 = arith.select %gt3A_274, %add3A_273, %select_n3A_227 : vector<16xi1>, vector<16xi32>
        %select_n3A_277 = arith.select %gt3A_274, %select_n3A_226, %get3A_267 : vector<16xi1>, vector<16xf32>
        %select_n3A_278 = arith.select %gt3A_274, %select_n3A_227, %add3A_273 : vector<16xi1>, vector<16xi32>
        %gt3A_279 = arith.cmpf ogt, %select_n3A_277, %select_n3A_231 : vector<16xf32>
        %select_n3A_280 = arith.select %gt3A_279, %select_n3A_277, %select_n3A_231 : vector<16xi1>, vector<16xf32>
        %select_n3A_281 = arith.select %gt3A_279, %select_n3A_278, %select_n3A_232 : vector<16xi1>, vector<16xi32>
        %select_n3A_282 = arith.select %gt3A_279, %select_n3A_231, %select_n3A_277 : vector<16xi1>, vector<16xf32>
        %select_n3A_283 = arith.select %gt3A_279, %select_n3A_232, %select_n3A_278 : vector<16xi1>, vector<16xi32>
        %gt3A_284 = arith.cmpf ogt, %select_n3A_282, %select_n3A_236 : vector<16xf32>
        %select_n3A_285 = arith.select %gt3A_284, %select_n3A_282, %select_n3A_236 : vector<16xi1>, vector<16xf32>
        %select_n3A_286 = arith.select %gt3A_284, %select_n3A_283, %select_n3A_237 : vector<16xi1>, vector<16xi32>
        %select_n3A_287 = arith.select %gt3A_284, %select_n3A_236, %select_n3A_282 : vector<16xi1>, vector<16xf32>
        %select_n3A_288 = arith.select %gt3A_284, %select_n3A_237, %select_n3A_283 : vector<16xi1>, vector<16xi32>
        %gt3A_289 = arith.cmpf ogt, %select_n3A_287, %select_n3A_241 : vector<16xf32>
        %select_n3A_290 = arith.select %gt3A_289, %select_n3A_287, %select_n3A_241 : vector<16xi1>, vector<16xf32>
        %select_n3A_291 = arith.select %gt3A_289, %select_n3A_288, %select_n3A_242 : vector<16xi1>, vector<16xi32>
        %select_n3A_292 = arith.select %gt3A_289, %select_n3A_241, %select_n3A_287 : vector<16xi1>, vector<16xf32>
        %select_n3A_293 = arith.select %gt3A_289, %select_n3A_242, %select_n3A_288 : vector<16xi1>, vector<16xi32>
        %gt3A_294 = arith.cmpf ogt, %select_n3A_292, %select_n3A_246 : vector<16xf32>
        %select_n3A_295 = arith.select %gt3A_294, %select_n3A_292, %select_n3A_246 : vector<16xi1>, vector<16xf32>
        %select_n3A_296 = arith.select %gt3A_294, %select_n3A_293, %select_n3A_247 : vector<16xi1>, vector<16xi32>
        %select_n3A_297 = arith.select %gt3A_294, %select_n3A_246, %select_n3A_292 : vector<16xi1>, vector<16xf32>
        %select_n3A_298 = arith.select %gt3A_294, %select_n3A_247, %select_n3A_293 : vector<16xi1>, vector<16xi32>
        %gt3A_299 = arith.cmpf ogt, %select_n3A_297, %select_n3A_251 : vector<16xf32>
        %select_n3A_300 = arith.select %gt3A_299, %select_n3A_297, %select_n3A_251 : vector<16xi1>, vector<16xf32>
        %select_n3A_301 = arith.select %gt3A_299, %select_n3A_298, %select_n3A_252 : vector<16xi1>, vector<16xi32>
        %select_n3A_302 = arith.select %gt3A_299, %select_n3A_251, %select_n3A_297 : vector<16xi1>, vector<16xf32>
        %select_n3A_303 = arith.select %gt3A_299, %select_n3A_252, %select_n3A_298 : vector<16xi1>, vector<16xi32>
        %gt3A_304 = arith.cmpf ogt, %select_n3A_302, %select_n3A_256 : vector<16xf32>
        %select_n3A_305 = arith.select %gt3A_304, %select_n3A_302, %select_n3A_256 : vector<16xi1>, vector<16xf32>
        %select_n3A_306 = arith.select %gt3A_304, %select_n3A_303, %select_n3A_257 : vector<16xi1>, vector<16xi32>
        %select_n3A_307 = arith.select %gt3A_304, %select_n3A_256, %select_n3A_302 : vector<16xi1>, vector<16xf32>
        %select_n3A_308 = arith.select %gt3A_304, %select_n3A_257, %select_n3A_303 : vector<16xi1>, vector<16xi32>
        %gt3A_309 = arith.cmpf ogt, %select_n3A_307, %select_n3A_261 : vector<16xf32>
        %select_n3A_310 = arith.select %gt3A_309, %select_n3A_307, %select_n3A_261 : vector<16xi1>, vector<16xf32>
        %select_n3A_311 = arith.select %gt3A_309, %select_n3A_308, %select_n3A_262 : vector<16xi1>, vector<16xi32>
        %add3A_312 = arith.constant 5 : i32
        %add3A_313 = arith.addi %mul3A_69, %add3A_312 : i32
        %get3A_314 = arith.index_cast %add3A_313 : i32 to index
        %get3A_315 = arith.index_cast %mul3A_15 : i32 to index
        %get3A_316 = tpu.vector_load %arg4[%get3A_314, %get3A_315] {strides = array<i32>} : memref<64x128xf32, #tpu.memory_space<vmem>>, vector<16xf32>,
        %broadcast_in_dim3A_317 = arith.constant 0 : i32
        %broadcast_in_dim3A_318 = vector.broadcast %broadcast_in_dim3A_317 : i32 to vector<16xi32>
        %add3A_319 = arith.constant 5 : i32
        %add3A_320 = arith.addi %mul3A_69, %add3A_319 : i32
        %add3A_321 = vector.broadcast %add3A_320 : i32 to vector<16xi32>
        %add3A_322 = arith.addi %broadcast_in_dim3A_318, %add3A_321 : vector<16xi32>
        %gt3A_323 = arith.cmpf ogt, %get3A_316, %select_n3A_275 : vector<16xf32>
        %select_n3A_324 = arith.select %gt3A_323, %get3A_316, %select_n3A_275 : vector<16xi1>, vector<16xf32>
        %select_n3A_325 = arith.select %gt3A_323, %add3A_322, %select_n3A_276 : vector<16xi1>, vector<16xi32>
        %select_n3A_326 = arith.select %gt3A_323, %select_n3A_275, %get3A_316 : vector<16xi1>, vector<16xf32>
        %select_n3A_327 = arith.select %gt3A_323, %select_n3A_276, %add3A_322 : vector<16xi1>, vector<16xi32>
        %gt3A_328 = arith.cmpf ogt, %select_n3A_326, %select_n3A_280 : vector<16xf32>
        %select_n3A_329 = arith.select %gt3A_328, %select_n3A_326, %select_n3A_280 : vector<16xi1>, vector<16xf32>
        %select_n3A_330 = arith.select %gt3A_328, %select_n3A_327, %select_n3A_281 : vector<16xi1>, vector<16xi32>
        %select_n3A_331 = arith.select %gt3A_328, %select_n3A_280, %select_n3A_326 : vector<16xi1>, vector<16xf32>
        %select_n3A_332 = arith.select %gt3A_328, %select_n3A_281, %select_n3A_327 : vector<16xi1>, vector<16xi32>
        %gt3A_333 = arith.cmpf ogt, %select_n3A_331, %select_n3A_285 : vector<16xf32>
        %select_n3A_334 = arith.select %gt3A_333, %select_n3A_331, %select_n3A_285 : vector<16xi1>, vector<16xf32>
        %select_n3A_335 = arith.select %gt3A_333, %select_n3A_332, %select_n3A_286 : vector<16xi1>, vector<16xi32>
        %select_n3A_336 = arith.select %gt3A_333, %select_n3A_285, %select_n3A_331 : vector<16xi1>, vector<16xf32>
        %select_n3A_337 = arith.select %gt3A_333, %select_n3A_286, %select_n3A_332 : vector<16xi1>, vector<16xi32>
        %gt3A_338 = arith.cmpf ogt, %select_n3A_336, %select_n3A_290 : vector<16xf32>
        %select_n3A_339 = arith.select %gt3A_338, %select_n3A_336, %select_n3A_290 : vector<16xi1>, vector<16xf32>
        %select_n3A_340 = arith.select %gt3A_338, %select_n3A_337, %select_n3A_291 : vector<16xi1>, vector<16xi32>
        %select_n3A_341 = arith.select %gt3A_338, %select_n3A_290, %select_n3A_336 : vector<16xi1>, vector<16xf32>
        %select_n3A_342 = arith.select %gt3A_338, %select_n3A_291, %select_n3A_337 : vector<16xi1>, vector<16xi32>
        %gt3A_343 = arith.cmpf ogt, %select_n3A_341, %select_n3A_295 : vector<16xf32>
        %select_n3A_344 = arith.select %gt3A_343, %select_n3A_341, %select_n3A_295 : vector<16xi1>, vector<16xf32>
        %select_n3A_345 = arith.select %gt3A_343, %select_n3A_342, %select_n3A_296 : vector<16xi1>, vector<16xi32>
        %select_n3A_346 = arith.select %gt3A_343, %select_n3A_295, %select_n3A_341 : vector<16xi1>, vector<16xf32>
        %select_n3A_347 = arith.select %gt3A_343, %select_n3A_296, %select_n3A_342 : vector<16xi1>, vector<16xi32>
        %gt3A_348 = arith.cmpf ogt, %select_n3A_346, %select_n3A_300 : vector<16xf32>
        %select_n3A_349 = arith.select %gt3A_348, %select_n3A_346, %select_n3A_300 : vector<16xi1>, vector<16xf32>
        %select_n3A_350 = arith.select %gt3A_348, %select_n3A_347, %select_n3A_301 : vector<16xi1>, vector<16xi32>
        %select_n3A_351 = arith.select %gt3A_348, %select_n3A_300, %select_n3A_346 : vector<16xi1>, vector<16xf32>
        %select_n3A_352 = arith.select %gt3A_348, %select_n3A_301, %select_n3A_347 : vector<16xi1>, vector<16xi32>
        %gt3A_353 = arith.cmpf ogt, %select_n3A_351, %select_n3A_305 : vector<16xf32>
        %select_n3A_354 = arith.select %gt3A_353, %select_n3A_351, %select_n3A_305 : vector<16xi1>, vector<16xf32>
        %select_n3A_355 = arith.select %gt3A_353, %select_n3A_352, %select_n3A_306 : vector<16xi1>, vector<16xi32>
        %select_n3A_356 = arith.select %gt3A_353, %select_n3A_305, %select_n3A_351 : vector<16xi1>, vector<16xf32>
        %select_n3A_357 = arith.select %gt3A_353, %select_n3A_306, %select_n3A_352 : vector<16xi1>, vector<16xi32>
        %gt3A_358 = arith.cmpf ogt, %select_n3A_356, %select_n3A_310 : vector<16xf32>
        %select_n3A_359 = arith.select %gt3A_358, %select_n3A_356, %select_n3A_310 : vector<16xi1>, vector<16xf32>
        %select_n3A_360 = arith.select %gt3A_358, %select_n3A_357, %select_n3A_311 : vector<16xi1>, vector<16xi32>
        %add3A_361 = arith.constant 6 : i32
        %add3A_362 = arith.addi %mul3A_69, %add3A_361 : i32
        %get3A_363 = arith.index_cast %add3A_362 : i32 to index
        %get3A_364 = arith.index_cast %mul3A_15 : i32 to index
        %get3A_365 = tpu.vector_load %arg4[%get3A_363, %get3A_364] {strides = array<i32>} : memref<64x128xf32, #tpu.memory_space<vmem>>, vector<16xf32>,
        %broadcast_in_dim3A_366 = arith.constant 0 : i32
        %broadcast_in_dim3A_367 = vector.broadcast %broadcast_in_dim3A_366 : i32 to vector<16xi32>
        %add3A_368 = arith.constant 6 : i32
        %add3A_369 = arith.addi %mul3A_69, %add3A_368 : i32
        %add3A_370 = vector.broadcast %add3A_369 : i32 to vector<16xi32>
        %add3A_371 = arith.addi %broadcast_in_dim3A_367, %add3A_370 : vector<16xi32>
        %gt3A_372 = arith.cmpf ogt, %get3A_365, %select_n3A_324 : vector<16xf32>
        %select_n3A_373 = arith.select %gt3A_372, %get3A_365, %select_n3A_324 : vector<16xi1>, vector<16xf32>
        %select_n3A_374 = arith.select %gt3A_372, %add3A_371, %select_n3A_325 : vector<16xi1>, vector<16xi32>
        %select_n3A_375 = arith.select %gt3A_372, %select_n3A_324, %get3A_365 : vector<16xi1>, vector<16xf32>
        %select_n3A_376 = arith.select %gt3A_372, %select_n3A_325, %add3A_371 : vector<16xi1>, vector<16xi32>
        %gt3A_377 = arith.cmpf ogt, %select_n3A_375, %select_n3A_329 : vector<16xf32>
        %select_n3A_378 = arith.select %gt3A_377, %select_n3A_375, %select_n3A_329 : vector<16xi1>, vector<16xf32>
        %select_n3A_379 = arith.select %gt3A_377, %select_n3A_376, %select_n3A_330 : vector<16xi1>, vector<16xi32>
        %select_n3A_380 = arith.select %gt3A_377, %select_n3A_329, %select_n3A_375 : vector<16xi1>, vector<16xf32>
        %select_n3A_381 = arith.select %gt3A_377, %select_n3A_330, %select_n3A_376 : vector<16xi1>, vector<16xi32>
        %gt3A_382 = arith.cmpf ogt, %select_n3A_380, %select_n3A_334 : vector<16xf32>
        %select_n3A_383 = arith.select %gt3A_382, %select_n3A_380, %select_n3A_334 : vector<16xi1>, vector<16xf32>
        %select_n3A_384 = arith.select %gt3A_382, %select_n3A_381, %select_n3A_335 : vector<16xi1>, vector<16xi32>
        %select_n3A_385 = arith.select %gt3A_382, %select_n3A_334, %select_n3A_380 : vector<16xi1>, vector<16xf32>
        %select_n3A_386 = arith.select %gt3A_382, %select_n3A_335, %select_n3A_381 : vector<16xi1>, vector<16xi32>
        %gt3A_387 = arith.cmpf ogt, %select_n3A_385, %select_n3A_339 : vector<16xf32>
        %select_n3A_388 = arith.select %gt3A_387, %select_n3A_385, %select_n3A_339 : vector<16xi1>, vector<16xf32>
        %select_n3A_389 = arith.select %gt3A_387, %select_n3A_386, %select_n3A_340 : vector<16xi1>, vector<16xi32>
        %select_n3A_390 = arith.select %gt3A_387, %select_n3A_339, %select_n3A_385 : vector<16xi1>, vector<16xf32>
        %select_n3A_391 = arith.select %gt3A_387, %select_n3A_340, %select_n3A_386 : vector<16xi1>, vector<16xi32>
        %gt3A_392 = arith.cmpf ogt, %select_n3A_390, %select_n3A_344 : vector<16xf32>
        %select_n3A_393 = arith.select %gt3A_392, %select_n3A_390, %select_n3A_344 : vector<16xi1>, vector<16xf32>
        %select_n3A_394 = arith.select %gt3A_392, %select_n3A_391, %select_n3A_345 : vector<16xi1>, vector<16xi32>
        %select_n3A_395 = arith.select %gt3A_392, %select_n3A_344, %select_n3A_390 : vector<16xi1>, vector<16xf32>
        %select_n3A_396 = arith.select %gt3A_392, %select_n3A_345, %select_n3A_391 : vector<16xi1>, vector<16xi32>
        %gt3A_397 = arith.cmpf ogt, %select_n3A_395, %select_n3A_349 : vector<16xf32>
        %select_n3A_398 = arith.select %gt3A_397, %select_n3A_395, %select_n3A_349 : vector<16xi1>, vector<16xf32>
        %select_n3A_399 = arith.select %gt3A_397, %select_n3A_396, %select_n3A_350 : vector<16xi1>, vector<16xi32>
        %select_n3A_400 = arith.select %gt3A_397, %select_n3A_349, %select_n3A_395 : vector<16xi1>, vector<16xf32>
        %select_n3A_401 = arith.select %gt3A_397, %select_n3A_350, %select_n3A_396 : vector<16xi1>, vector<16xi32>
        %gt3A_402 = arith.cmpf ogt, %select_n3A_400, %select_n3A_354 : vector<16xf32>
        %select_n3A_403 = arith.select %gt3A_402, %select_n3A_400, %select_n3A_354 : vector<16xi1>, vector<16xf32>
        %select_n3A_404 = arith.select %gt3A_402, %select_n3A_401, %select_n3A_355 : vector<16xi1>, vector<16xi32>
        %select_n3A_405 = arith.select %gt3A_402, %select_n3A_354, %select_n3A_400 : vector<16xi1>, vector<16xf32>
        %select_n3A_406 = arith.select %gt3A_402, %select_n3A_355, %select_n3A_401 : vector<16xi1>, vector<16xi32>
        %gt3A_407 = arith.cmpf ogt, %select_n3A_405, %select_n3A_359 : vector<16xf32>
        %select_n3A_408 = arith.select %gt3A_407, %select_n3A_405, %select_n3A_359 : vector<16xi1>, vector<16xf32>
        %select_n3A_409 = arith.select %gt3A_407, %select_n3A_406, %select_n3A_360 : vector<16xi1>, vector<16xi32>
        %add3A_410 = arith.constant 7 : i32
        %add3A_411 = arith.addi %mul3A_69, %add3A_410 : i32
        %get3A_412 = arith.index_cast %add3A_411 : i32 to index
        %get3A_413 = arith.index_cast %mul3A_15 : i32 to index
        %get3A_414 = tpu.vector_load %arg4[%get3A_412, %get3A_413] {strides = array<i32>} : memref<64x128xf32, #tpu.memory_space<vmem>>, vector<16xf32>,
        %broadcast_in_dim3A_415 = arith.constant 0 : i32
        %broadcast_in_dim3A_416 = vector.broadcast %broadcast_in_dim3A_415 : i32 to vector<16xi32>
        %add3A_417 = arith.constant 7 : i32
        %add3A_418 = arith.addi %mul3A_69, %add3A_417 : i32
        %add3A_419 = vector.broadcast %add3A_418 : i32 to vector<16xi32>
        %add3A_420 = arith.addi %broadcast_in_dim3A_416, %add3A_419 : vector<16xi32>
        %gt3A_421 = arith.cmpf ogt, %get3A_414, %select_n3A_373 : vector<16xf32>
        %select_n3A_422 = arith.select %gt3A_421, %get3A_414, %select_n3A_373 : vector<16xi1>, vector<16xf32>
        %select_n3A_423 = arith.select %gt3A_421, %add3A_420, %select_n3A_374 : vector<16xi1>, vector<16xi32>
        %select_n3A_424 = arith.select %gt3A_421, %select_n3A_373, %get3A_414 : vector<16xi1>, vector<16xf32>
        %select_n3A_425 = arith.select %gt3A_421, %select_n3A_374, %add3A_420 : vector<16xi1>, vector<16xi32>
        %gt3A_426 = arith.cmpf ogt, %select_n3A_424, %select_n3A_378 : vector<16xf32>
        %select_n3A_427 = arith.select %gt3A_426, %select_n3A_424, %select_n3A_378 : vector<16xi1>, vector<16xf32>
        %select_n3A_428 = arith.select %gt3A_426, %select_n3A_425, %select_n3A_379 : vector<16xi1>, vector<16xi32>
        %select_n3A_429 = arith.select %gt3A_426, %select_n3A_378, %select_n3A_424 : vector<16xi1>, vector<16xf32>
        %select_n3A_430 = arith.select %gt3A_426, %select_n3A_379, %select_n3A_425 : vector<16xi1>, vector<16xi32>
        %gt3A_431 = arith.cmpf ogt, %select_n3A_429, %select_n3A_383 : vector<16xf32>
        %select_n3A_432 = arith.select %gt3A_431, %select_n3A_429, %select_n3A_383 : vector<16xi1>, vector<16xf32>
        %select_n3A_433 = arith.select %gt3A_431, %select_n3A_430, %select_n3A_384 : vector<16xi1>, vector<16xi32>
        %select_n3A_434 = arith.select %gt3A_431, %select_n3A_383, %select_n3A_429 : vector<16xi1>, vector<16xf32>
        %select_n3A_435 = arith.select %gt3A_431, %select_n3A_384, %select_n3A_430 : vector<16xi1>, vector<16xi32>
        %gt3A_436 = arith.cmpf ogt, %select_n3A_434, %select_n3A_388 : vector<16xf32>
        %select_n3A_437 = arith.select %gt3A_436, %select_n3A_434, %select_n3A_388 : vector<16xi1>, vector<16xf32>
        %select_n3A_438 = arith.select %gt3A_436, %select_n3A_435, %select_n3A_389 : vector<16xi1>, vector<16xi32>
        %select_n3A_439 = arith.select %gt3A_436, %select_n3A_388, %select_n3A_434 : vector<16xi1>, vector<16xf32>
        %select_n3A_440 = arith.select %gt3A_436, %select_n3A_389, %select_n3A_435 : vector<16xi1>, vector<16xi32>
        %gt3A_441 = arith.cmpf ogt, %select_n3A_439, %select_n3A_393 : vector<16xf32>
        %select_n3A_442 = arith.select %gt3A_441, %select_n3A_439, %select_n3A_393 : vector<16xi1>, vector<16xf32>
        %select_n3A_443 = arith.select %gt3A_441, %select_n3A_440, %select_n3A_394 : vector<16xi1>, vector<16xi32>
        %select_n3A_444 = arith.select %gt3A_441, %select_n3A_393, %select_n3A_439 : vector<16xi1>, vector<16xf32>
        %select_n3A_445 = arith.select %gt3A_441, %select_n3A_394, %select_n3A_440 : vector<16xi1>, vector<16xi32>
        %gt3A_446 = arith.cmpf ogt, %select_n3A_444, %select_n3A_398 : vector<16xf32>
        %select_n3A_447 = arith.select %gt3A_446, %select_n3A_444, %select_n3A_398 : vector<16xi1>, vector<16xf32>
        %select_n3A_448 = arith.select %gt3A_446, %select_n3A_445, %select_n3A_399 : vector<16xi1>, vector<16xi32>
        %select_n3A_449 = arith.select %gt3A_446, %select_n3A_398, %select_n3A_444 : vector<16xi1>, vector<16xf32>
        %select_n3A_450 = arith.select %gt3A_446, %select_n3A_399, %select_n3A_445 : vector<16xi1>, vector<16xi32>
        %gt3A_451 = arith.cmpf ogt, %select_n3A_449, %select_n3A_403 : vector<16xf32>
        %select_n3A_452 = arith.select %gt3A_451, %select_n3A_449, %select_n3A_403 : vector<16xi1>, vector<16xf32>
        %select_n3A_453 = arith.select %gt3A_451, %select_n3A_450, %select_n3A_404 : vector<16xi1>, vector<16xi32>
        %select_n3A_454 = arith.select %gt3A_451, %select_n3A_403, %select_n3A_449 : vector<16xi1>, vector<16xf32>
        %select_n3A_455 = arith.select %gt3A_451, %select_n3A_404, %select_n3A_450 : vector<16xi1>, vector<16xi32>
        %gt3A_456 = arith.cmpf ogt, %select_n3A_454, %select_n3A_408 : vector<16xf32>
        %select_n3A_457 = arith.select %gt3A_456, %select_n3A_454, %select_n3A_408 : vector<16xi1>, vector<16xf32>
        %select_n3A_458 = arith.select %gt3A_456, %select_n3A_455, %select_n3A_409 : vector<16xi1>, vector<16xi32>
        scf.yield %select_n3A_422, %select_n3A_427, %select_n3A_432, %select_n3A_437, %select_n3A_442, %select_n3A_447, %select_n3A_452, %select_n3A_457, %select_n3A_423, %select_n3A_428, %select_n3A_433, %select_n3A_438, %select_n3A_443, %select_n3A_448, %select_n3A_453, %select_n3A_458 : vector<16xf32>, vector<16xf32>, vector<16xf32>, vector<16xf32>, vector<16xf32>, vector<16xf32>, vector<16xf32>, vector<16xf32>, vector<16xi32>, vector<16xi32>, vector<16xi32>, vector<16xi32>, vector<16xi32>, vector<16xi32>, vector<16xi32>, vector<16xi32>
      }
      %scan3A_21 = arith.constant 8 : i32
      %add3A_22 = vector.broadcast %mul3A_15 : i32 to vector<16xi32>
      %add3A_23 = arith.addi %add3A_22, %iota3A : vector<16xi32>
      %mul3A_24 = arith.constant 8 : i32
      %mul3A_25 = vector.broadcast %mul3A_24 : i32 to vector<16xi32>
      %mul3A_26 = arith.muli %add3A_23, %mul3A_25 : vector<16xi32>
      %add3A_27 = arith.constant 0 : i32
      %add3A_28 = vector.broadcast %add3A_27 : i32 to vector<16xi32>
      %add3A_29 = arith.addi %mul3A_26, %add3A_28 : vector<16xi32>
      tpu.vector_store_idx %arg5[%add3A_29], %scan3A_20#8 : memref<1024xi32, #tpu.memory_space<vmem>>[vector<16xi32>], vector<16xi32>,
      %add3A_30 = arith.constant 1 : i32
      %add3A_31 = vector.broadcast %add3A_30 : i32 to vector<16xi32>
      %add3A_32 = arith.addi %mul3A_26, %add3A_31 : vector<16xi32>
      tpu.vector_store_idx %arg5[%add3A_32], %scan3A_20#9 : memref<1024xi32, #tpu.memory_space<vmem>>[vector<16xi32>], vector<16xi32>,
      %add3A_33 = arith.constant 2 : i32
      %add3A_34 = vector.broadcast %add3A_33 : i32 to vector<16xi32>
      %add3A_35 = arith.addi %mul3A_26, %add3A_34 : vector<16xi32>
      tpu.vector_store_idx %arg5[%add3A_35], %scan3A_20#10 : memref<1024xi32, #tpu.memory_space<vmem>>[vector<16xi32>], vector<16xi32>,
      %add3A_36 = arith.constant 3 : i32
      %add3A_37 = vector.broadcast %add3A_36 : i32 to vector<16xi32>
      %add3A_38 = arith.addi %mul3A_26, %add3A_37 : vector<16xi32>
      tpu.vector_store_idx %arg5[%add3A_38], %scan3A_20#11 : memref<1024xi32, #tpu.memory_space<vmem>>[vector<16xi32>], vector<16xi32>,
      %add3A_39 = arith.constant 4 : i32
      %add3A_40 = vector.broadcast %add3A_39 : i32 to vector<16xi32>
      %add3A_41 = arith.addi %mul3A_26, %add3A_40 : vector<16xi32>
      tpu.vector_store_idx %arg5[%add3A_41], %scan3A_20#12 : memref<1024xi32, #tpu.memory_space<vmem>>[vector<16xi32>], vector<16xi32>,
      %add3A_42 = arith.constant 5 : i32
      %add3A_43 = vector.broadcast %add3A_42 : i32 to vector<16xi32>
      %add3A_44 = arith.addi %mul3A_26, %add3A_43 : vector<16xi32>
      tpu.vector_store_idx %arg5[%add3A_44], %scan3A_20#13 : memref<1024xi32, #tpu.memory_space<vmem>>[vector<16xi32>], vector<16xi32>,
      %add3A_45 = arith.constant 6 : i32
      %add3A_46 = vector.broadcast %add3A_45 : i32 to vector<16xi32>
      %add3A_47 = arith.addi %mul3A_26, %add3A_46 : vector<16xi32>
      tpu.vector_store_idx %arg5[%add3A_47], %scan3A_20#14 : memref<1024xi32, #tpu.memory_space<vmem>>[vector<16xi32>], vector<16xi32>,
      %add3A_48 = arith.constant 7 : i32
      %add3A_49 = vector.broadcast %add3A_48 : i32 to vector<16xi32>
      %add3A_50 = arith.addi %mul3A_26, %add3A_49 : vector<16xi32>
      tpu.vector_store_idx %arg5[%add3A_50], %scan3A_20#15 : memref<1024xi32, #tpu.memory_space<vmem>>[vector<16xi32>], vector<16xi32>,
    }
    %scan3A_10 = arith.constant 8 : i32
    %mul3A_11 = arith.constant 8 : i32
    %mul3A_12 = arith.muli %mul3A_2, %mul3A_11 : i32
    "tpu.region"() ({
      %run_scoped3A = tpu.sem_alloc : memref<!tpu.dma_semaphore, #tpu.memory_space<semaphore_mem>>
      %dma_start3A = tpu.memref_slice %arg3[%mul3A_12] : memref<32768xi32, #tpu.memory_space<hbm>> -> memref<1024xi32, #tpu.memory_space<hbm>>
      %dma_start3A_13 = tpu.memref_slice %arg3[%mul3A_12] : memref<32768xi32, #tpu.memory_space<hbm>> -> memref<1024xi32, #tpu.memory_space<hbm>>
      tpu.enqueue_dma source(%arg5 : memref<1024xi32, #tpu.memory_space<vmem>>) target(%dma_start3A_13 : memref<1024xi32, #tpu.memory_space<hbm>>) target_semaphore(%run_scoped3A : memref<!tpu.dma_semaphore, #tpu.memory_space<semaphore_mem>>)
      %dma_wait3A = tpu.memref_slice %arg3[%mul3A_12] : memref<32768xi32, #tpu.memory_space<hbm>> -> memref<1024xi32, #tpu.memory_space<hbm>>
      %dma_wait3A_14 = tpu.memref_slice %arg3[%mul3A_12] : memref<32768xi32, #tpu.memory_space<hbm>> -> memref<1024xi32, #tpu.memory_space<hbm>>
      tpu.wait_dma2 semaphore(%run_scoped3A : memref<!tpu.dma_semaphore, #tpu.memory_space<semaphore_mem>>) src(%arg5 : memref<1024xi32, #tpu.memory_space<vmem>>) dst(%dma_wait3A_14 : memref<1024xi32, #tpu.memory_space<hbm>>)
      tpu.yield
    }) : () -> ()
    return
  }
}

module attributes {stable_mosaic.version = 14 : i64} {
  func.func @_tc_logits_body(%arg0: i32, %arg1: memref<1024x2048xf32, #tpu.memory_space<vmem>>, %arg2: memref<64x2048xf32, #tpu.memory_space<vmem>>, %arg3: memref<64x1024xf32, #tpu.memory_space<vmem>>) attributes {dimension_semantics = [#tpu.dimension_semantics<arbitrary>], iteration_bounds = array<i64: 4>, scalar_prefetch = 0 : i64, scratch_operands = 0 : i64, tpu.core_type = #tpu.core_type<tc>, window_params = [{transform_indices = @transform_0, window_bounds = array<i64: 1024, 2048>}, {pipeline_mode = #tpu.pipeline_mode<synchronous>, transform_indices = @transform_1, window_bounds = array<i64: 64, 2048>}, {transform_indices = @transform_2, window_bounds = array<i64: 64, 1024>}]} {
    %get3A = arith.constant 0 : index
    %get3A_0 = arith.constant 0 : index
    %get3A_1 = vector.load %arg2[%get3A, %get3A_0] : memref<64x2048xf32, #tpu.memory_space<vmem>>, vector<64x2048xf32>
    %get3A_2 = arith.constant 0 : index
    %get3A_3 = arith.constant 0 : index
    %get3A_4 = vector.load %arg1[%get3A_2, %get3A_3] : memref<1024x2048xf32, #tpu.memory_space<vmem>>, vector<1024x2048xf32>
    %dot_general3A = arith.constant dense<0.000000e+00> : vector<64x1024xf32>
    %dot_general3A_5 = tpu.matmul %get3A_1, %get3A_4, %dot_general3A {dimension_numbers = #tpu.dot_dimension_numbers<[1], [1], [0], [0], [0, 0, 1, 0], [], []>, transpose_lhs_hint = false} : vector<64x2048xf32>, vector<1024x2048xf32>, vector<64x1024xf32> -> vector<64x1024xf32>
    %swap3A = arith.constant 0 : index
    %swap3A_6 = arith.constant 0 : index
    %swap3A_7 = vector.load %arg3[%swap3A, %swap3A_6] : memref<64x1024xf32, #tpu.memory_space<vmem>>, vector<64x1024xf32>
    tpu.vector_store %arg3[%swap3A, %swap3A_6], %dot_general3A_5 {strides = array<i32>} : memref<64x1024xf32, #tpu.memory_space<vmem>>, vector<64x1024xf32>,
    return
  }
  func.func @transform_0(%arg0: i32) -> (i32, i32) {
    %add3A = arith.constant 8 : i32
    %add3A_0 = arith.addi %add3A, %arg0 : i32
    %c0_i32 = arith.constant 0 : i32
    %c0_i32_1 = arith.constant 0 : i32
    return %add3A_0, %c0_i32 : i32, i32
  }
  func.func @transform_1(%arg0: i32) -> (i32, i32) {
    %c0_i32 = arith.constant 0 : i32
    %c0_i32_0 = arith.constant 0 : i32
    %c0_i32_1 = arith.constant 0 : i32
    return %c0_i32, %c0_i32_0 : i32, i32
  }
  func.func @transform_2(%arg0: i32) -> (i32, i32) {
    %c0_i32 = arith.constant 0 : i32
    %c0_i32_0 = arith.constant 0 : i32
    return %c0_i32, %arg0 : i32, i32
  }
}

module attributes {stable_mosaic.version = 14 : i64} {
  func.func @_tc_logits_body(%arg0: i32, %arg1: memref<1024x2048xf32, #tpu.memory_space<vmem>>, %arg2: memref<64x2048xf32, #tpu.memory_space<vmem>>, %arg3: memref<64x1024xf32, #tpu.memory_space<vmem>>) attributes {dimension_semantics = [#tpu.dimension_semantics<arbitrary>], iteration_bounds = array<i64: 4>, scalar_prefetch = 0 : i64, scratch_operands = 0 : i64, tpu.core_type = #tpu.core_type<tc>, window_params = [{transform_indices = @transform_0, window_bounds = array<i64: 1024, 2048>}, {pipeline_mode = #tpu.pipeline_mode<synchronous>, transform_indices = @transform_1, window_bounds = array<i64: 64, 2048>}, {transform_indices = @transform_2, window_bounds = array<i64: 64, 1024>}]} {
    %get3A = arith.constant 0 : index
    %get3A_0 = arith.constant 0 : index
    %get3A_1 = vector.load %arg2[%get3A, %get3A_0] : memref<64x2048xf32, #tpu.memory_space<vmem>>, vector<64x2048xf32>
    %get3A_2 = arith.constant 0 : index
    %get3A_3 = arith.constant 0 : index
    %get3A_4 = vector.load %arg1[%get3A_2, %get3A_3] : memref<1024x2048xf32, #tpu.memory_space<vmem>>, vector<1024x2048xf32>
    %dot_general3A = arith.constant dense<0.000000e+00> : vector<64x1024xf32>
    %dot_general3A_5 = tpu.matmul %get3A_1, %get3A_4, %dot_general3A {dimension_numbers = #tpu.dot_dimension_numbers<[1], [1], [0], [0], [0, 0, 1, 0], [], []>, transpose_lhs_hint = false} : vector<64x2048xf32>, vector<1024x2048xf32>, vector<64x1024xf32> -> vector<64x1024xf32>
    %swap3A = arith.constant 0 : index
    %swap3A_6 = arith.constant 0 : index
    %swap3A_7 = vector.load %arg3[%swap3A, %swap3A_6] : memref<64x1024xf32, #tpu.memory_space<vmem>>, vector<64x1024xf32>
    tpu.vector_store %arg3[%swap3A, %swap3A_6], %dot_general3A_5 {strides = array<i32>} : memref<64x1024xf32, #tpu.memory_space<vmem>>, vector<64x1024xf32>,
    return
  }
  func.func @transform_0(%arg0: i32) -> (i32, i32) {
    %add3A = arith.constant 12 : i32
    %add3A_0 = arith.addi %add3A, %arg0 : i32
    %c0_i32 = arith.constant 0 : i32
    %c0_i32_1 = arith.constant 0 : i32
    return %add3A_0, %c0_i32 : i32, i32
  }
  func.func @transform_1(%arg0: i32) -> (i32, i32) {
    %c0_i32 = arith.constant 0 : i32
    %c0_i32_0 = arith.constant 0 : i32
    %c0_i32_1 = arith.constant 0 : i32
    return %c0_i32, %c0_i32_0 : i32, i32
  }
  func.func @transform_2(%arg0: i32) -> (i32, i32) {
    %c0_i32 = arith.constant 0 : i32
    %c0_i32_0 = arith.constant 0 : i32
    return %c0_i32, %arg0 : i32, i32
  }
}

module attributes {stable_mosaic.version = 14 : i64} {
  func.func @_tc_logits_body(%arg0: i32, %arg1: memref<1024x2048xf32, #tpu.memory_space<vmem>>, %arg2: memref<64x2048xf32, #tpu.memory_space<vmem>>, %arg3: memref<64x1024xf32, #tpu.memory_space<vmem>>) attributes {dimension_semantics = [#tpu.dimension_semantics<arbitrary>], iteration_bounds = array<i64: 4>, scalar_prefetch = 0 : i64, scratch_operands = 0 : i64, tpu.core_type = #tpu.core_type<tc>, window_params = [{transform_indices = @transform_0, window_bounds = array<i64: 1024, 2048>}, {pipeline_mode = #tpu.pipeline_mode<synchronous>, transform_indices = @transform_1, window_bounds = array<i64: 64, 2048>}, {transform_indices = @transform_2, window_bounds = array<i64: 64, 1024>}]} {
    %get3A = arith.constant 0 : index
    %get3A_0 = arith.constant 0 : index
    %get3A_1 = vector.load %arg2[%get3A, %get3A_0] : memref<64x2048xf32, #tpu.memory_space<vmem>>, vector<64x2048xf32>
    %get3A_2 = arith.constant 0 : index
    %get3A_3 = arith.constant 0 : index
    %get3A_4 = vector.load %arg1[%get3A_2, %get3A_3] : memref<1024x2048xf32, #tpu.memory_space<vmem>>, vector<1024x2048xf32>
    %dot_general3A = arith.constant dense<0.000000e+00> : vector<64x1024xf32>
    %dot_general3A_5 = tpu.matmul %get3A_1, %get3A_4, %dot_general3A {dimension_numbers = #tpu.dot_dimension_numbers<[1], [1], [0], [0], [0, 0, 1, 0], [], []>, transpose_lhs_hint = false} : vector<64x2048xf32>, vector<1024x2048xf32>, vector<64x1024xf32> -> vector<64x1024xf32>
    %swap3A = arith.constant 0 : index
    %swap3A_6 = arith.constant 0 : index
    %swap3A_7 = vector.load %arg3[%swap3A, %swap3A_6] : memref<64x1024xf32, #tpu.memory_space<vmem>>, vector<64x1024xf32>
    tpu.vector_store %arg3[%swap3A, %swap3A_6], %dot_general3A_5 {strides = array<i32>} : memref<64x1024xf32, #tpu.memory_space<vmem>>, vector<64x1024xf32>,
    return
  }
  func.func @transform_0(%arg0: i32) -> (i32, i32) {
    %add3A = arith.constant 4 : i32
    %add3A_0 = arith.addi %add3A, %arg0 : i32
    %c0_i32 = arith.constant 0 : i32
    %c0_i32_1 = arith.constant 0 : i32
    return %add3A_0, %c0_i32 : i32, i32
  }
  func.func @transform_1(%arg0: i32) -> (i32, i32) {
    %c0_i32 = arith.constant 0 : i32
    %c0_i32_0 = arith.constant 0 : i32
    %c0_i32_1 = arith.constant 0 : i32
    return %c0_i32, %c0_i32_0 : i32, i32
  }
  func.func @transform_2(%arg0: i32) -> (i32, i32) {
    %c0_i32 = arith.constant 0 : i32
    %c0_i32_0 = arith.constant 0 : i32
    return %c0_i32, %arg0 : i32, i32
  }
}

module attributes {stable_mosaic.version = 14 : i64} {
  func.func @_tc_logits_body(%arg0: i32, %arg1: memref<1024x2048xf32, #tpu.memory_space<vmem>>, %arg2: memref<64x2048xf32, #tpu.memory_space<vmem>>, %arg3: memref<64x1024xf32, #tpu.memory_space<vmem>>) attributes {dimension_semantics = [#tpu.dimension_semantics<arbitrary>], iteration_bounds = array<i64: 4>, scalar_prefetch = 0 : i64, scratch_operands = 0 : i64, tpu.core_type = #tpu.core_type<tc>, window_params = [{transform_indices = @transform_0, window_bounds = array<i64: 1024, 2048>}, {pipeline_mode = #tpu.pipeline_mode<synchronous>, transform_indices = @transform_1, window_bounds = array<i64: 64, 2048>}, {transform_indices = @transform_2, window_bounds = array<i64: 64, 1024>}]} {
    %get3A = arith.constant 0 : index
    %get3A_0 = arith.constant 0 : index
    %get3A_1 = vector.load %arg2[%get3A, %get3A_0] : memref<64x2048xf32, #tpu.memory_space<vmem>>, vector<64x2048xf32>
    %get3A_2 = arith.constant 0 : index
    %get3A_3 = arith.constant 0 : index
    %get3A_4 = vector.load %arg1[%get3A_2, %get3A_3] : memref<1024x2048xf32, #tpu.memory_space<vmem>>, vector<1024x2048xf32>
    %dot_general3A = arith.constant dense<0.000000e+00> : vector<64x1024xf32>
    %dot_general3A_5 = tpu.matmul %get3A_1, %get3A_4, %dot_general3A {dimension_numbers = #tpu.dot_dimension_numbers<[1], [1], [0], [0], [0, 0, 1, 0], [], []>, transpose_lhs_hint = false} : vector<64x2048xf32>, vector<1024x2048xf32>, vector<64x1024xf32> -> vector<64x1024xf32>
    %swap3A = arith.constant 0 : index
    %swap3A_6 = arith.constant 0 : index
    %swap3A_7 = vector.load %arg3[%swap3A, %swap3A_6] : memref<64x1024xf32, #tpu.memory_space<vmem>>, vector<64x1024xf32>
    tpu.vector_store %arg3[%swap3A, %swap3A_6], %dot_general3A_5 {strides = array<i32>} : memref<64x1024xf32, #tpu.memory_space<vmem>>, vector<64x1024xf32>,
    return
  }
  func.func @transform_0(%arg0: i32) -> (i32, i32) {
    %add3A = arith.constant 0 : i32
    %add3A_0 = arith.addi %add3A, %arg0 : i32
    %c0_i32 = arith.constant 0 : i32
    %c0_i32_1 = arith.constant 0 : i32
    return %add3A_0, %c0_i32 : i32, i32
  }
  func.func @transform_1(%arg0: i32) -> (i32, i32) {
    %c0_i32 = arith.constant 0 : i32
    %c0_i32_0 = arith.constant 0 : i32
    %c0_i32_1 = arith.constant 0 : i32
    return %c0_i32, %c0_i32_0 : i32, i32
  }
  func.func @transform_2(%arg0: i32) -> (i32, i32) {
    %c0_i32 = arith.constant 0 : i32
    %c0_i32_0 = arith.constant 0 : i32
    return %c0_i32, %arg0 : i32, i32
  }
}

</mosaic_0001>

<sc_bundles>
// kernel: kernel.10.cloned.1.call-start
scs
__scs_entry_jumppad:
0x0: {  	(pc) =	sbr.rel $0x88, $3  }
0x1: {  	(tag) =	ssettag $0x0;
	lr =	simm.s32 $0x1  }
0x2: {  	[smem:$0x3F9F] =	sst lr;
	_ =	strace $0xD0000000  }
0x3: {  	_ = 	snop  }
0x4: {  	_ = 	snop  }
0x5: {  	_ = 	snop  }
0x6: {  	_ = 	snop  }
0x7: {  	_ = 	snop  }
__scs_overlays_trampoline_lowered:
0x8: {  	[smem:$0x3FAE] =	sst s0  }
0x9: {  	[smem:$0x3FAF] =	sst s1  }
0xa: {  	[smem:$0x3FB0] =	sst s2  }
0xb: {  	[smem:$0x3FB1] =	sst s3  }
0xc: {  	[smem:$0x3FB2] =	sst s4  }
0xd: {  	[smem:$0x3FB3] =	sst s5  }
0xe: {  	[smem:$0x3FB4] =	sst s6  }
0xf: {  	[smem:$0x3FB5] =	sst s7  }
0x10: {  	[smem:$0x3FB6] =	sst s8  }
0x11: {  	[smem:$0x3FB7] =	sst s9;
	s0 =	simm.s32 @!p0 $0x0  }
0x12: {  	s1 =	sld [smem:$0x3F9D];
	s0 =	simm.s32 @p0 $0x1  }
0x13: {  	[smem:$0x3FB8] =	sst s0;
	s0 =	simm.s32 @!p1 $0x0  }
0x14: {  	s2 =	sld [smem:$0x3F9C];
	s0 =	simm.s32 @p1 $0x1  }
0x15: {  	[smem:$0x3FB9] =	sst s0;
	s0 =	simm.s32 @!p2 $0x0  }
0x16: {  	s3 =	sld [smem:$0x3FDB];
	s0 =	simm.s32 @p2 $0x1  }
0x17: {  	s4 =	simm.s32 $0x1BF5;
	[smem:$0x3FBB] =	sst s0  }
0x18: {  	s0 =	sld [smem:$0x3F9E];
	_ =	swait.ge [sflag:s4], $0x0  }
0x19: {  	s7 =	sld [smem:$0x3F9F]  }
0x1a: {  	s8 =	sadd.s32 $0xFFFFE003, lr  }
0x1b: {  	s9 =	sadd.s32 $0xFFFFFEF7, lr;
	s5 =	simm.s32 $0xFFFFFFFF;
	p2 =	slt.u32 s8, $0xFFFFF086  }
0x1c: {  	p1 =	slt.u32 s9, $0xF7A;
	s5 =	simm.s32 @!p2 $0x0  }
0x1d: {  	s5 =	simm.s32 @p1 $0x1;
	p0 =	seq.s32 s7, s2  }
0x1e: {  	s7 =	smul.u32 @!p0 $0xF7A, s2;
	p2 =	seq.s32 @!p0 s5, $0x0  }
0x1f: {  	s9 =	smul.u32 $0xF7A, s1;
	s8 =	simm.s32 @!p0 $0x1BF5;
	p2 =	por !p2, p0  }
0x20: {  	[sflag:s8] =	ssyncset.s32 @!p0 $0xFFFFF086;
	s6 =	sadd.s32 @!p0 s3, s7;
	s7 =	simm.s32 @!p0 $0x108  }
0x21: {  	s3 =	sadd.s32 s3, s9;
	s6 =	sadd.s32 @!p0 $0x88, s6;
	s7 =	simm.s32 @p2 $0x1082  }
0x22: {  	[simem:s7], [sflag:s8] =	dma.local @!p0 [hbm:s6], $0xF7A  }
0x23: {  	s9 =	sor.u32 $0xD0000000, s2;
	s6 =	simm.s32 $0x108;
	_ =	swait.ge @!p0 [sflag:s8], $0x0  }
0x24: {  	s3 =	sadd.s32 $0x88, s3;
	s6 =	simm.s32 @!p1 $0x1082;
	[sflag:s4] =	ssyncset.s32 $0xFFFFF086  }
0x25: {  	[simem:s6], [sflag:s4] =	dma.local [hbm:s3], $0xF7A  }
0x26: {  	[smem:$0x3F9F] =	sst s1;
	(tag) =	ssettag s2;
	_ =	strace s9  }
0x27: {  	s1 =	sld [smem:$0x3FAF]  }
0x28: {  	s2 =	sld [smem:$0x3FB0]  }
0x29: {  	s4 =	sld [smem:$0x3FB2]  }
0x2a: {  	p0 =	seq.s32 s5, $0x0;
	s5 =	sld [smem:$0x3FB3]  }
0x2b: {  	s6 =	sld [smem:$0x3FB4]  }
0x2c: {  	s7 =	sld [smem:$0x3FB5]  }
0x2d: {  	s3 =	simm.s32 $0x108;
	s8 =	sld [smem:$0x3FB6]  }
0x2e: {  	s3 =	simm.s32 @!p0 $0x1082;
	s9 =	sld [smem:$0x3FB7]  }
0x2f: {  	lr =	sadd.s32 s0, s3;
	s0 =	sld [smem:$0x3FAE]  }
0x30: {  	s3 =	sld [smem:$0x3FB1]  }
0x31: {  	[smem:$0x3FBA] =	sst s10  }
0x32: {  	s10 =	sld [smem:$0x3FB8];
	_ =	sdelay $0x3  }
0x33: {  	p0 =	seq.s32 s10, $0x1;
	s10 =	sld [smem:$0x3FBA];
	_ =	sdelay $0x3  }
0x34: {  	[smem:$0x3FBA] =	sst s10  }
0x35: {  	s10 =	sld [smem:$0x3FB9];
	_ =	sdelay $0x3  }
0x36: {  	p1 =	seq.s32 s10, $0x1;
	s10 =	sld [smem:$0x3FBA];
	_ =	sdelay $0x3  }
0x37: {  	[smem:$0x3FBA] =	sst s10  }
0x38: {  	s10 =	sld [smem:$0x3FBB]  }
0x39: {  	_ = 	snop;
	(pc) =	sbr.ind lr, $3  }
0x3a: {  	_ = 	snop  }
0x3b: {  	_ = 	snop  }
0x3c: {  	p2 =	seq.s32 s10, $0x1;
	s10 =	sld [smem:$0x3FBA]  }
0x3d: {  	_ =	shalt  }
0x3e: {  	_ =	shalt  }
0x3f: {  	_ =	shalt  }
0x40: {  	_ =	shalt  }
0x41: {  	_ =	shalt  }
0x42: {  	_ =	shalt  }
0x43: {  	_ =	shalt  }
0x44: {  	_ =	shalt  }
0x45: {  	_ =	shalt  }
0x46: {  	_ =	shalt  }
0x47: {  	_ =	shalt  }
0x48: {  	_ =	shalt  }
0x49: {  	_ =	shalt  }
0x4a: {  	_ =	shalt  }
0x4b: {  	_ =	shalt  }
0x4c: {  	_ =	shalt  }
0x4d: {  	_ =	shalt  }
0x4e: {  	_ =	shalt  }
0x4f: {  	_ =	shalt  }
0x50: {  	_ =	shalt  }
0x51: {  	_ =	shalt  }
0x52: {  	_ =	shalt  }
0x53: {  	_ =	shalt  }
0x54: {  	_ =	shalt  }
0x55: {  	_ =	shalt  }
0x56: {  	_ =	shalt  }
0x57: {  	_ =	shalt  }
0x58: {  	_ =	shalt  }
0x59: {  	_ =	shalt  }
0x5a: {  	_ =	shalt  }
0x5b: {  	_ =	shalt  }
0x5c: {  	_ =	shalt  }
0x5d: {  	_ =	shalt  }
0x5e: {  	_ =	shalt  }
0x5f: {  	_ =	shalt  }
0x60: {  	_ =	shalt  }
0x61: {  	_ =	shalt  }
0x62: {  	_ =	shalt  }
0x63: {  	_ =	shalt  }
0x64: {  	_ =	shalt  }
0x65: {  	_ =	shalt  }
0x66: {  	_ =	shalt  }
0x67: {  	_ =	shalt  }
0x68: {  	_ =	shalt  }
0x69: {  	_ =	shalt  }
0x6a: {  	_ =	shalt  }
0x6b: {  	_ =	shalt  }
0x6c: {  	_ =	shalt  }
0x6d: {  	_ =	shalt  }
0x6e: {  	_ =	shalt  }
0x6f: {  	_ =	shalt  }
0x70: {  	_ =	shalt  }
0x71: {  	_ =	shalt  }
0x72: {  	_ =	shalt  }
0x73: {  	_ =	shalt  }
0x74: {  	_ =	shalt  }
0x75: {  	_ =	shalt  }
0x76: {  	_ =	shalt  }
0x77: {  	_ =	shalt  }
0x78: {  	_ =	shalt  }
0x79: {  	_ =	shalt  }
0x7a: {  	_ =	shalt  }
0x7b: {  	_ =	shalt  }
0x7c: {  	_ =	shalt  }
0x7d: {  	_ =	shalt  }
0x7e: {  	_ =	shalt  }
0x7f: {  	_ =	shalt  }
0x80: {  	_ =	shalt  }
0x81: {  	_ =	shalt  }
0x82: {  	_ =	shalt  }
0x83: {  	_ =	shalt  }
0x84: {  	_ =	shalt  }
0x85: {  	_ =	shalt  }
0x86: {  	_ =	shalt  }
0x87: {  	_ =	shalt  }
.Lfunc_end0:
.L_simem_size_0:
called_computation_lowered:
.L_overlay_start_0:
0x88: {  	s2 =	sld [smem:$0x3FD9]  }
0x89: {  	s3 =	sld [smem:$0x3FFE];
	_ =	sdelay $0x1  }
0x8a: {  	s1 =	srdreg.scid  }
0x8b: {  	s0 =	sand.u32 $0x1, s1  }
0x8c: {  	s16 =	sshll.u32 s0, $0xA;
	s2 =	sadd.s32 s3, s2  }
0x8d: {  	s2 =	sadd.s32 s2, s16  }
0x8e: {  	[smem:$0x3FC6] =	sst s2  }
0x8f: {  	_ = 	snop  }
0x90: {  	(tm) =	ssettm $0x1  }
0x91: {  	s17 =	sld [smem:$0x3FFB];
	_ =	sdelay $0x3  }
0x92: {  	_ =	strace s17  }
0x93: {  	s2 =	sld [smem:$0x3FFC];
	_ =	sdelay $0x3  }
0x94: {  	_ =	strace s2  }
0x95: {  	s2 =	sld [smem:$0x3FFD];
	_ =	sdelay $0x3  }
0x96: {  	_ =	strace s2  }
0x97: {  	_ =	strace $0x8FFFFFFF  }
0x98: {  	s18 =	sld [smem:$0x3FDB];
	_ =	sdelay $0x1  }
0x99: {  	s19 =	simm.s32 $_scs_section_size  }
0x9a: {  	s4 =	simm.s32 $_size__tile_overlayer_lowered;
	s5 =	simm.s32 $_tile_overlayer_lowered  }
0x9b: {  	s22 =	simm.s32 $0x1BFF;
	s21 =	sshll.u32 s5, $0x1;
	s2 =	sadd.s32 s19, s18  }
0x9c: {  	s6 =	simm.s32 $0x0;
	s20 =	sshll.u32 s4, $0x1;
	s4 =	sadd.s32 s21, s2  }
0x9d: {  	[timem:s6], [sflag:s22] =	dma.local [hbm:s4], s20  }
0x9e: {  	_ =	swait.ge [sflag:s22], s20  }
0x9f: {  	s3 =	ssub.s32 $0x0, s20;
	[sflag:s22] =	ssyncset.done $0x0  }
0xa0: {  	[sflag:s22] =	ssyncadd.s32 s3;
	_ =	sdelay $0x1  }
0xa1: {  	s23 =	simm.s32 $0x1B8B  }
0xa2: {  	_ =	swait.ge [sflag:s23], $0x1  }
0xa3: {  	[sflag:s23] =	ssyncset.done $0x0  }
0xa4: {  	s25 =	simm.s32 $0x1B8E;
	s24 =	sld [smem:$0x3FFE];
	[sflag:s23] =	ssyncadd.s32 $0xFFFFFFFF  }
0xa5: {  	s26 =	simm.s32 $execute0_lowered;
	[smem:$0x3FD2] =	sst s25  }
0xa6: {  	s4 =	sshll.u32 s26, $0x1;
	_ =	strace $0x80000046;
	[dreg:$0x1] =	wrdreg $0xFFFFFFFF  }
0xa7: {  	s28 =	simm.s32 $_size_execute0_lowered;
	s2 =	sadd.s32 s2, s4;
	[dreg:$0x0] =	wrdreg $0x0  }
0xa8: {  	s4 =	sshll.u32 s28, $0x1;
	[dreg:$0x2] =	wrdreg s2  }
0xa9: {  	[dreg:$0x3] =	wrdreg s4  }
0xaa: {  	[dreg:$0x4] =	wrdreg $0xC0  }
0xab: {  	_ =	task [dreg:s6], $0x5FFFF  }
0xac: {  	[dreg:$0x1] =	wrdreg $0xFFFFFFFF  }
0xad: {  	[dreg:$0x0] =	wrdreg $0x60  }
0xae: {  	[dreg:$0x2] =	wrdreg s24  }
0xaf: {  	[dreg:$0x3] =	wrdreg $0x9  }
0xb0: {  	_ =	task.clear_ibuf [dreg:s6], $0x4FFFF;
	_ =	strace $0x90000046  }
0xb1: {  	s29 =	simm.s32 $0x9;
	_ =	strace $0x80000048  }
0xb2: {  	_ =	swait.ge [sflag:s29], $0x1  }
0xb3: {  	[sflag:s29] =	ssyncadd.s32 $0xFFFFFFFF  }
0xb4: {  	_ =	strace $0x90000048  }
0xb5: {  	_ =	sfence  }
0xb6: {  	s30 =	sld [smem:$0x0];
	_ =	sdelay $0x2  }
0xb7: {  	s31 =	sshll.u32 s1, $0xD;
	s1 =	sshrl.u32 s1, $0x2  }
0xb8: {  	s3 =	sand.u32 $0x4000, s31;
	s1 =	sadd.s32 s1, s30  }
0xb9: {  	s0 =	sor.u32 s3, s0;
	s1 =	sshll.u32 s1, $0x11  }
0xba: {  	s0 =	sor.u32 s1, s0  }
0xbb: {  	s0 =	sadd.s32 $0x8F2B, s0  }
0xbc: {  	[sflag:s0] =	ssyncadd.remote.s32 $0x1  }
0xbd: {  	_ =	sfence.sel $0xFFFF  }
0xbe: {  	[dreg:$0x0] =	wrdreg $0xFFFFFFFF;
	(pc) =	sbr.abs _section_cstart, $3  }
0xbf: {  	[dreg:$0x1] =	wrdreg $0xFFFFFFFF  }
0xc0: {  	_ =	task.clear_ibuf [dreg:s6], $0x2FFFF;
	_ =	strace $0x9FFFFFFF  }
0xc1: {  	(tm) =	ssettm $0x7FFFFFFF  }
tec
execute0_lowered:
.L_overlay_start_1:
0x0: {  	(tag) =	ssettag $0x1  }
0x1: {  	s3 =	rddreg [dreg:$0x0];
	s2 =	srdreg.scid  }
0x2: {  	s0 =	rddreg [dreg:$0x1];
	s1 =	stileid.u32;
	s7 =	simm.s32 $0x8000  }
0x3: {  	s8 =	simm.s32 $0x1;
	s9 =	simm.s32 $0x2000;
	s10 =	simm.s32 $0x0  }
0x4: {  	s4 =	sand.u32 $0x1, s2;
	s2 =	simm.s32 $0x0;
	s5 =	sshll.u32 s1, $0x8  }
0x5: {  	s6 =	sshll.u32 s4, $0x7;
	[smem:$0x7FF] =	sst s2;
	s4 =	ssub.s32 $0x2, s4  }
0x6: {  	s5 =	sor.u32 s6, s5;
	_ =	strace $0x80000047;
	s30 =	sshrl.u32 s4, $0x1  }
0x7: {  	v0 =	vlaneseq.u32;
	s6 =	simm.s32 $0x400;
	s5 =	sadd.s32 s5, s3;
	s31 =	ssub.s32 s4, s30  }
0x8: {  	v0 =	vmul.u32 $0x8, v0;
	s3 =	sadd.s32 $0x1A00, s5;
	s4 =	sadd.s32 $0x9A00, s5;
	s5 =	smax.u32 s31, $0x1  }
.LBB2_1:
0x9: {  	[tilespmem:s2], [sflag:$0x1] =	stream.strided.gather [hbm4b:s3+s6], $0x2000, s7, s6, $0x38;
	[tilespmem:$0x2400] =	vst v63  }
0xa: {  	_ =	swait.ge [sflag:s8], $0x2000  }
0xb: {  	[sflag:s8] =	ssyncset.done $0x0  }
0xc: {  	s11 =	simm.s32 $0x200;
	s12 =	simm.s32 $0x0;
	[sflag:s8] =	ssyncadd.s32 $0xFFFFE000  }
.LBB2_2:
0xd: {  	v8 =	vimm.f32 $-Inf  }
0xe: {  	v1 =	vimm.s32 $0x0;
	v2 =	vimm.s32 $0x0;
	v4 =	vimm.s32 $0x0  }
0xf: {  	v3 =	vimm.s32 $0x0;
	v5 =	vimm.s32 $0x0;
	v6 =	vimm.s32 $0x0  }
0x10: {  	v7 =	vimm.s32 $0x0;
	v15 =	vimm.s32 $0x0;
	v9 =	vimm.f32 $-Inf  }
0x11: {  	v11 =	vimm.f32 $-Inf;
	v10 =	vimm.f32 $-Inf;
	v12 =	vimm.f32 $-Inf  }
0x12: {  	s13 =	sshll.u32 s12, $0x4;
	s14 =	simm.s32 $0x7;
	s15 =	smov.u32 s11;
	v13 =	vimm.f32 $-Inf;
	v14 =	vimm.f32 $-Inf;
	v16 =	vimm.f32 $-Inf  }
.LBB2_3:
0x13: {  	v17 =	vld [tilespmem:s15+$0xFFFFFE00];
	_ =	sdelay $0x4  }
0x14: {  	vm0 =	vgt.f32 v17, v16  }
0x15: {  	v18 =	vsel vm0, v16, v17  }
0x16: {  	vm1 =	vgt.f32 v18, v14  }
0x17: {  	s16 =	sadd.s32 $0xFFFFFFF9, s14;
	v19 =	vsel vm1, v14, v18  }
0x18: {  	v16 =	vsel vm0, v17, v16;
	v17 =	vsel vm0, s16, v15;
	vm2 =	vgt.f32 v19, v13  }
0x19: {  	v15 =	vnsel vm0, s16, v15;
	v14 =	vsel vm1, v18, v14;
	v18 =	vsel vm2, v13, v19  }
0x1a: {  	v20 =	vsel vm1, v15, v7;
	v7 =	vsel vm1, v7, v15;
	vm14 =	vgt.f32 v18, v12  }
0x1b: {  	v13 =	vsel vm2, v19, v13;
	v15 =	vsel vm2, v7, v6;
	v19 =	vsel vm14, v12, v18  }
0x1c: {  	v6 =	vsel vm2, v6, v7;
	v7 =	vsel vm14, v18, v12;
	v12 =	vld [tilespmem:s15+$0xFFFFFE80];
	vm15 =	vgt.f32 v19, v10  }
0x1d: {  	v18 =	vsel vm14, v6, v5;
	v5 =	vsel vm14, v5, v6;
	v6 =	vsel vm15, v10, v19  }
0x1e: {  	v10 =	vsel vm15, v19, v10;
	v19 =	vsel vm15, v5, v3;
	vm4 =	vgt.f32 v6, v11  }
0x1f: {  	v3 =	vsel vm15, v3, v5;
	v5 =	vsel vm4, v6, v11;
	v6 =	vsel vm4, v11, v6  }
0x20: {  	v11 =	vsel vm4, v3, v4;
	vm5 =	vgt.f32 v6, v9  }
0x21: {  	v3 =	vsel vm4, v4, v3;
	vm6 =	vgt.f32 v12, v16;
	v4 =	vsel vm5, v6, v9  }
0x22: {  	v6 =	vsel vm5, v9, v6;
	v9 =	vsel vm5, v3, v2;
	v21 =	vsel vm6, v16, v12  }
0x23: {  	v2 =	vsel vm5, v2, v3;
	vm7 =	vgt.f32 v6, v8;
	vm8 =	vgt.f32 v21, v14  }
0x24: {  	s25 =	sadd.s32 $0xFFFFFFFA, s14;
	v3 =	vsel vm7, v6, v8;
	v1 =	vsel vm7, v2, v1;
	v6 =	vsel vm8, v14, v21  }
0x25: {  	v2 =	vsel vm6, v12, v16;
	v12 =	vnsel vm6, s25, v17;
	vm9 =	vgt.f32 v6, v13  }
0x26: {  	v8 =	vsel vm6, s25, v17;
	v16 =	vsel vm8, v12, v20;
	v17 =	vsel vm9, v13, v6  }
0x27: {  	v12 =	vsel vm8, v20, v12;
	v6 =	vsel vm9, v6, v13;
	vm10 =	vgt.f32 v17, v7  }
0x28: {  	v52 =	vld [tilespmem:s15+$0xFFFFFF00];
	v13 =	vsel vm9, v12, v15;
	v12 =	vsel vm9, v15, v12;
	v15 =	vsel vm10, v7, v17  }
0x29: {  	v7 =	vsel vm10, v17, v7;
	v17 =	vsel vm10, v12, v18;
	vm11 =	vgt.f32 v15, v10  }
0x2a: {  	v12 =	vsel vm10, v18, v12;
	v18 =	vsel vm11, v15, v10;
	v10 =	vsel vm11, v10, v15  }
0x2b: {  	v15 =	vsel vm11, v12, v19;
	vm12 =	vgt.f32 v10, v5  }
0x2c: {  	v12 =	vsel vm11, v19, v12;
	v19 =	vsel vm12, v10, v5;
	v5 =	vsel vm12, v5, v10  }
0x2d: {  	v14 =	vsel vm8, v21, v14;
	vm14 =	vgt.f32 v52, v2;
	vm13 =	vgt.f32 v5, v4  }
0x2e: {  	v53 =	vsel vm12, v12, v11;
	v10 =	vsel vm12, v11, v12;
	v11 =	vsel vm13, v5, v4  }
0x2f: {  	v4 =	vsel vm13, v4, v5;
	v5 =	vsel vm14, v2, v52;
	v12 =	vsel vm13, v10, v9  }
0x30: {  	v9 =	vsel vm13, v9, v10;
	vm15 =	vgt.f32 v4, v3;
	vm3 =	vgt.f32 v5, v14  }
0x31: {  	s26 =	sadd.s32 $0xFFFFFFFB, s14;
	v3 =	vsel vm15, v4, v3;
	v4 =	vsel vm3, v14, v5;
	v1 =	vsel vm15, v9, v1  }
0x32: {  	v9 =	vsel vm14, s26, v8;
	v8 =	vnsel vm14, s26, v8;
	vm4 =	vgt.f32 v4, v6  }
0x33: {  	v5 =	vsel vm3, v5, v14;
	v14 =	vsel vm3, v8, v16;
	v10 =	vsel vm4, v6, v4  }
0x34: {  	v8 =	vsel vm3, v16, v8;
	v4 =	vsel vm4, v4, v6;
	vm5 =	vgt.f32 v10, v7  }
0x35: {  	v16 =	vsel vm4, v8, v13;
	v8 =	vsel vm4, v13, v8;
	v13 =	vld [tilespmem:s15+$0xFFFFFF80];
	v6 =	vsel vm5, v7, v10  }
0x36: {  	v2 =	vsel vm14, v52, v2;
	vm6 =	vgt.f32 v6, v18  }
0x37: {  	v7 =	vsel vm5, v10, v7;
	v10 =	vsel vm5, v8, v17;
	v54 =	vsel vm6, v18, v6  }
0x38: {  	v8 =	vsel vm5, v17, v8;
	v6 =	vsel vm6, v6, v18;
	vm7 =	vgt.f32 v54, v19  }
0x39: {  	v17 =	vsel vm6, v8, v15;
	v8 =	vsel vm6, v15, v8;
	v15 =	vsel vm7, v19, v54  }
0x3a: {  	vm9 =	vgt.f32 v13, v2;
	v18 =	vsel vm7, v54, v19;
	vm8 =	vgt.f32 v15, v11  }
0x3b: {  	v19 =	vsel vm7, v8, v53;
	v8 =	vsel vm7, v53, v8;
	v55 =	vsel vm8, v15, v11  }
0x3c: {  	v21 =	vsel vm8, v8, v12;
	v11 =	vsel vm8, v11, v15;
	v15 =	vsel vm9, v2, v13  }
0x3d: {  	v8 =	vsel vm8, v12, v8;
	vm10 =	vgt.f32 v11, v3;
	vm11 =	vgt.f32 v15, v5  }
0x3e: {  	s28 =	sadd.s32 $0xFFFFFFFC, s14;
	v2 =	vsel vm9, v13, v2;
	v1 =	vsel vm10, v8, v1;
	v8 =	vsel vm11, v5, v15  }
0x3f: {  	v3 =	vsel vm10, v11, v3;
	v11 =	vsel vm9, s28, v9;
	vm12 =	vgt.f32 v8, v4  }
0x40: {  	v9 =	vnsel vm9, s28, v9;
	v5 =	vsel vm11, v15, v5;
	v12 =	vsel vm12, v4, v8  }
0x41: {  	v13 =	vsel vm11, v9, v14;
	v9 =	vsel vm11, v14, v9;
	vm13 =	vgt.f32 v12, v7  }
0x42: {  	v4 =	vsel vm12, v8, v4;
	v8 =	vsel vm12, v9, v16;
	v14 =	vsel vm13, v7, v12  }
0x43: {  	v9 =	vsel vm12, v16, v9;
	v7 =	vsel vm13, v12, v7;
	v12 =	vld [tilespmem:s15+$0x0];
	vm14 =	vgt.f32 v14, v6  }
0x44: {  	v15 =	vsel vm13, v9, v10;
	v9 =	vsel vm13, v10, v9;
	v10 =	vsel vm14, v6, v14  }
0x45: {  	v6 =	vsel vm14, v14, v6;
	v14 =	vsel vm14, v9, v17;
	vm15 =	vgt.f32 v10, v18  }
0x46: {  	v9 =	vsel vm14, v17, v9;
	v16 =	vsel vm15, v10, v18;
	v10 =	vsel vm15, v18, v10  }
0x47: {  	v17 =	vsel vm15, v9, v19;
	vm4 =	vgt.f32 v10, v55  }
0x48: {  	v9 =	vsel vm15, v19, v9;
	vm5 =	vgt.f32 v12, v2;
	v18 =	vsel vm4, v10, v55  }
0x49: {  	v10 =	vsel vm4, v55, v10;
	v19 =	vsel vm4, v9, v21;
	v56 =	vsel vm5, v2, v12  }
0x4a: {  	v9 =	vsel vm4, v21, v9;
	vm6 =	vgt.f32 v10, v3;
	vm7 =	vgt.f32 v56, v5  }
0x4b: {  	s29 =	sadd.s32 $0xFFFFFFFD, s14;
	v3 =	vsel vm6, v10, v3;
	v1 =	vsel vm6, v9, v1;
	v9 =	vsel vm7, v5, v56  }
0x4c: {  	v10 =	vsel vm5, s29, v11;
	v11 =	vnsel vm5, s29, v11;
	vm8 =	vgt.f32 v9, v4  }
0x4d: {  	v2 =	vsel vm5, v12, v2;
	v12 =	vsel vm7, v11, v13;
	v57 =	vsel vm8, v4, v9  }
0x4e: {  	v11 =	vsel vm7, v13, v11;
	v13 =	vld [tilespmem:s15+$0x80];
	v4 =	vsel vm8, v9, v4;
	vm9 =	vgt.f32 v57, v7  }
0x4f: {  	v9 =	vsel vm8, v11, v8;
	v8 =	vsel vm8, v8, v11;
	v11 =	vsel vm9, v7, v57  }
0x50: {  	v5 =	vsel vm7, v56, v5;
	v58 =	vsel vm9, v8, v15;
	vm10 =	vgt.f32 v11, v6  }
0x51: {  	v8 =	vsel vm9, v15, v8;
	v15 =	vsel vm10, v11, v6;
	v6 =	vsel vm10, v6, v11  }
0x52: {  	v7 =	vsel vm9, v57, v7;
	v11 =	vsel vm10, v8, v14;
	vm11 =	vgt.f32 v6, v16  }
0x53: {  	v8 =	vsel vm10, v14, v8;
	vm13 =	vgt.f32 v13, v2;
	v14 =	vsel vm11, v6, v16  }
0x54: {  	v59 =	vsel vm11, v8, v17;
	v6 =	vsel vm11, v16, v6;
	v8 =	vsel vm11, v17, v8  }
0x55: {  	v17 =	vsel vm13, v2, v13;
	v2 =	vsel vm13, v13, v2;
	vm12 =	vgt.f32 v6, v18  }
0x56: {  	vm15 =	vgt.f32 v17, v5;
	v16 =	vsel vm12, v6, v18;
	v6 =	vsel vm12, v18, v6  }
0x57: {  	v18 =	vsel vm12, v8, v19;
	v8 =	vsel vm12, v19, v8;
	vm14 =	vgt.f32 v6, v3  }
0x58: {  	s30 =	sadd.s32 $0xFFFFFFFE, s14;
	v3 =	vsel vm14, v6, v3;
	v6 =	vsel vm15, v5, v17;
	v1 =	vsel vm14, v8, v1  }
0x59: {  	v8 =	vsel vm13, s30, v10;
	v10 =	vnsel vm13, s30, v10;
	vm6 =	vgt.f32 v6, v4  }
0x5a: {  	v5 =	vsel vm15, v17, v5;
	v17 =	vsel vm15, v10, v12;
	v13 =	vsel vm6, v4, v6  }
0x5b: {  	v10 =	vsel vm15, v12, v10;
	v4 =	vsel vm6, v6, v4;
	vm7 =	vgt.f32 v13, v7  }
0x5c: {  	v12 =	vsel vm6, v10, v9;
	v9 =	vsel vm6, v9, v10;
	v10 =	vld [tilespmem:s15+$0x100];
	v6 =	vsel vm7, v7, v13  }
0x5d: {  	vm8 =	vgt.f32 v6, v15  }
0x5e: {  	v7 =	vsel vm7, v13, v7;
	v13 =	vsel vm7, v9, v58;
	v19 =	vsel vm8, v15, v6  }
0x5f: {  	v9 =	vsel vm7, v58, v9;
	v6 =	vsel vm8, v6, v15;
	vm9 =	vgt.f32 v19, v14  }
0x60: {  	v15 =	vsel vm8, v9, v11;
	v9 =	vsel vm8, v11, v9;
	v11 =	vsel vm9, v14, v19  }
0x61: {  	vm11 =	vgt.f32 v10, v2;
	v14 =	vsel vm9, v19, v14;
	vm10 =	vgt.f32 v11, v16  }
0x62: {  	v19 =	vsel vm9, v9, v59;
	v9 =	vsel vm9, v59, v9;
	v60 =	vsel vm10, v11, v16  }
0x63: {  	v21 =	vsel vm10, v9, v18;
	v11 =	vsel vm10, v16, v11;
	v16 =	vsel vm11, v2, v10  }
0x64: {  	v9 =	vsel vm10, v18, v9;
	v2 =	vsel vm11, v10, v2;
	vm12 =	vgt.f32 v11, v3  }
0x65: {  	s31 =	sadd.s32 $0xFFFFFFFF, s14;
	v18 =	vld [tilespmem:s15+$0x180];
	vm13 =	vgt.f32 v16, v5;
	v3 =	vsel vm12, v11, v3;
	v1 =	vsel vm12, v9, v1  }
0x66: {  	v9 =	vsel vm13, v5, v16;
	v11 =	vsel vm11, s31, v8;
	v8 =	vnsel vm11, s31, v8  }
0x67: {  	v5 =	vsel vm13, v16, v5;
	vm14 =	vgt.f32 v9, v4;
	v16 =	vsel vm13, v8, v17  }
0x68: {  	v8 =	vsel vm13, v17, v8;
	v10 =	vsel vm14, v4, v9;
	v4 =	vsel vm14, v9, v4  }
0x69: {  	v9 =	vsel vm14, v8, v12;
	v8 =	vsel vm14, v12, v8;
	vm15 =	vgt.f32 v10, v7  }
0x6a: {  	vm7 =	vgt.f32 v18, v2;
	v17 =	vsel vm15, v7, v10;
	v10 =	vsel vm15, v10, v7  }
0x6b: {  	v22 =	vsel vm15, v8, v13;
	v12 =	vsel vm7, v2, v18;
	vm4 =	vgt.f32 v17, v6  }
0x6c: {  	v7 =	vsel vm15, v13, v8;
	vm8 =	vgt.f32 v12, v5;
	v8 =	vsel vm4, v6, v17  }
0x6d: {  	v17 =	vsel vm4, v17, v6;
	v23 =	vsel vm4, v7, v15;
	v6 =	vsel vm4, v15, v7  }
0x6e: {  	v13 =	vsel vm8, v5, v12;
	v15 =	vsel vm7, s14, v11;
	vm5 =	vgt.f32 v8, v14  }
0x6f: {  	vm10 =	vgt.f32 v13, v4;
	v24 =	vsel vm5, v8, v14;
	v7 =	vsel vm5, v14, v8  }
0x70: {  	v8 =	vsel vm5, v6, v19;
	v6 =	vsel vm5, v19, v6;
	v14 =	vsel vm8, v12, v5  }
0x71: {  	v5 =	vsel vm10, v4, v13;
	v13 =	vsel vm10, v13, v4;
	vm6 =	vgt.f32 v7, v60  }
0x72: {  	vm11 =	vgt.f32 v5, v10;
	v19 =	vsel vm6, v7, v60;
	v7 =	vsel vm6, v60, v7  }
0x73: {  	v61 =	vsel vm6, v6, v21;
	v6 =	vsel vm6, v21, v6;
	v4 =	vsel vm11, v10, v5  }
0x74: {  	v12 =	vsel vm11, v5, v10;
	vm9 =	vgt.f32 v7, v3;
	vm12 =	vgt.f32 v4, v17  }
0x75: {  	v62 =	vsel vm9, v7, v3;
	v1 =	vsel vm9, v6, v1;
	v3 =	vnsel vm7, s14, v11  }
0x76: {  	v63 =	vsel vm12, v17, v4;
	v10 =	vsel vm12, v4, v17;
	v7 =	vsel vm8, v3, v16  }
0x77: {  	v3 =	vsel vm8, v16, v3;
	vm13 =	vgt.f32 v63, v24;
	v16 =	vsel vm7, v18, v2  }
0x78: {  	p0 =	sne.s32 s14, $0x3F;
	v6 =	vsel vm10, v3, v9;
	v3 =	vsel vm10, v9, v3;
	v2 =	vsel vm13, v24, v63  }
.Ltmp0:
0x79: {  	v11 =	vsel vm13, v63, v24;
	v5 =	vsel vm11, v3, v22;
	v9 =	vsel vm11, v22, v3;
	(pc) =	sbr.rel @p0 .LBB2_3-.Ltmp0, $4  }
0x7a: {  	vm14 =	vgt.f32 v2, v19;
	v3 =	vsel vm12, v9, v23;
	v9 =	vsel vm12, v23, v9  }
0x7b: {  	v17 =	vsel vm14, v19, v2;
	v4 =	vsel vm13, v9, v8;
	v8 =	vsel vm13, v8, v9  }
0x7c: {  	v9 =	vsel vm14, v2, v19;
	vm15 =	vgt.f32 v17, v62;
	v18 =	vsel vm14, v61, v8  }
0x7d: {  	s15 =	sadd.s32 $0x400, s15;
	s14 =	sadd.s32 $0x8, s14;
	v2 =	vsel vm14, v8, v61;
	v8 =	vsel vm15, v17, v62;
	v1 =	vsel vm15, v18, v1  }
0x7e: {  	v8 =	vmov s13  }
0x7f: {  	v8 =	vshll.u32 v8, $0x3  }
0x80: {  	v8 =	vor.u32 v0, v8  }
0x81: {  	v9 =	vor.u32 $0x1, v8  }
0x82: {  	v10 =	vor.u32 $0x2, v8  }
0x83: {  	v11 =	vor.u32 $0x3, v8  }
0x84: {  	v12 =	vor.u32 $0x4, v8  }
0x85: {  	v13 =	vor.u32 $0x5, v8;
	[tilespmem:v8+s9+$0x0] =	vst.idx.msk $0xffff, v15  }
0x86: {  	s12 =	sadd.s32 $0x1, s12;
	v62 =	vor.u32 $0x6, v8;
	[tilespmem:v9+s9+$0x0] =	vst.idx.msk $0xffff, v7  }
0x87: {  	p0 =	sne.s32 s12, $0x8;
	v63 =	vor.u32 $0x7, v8;
	[tilespmem:v10+s9+$0x0] =	vst.idx.msk $0xffff, v6  }
.Ltmp1:
0x88: {  	[tilespmem:v11+s9+$0x0] =	vst.idx.msk $0xffff, v5;
	(pc) =	sbr.rel @p0 .LBB2_2-.Ltmp1, $4  }
0x89: {  	[tilespmem:v12+s9+$0x0] =	vst.idx.msk $0xffff, v3  }
0x8a: {  	[tilespmem:v13+s9+$0x0] =	vst.idx.msk $0xffff, v4  }
0x8b: {  	[tilespmem:v62+s9+$0x0] =	vst.idx.msk $0xffff, v2  }
0x8c: {  	s11 =	sadd.s32 $0x10, s11;
	[tilespmem:v63+s9+$0x0] =	vst.idx.msk $0xffff, v1  }
0x8d: {  	s10 =	sadd.s32 $0x1, s10  }
0x8e: {  	p0 =	sne.s32 s10, s5  }
.Ltmp2:
0x8f: {  	_ = 	snop;
	(pc) =	sbr.rel @p0 .LBB2_1-.Ltmp2, $4  }
0x90: {  	[hbm4b:s4+s2] =	stream.linear.scatter [tilespmem:s9], [sflag:$0x1], $0x400, $0x38;
	[tilespmem:$0x2400] =	vst v63  }
0x91: {  	_ =	swait.ge [sflag:s8], $0x400  }
0x92: {  	[sflag:s8] =	ssyncset.done $0x0  }
0x93: {  	[sflag:s8] =	ssyncadd.s32 $0xFFFFFC00  }
0x94: {  	_ =	sfence.sel $0x180000  }
0x95: {  	[bflag:$0x0] =	sbarrier.arrive $0xFFFF  }
0x96: {  	p0 =	sne.s32 s1, $0x0;
	_ =	strace $0x90000047  }
0x97: {  	s0 =	sadd.s32 @!p0 $0x100000, s0;
	[bflag:$0x2] =	sbarrier.arrive $0xFFFF  }
0x98: {  	[sflag:s0] =	ssyncadd.tile.s32 @!p0 $0x1;
	_ =	shalt  }
.Lfunc_end2:
_tile_overlayer_lowered:
.L_overlay_start_2:
0x99: {  	(tag) =	ssettag $0x2  }
0x9a: {  	s0 =	rddreg [dreg:$0x0];
	s2 =	stileid.u32  }
0x9b: {  	s1 =	rddreg [dreg:$0x1];
	p0 =	sne.s32 s2, $0x0  }
0x9c: {  	s3 =	rddreg [dreg:$0x2];
	[bflag:$0x3] =	sbarrier.arrive $0xFFFF;
	s2 =	simm.s32 @!p0 $0x1C01  }
0x9d: {  	[timem:s3], [sflag:s2] =	dma.local @!p0 [hbm:s0], s1  }
0x9e: {  	s0 =	simm.s32 @!p0 $0x1  }
0x9f: {  	_ =	swait.ge @!p0 [sflag:s0], s1  }
0xa0: {  	s1 =	ssub.s32 @!p0 $0x0, s1;
	[sflag:s0] =	ssyncset.done @!p0 $0x0  }
0xa1: {  	[sflag:s0] =	ssyncadd.s32 @!p0 s1  }
0xa2: {  	[bflag:$0x3] =	sbarrier.arrive $0xFFFF  }
0xa3: {  	_ =	shalt  }

// kernel: kernel.13.cloned.1.call-start
scs
__scs_entry_jumppad:
0x0: {  	(pc) =	sbr.rel $0x88, $3  }
0x1: {  	(tag) =	ssettag $0x0;
	lr =	simm.s32 $0x1  }
0x2: {  	[smem:$0x3F9F] =	sst lr;
	_ =	strace $0xD0000000  }
0x3: {  	_ = 	snop  }
0x4: {  	_ = 	snop  }
0x5: {  	_ = 	snop  }
0x6: {  	_ = 	snop  }
0x7: {  	_ = 	snop  }
__scs_overlays_trampoline_lowered:
0x8: {  	[smem:$0x3FAE] =	sst s0  }
0x9: {  	[smem:$0x3FAF] =	sst s1  }
0xa: {  	[smem:$0x3FB0] =	sst s2  }
0xb: {  	[smem:$0x3FB1] =	sst s3  }
0xc: {  	[smem:$0x3FB2] =	sst s4  }
0xd: {  	[smem:$0x3FB3] =	sst s5  }
0xe: {  	[smem:$0x3FB4] =	sst s6  }
0xf: {  	[smem:$0x3FB5] =	sst s7  }
0x10: {  	[smem:$0x3FB6] =	sst s8  }
0x11: {  	[smem:$0x3FB7] =	sst s9;
	s0 =	simm.s32 @!p0 $0x0  }
0x12: {  	s1 =	sld [smem:$0x3F9D];
	s0 =	simm.s32 @p0 $0x1  }
0x13: {  	[smem:$0x3FB8] =	sst s0;
	s0 =	simm.s32 @!p1 $0x0  }
0x14: {  	s2 =	sld [smem:$0x3F9C];
	s0 =	simm.s32 @p1 $0x1  }
0x15: {  	[smem:$0x3FB9] =	sst s0;
	s0 =	simm.s32 @!p2 $0x0  }
0x16: {  	s3 =	sld [smem:$0x3FDB];
	s0 =	simm.s32 @p2 $0x1  }
0x17: {  	s4 =	simm.s32 $0x1BF5;
	[smem:$0x3FBB] =	sst s0  }
0x18: {  	s0 =	sld [smem:$0x3F9E];
	_ =	swait.ge [sflag:s4], $0x0  }
0x19: {  	s7 =	sld [smem:$0x3F9F]  }
0x1a: {  	s8 =	sadd.s32 $0xFFFFE003, lr  }
0x1b: {  	s9 =	sadd.s32 $0xFFFFFEF7, lr;
	s5 =	simm.s32 $0xFFFFFFFF;
	p2 =	slt.u32 s8, $0xFFFFF086  }
0x1c: {  	p1 =	slt.u32 s9, $0xF7A;
	s5 =	simm.s32 @!p2 $0x0  }
0x1d: {  	s5 =	simm.s32 @p1 $0x1;
	p0 =	seq.s32 s7, s2  }
0x1e: {  	s7 =	smul.u32 @!p0 $0xF7A, s2;
	p2 =	seq.s32 @!p0 s5, $0x0  }
0x1f: {  	s9 =	smul.u32 $0xF7A, s1;
	s8 =	simm.s32 @!p0 $0x1BF5;
	p2 =	por !p2, p0  }
0x20: {  	[sflag:s8] =	ssyncset.s32 @!p0 $0xFFFFF086;
	s6 =	sadd.s32 @!p0 s3, s7;
	s7 =	simm.s32 @!p0 $0x108  }
0x21: {  	s3 =	sadd.s32 s3, s9;
	s6 =	sadd.s32 @!p0 $0x88, s6;
	s7 =	simm.s32 @p2 $0x1082  }
0x22: {  	[simem:s7], [sflag:s8] =	dma.local @!p0 [hbm:s6], $0xF7A  }
0x23: {  	s9 =	sor.u32 $0xD0000000, s2;
	s6 =	simm.s32 $0x108;
	_ =	swait.ge @!p0 [sflag:s8], $0x0  }
0x24: {  	s3 =	sadd.s32 $0x88, s3;
	s6 =	simm.s32 @!p1 $0x1082;
	[sflag:s4] =	ssyncset.s32 $0xFFFFF086  }
0x25: {  	[simem:s6], [sflag:s4] =	dma.local [hbm:s3], $0xF7A  }
0x26: {  	[smem:$0x3F9F] =	sst s1;
	(tag) =	ssettag s2;
	_ =	strace s9  }
0x27: {  	s1 =	sld [smem:$0x3FAF]  }
0x28: {  	s2 =	sld [smem:$0x3FB0]  }
0x29: {  	s4 =	sld [smem:$0x3FB2]  }
0x2a: {  	p0 =	seq.s32 s5, $0x0;
	s5 =	sld [smem:$0x3FB3]  }
0x2b: {  	s6 =	sld [smem:$0x3FB4]  }
0x2c: {  	s7 =	sld [smem:$0x3FB5]  }
0x2d: {  	s3 =	simm.s32 $0x108;
	s8 =	sld [smem:$0x3FB6]  }
0x2e: {  	s3 =	simm.s32 @!p0 $0x1082;
	s9 =	sld [smem:$0x3FB7]  }
0x2f: {  	lr =	sadd.s32 s0, s3;
	s0 =	sld [smem:$0x3FAE]  }
0x30: {  	s3 =	sld [smem:$0x3FB1]  }
0x31: {  	[smem:$0x3FBA] =	sst s10  }
0x32: {  	s10 =	sld [smem:$0x3FB8];
	_ =	sdelay $0x3  }
0x33: {  	p0 =	seq.s32 s10, $0x1;
	s10 =	sld [smem:$0x3FBA];
	_ =	sdelay $0x3  }
0x34: {  	[smem:$0x3FBA] =	sst s10  }
0x35: {  	s10 =	sld [smem:$0x3FB9];
	_ =	sdelay $0x3  }
0x36: {  	p1 =	seq.s32 s10, $0x1;
	s10 =	sld [smem:$0x3FBA];
	_ =	sdelay $0x3  }
0x37: {  	[smem:$0x3FBA] =	sst s10  }
0x38: {  	s10 =	sld [smem:$0x3FBB]  }
0x39: {  	_ = 	snop;
	(pc) =	sbr.ind lr, $3  }
0x3a: {  	_ = 	snop  }
0x3b: {  	_ = 	snop  }
0x3c: {  	p2 =	seq.s32 s10, $0x1;
	s10 =	sld [smem:$0x3FBA]  }
0x3d: {  	_ =	shalt  }
0x3e: {  	_ =	shalt  }
0x3f: {  	_ =	shalt  }
0x40: {  	_ =	shalt  }
0x41: {  	_ =	shalt  }
0x42: {  	_ =	shalt  }
0x43: {  	_ =	shalt  }
0x44: {  	_ =	shalt  }
0x45: {  	_ =	shalt  }
0x46: {  	_ =	shalt  }
0x47: {  	_ =	shalt  }
0x48: {  	_ =	shalt  }
0x49: {  	_ =	shalt  }
0x4a: {  	_ =	shalt  }
0x4b: {  	_ =	shalt  }
0x4c: {  	_ =	shalt  }
0x4d: {  	_ =	shalt  }
0x4e: {  	_ =	shalt  }
0x4f: {  	_ =	shalt  }
0x50: {  	_ =	shalt  }
0x51: {  	_ =	shalt  }
0x52: {  	_ =	shalt  }
0x53: {  	_ =	shalt  }
0x54: {  	_ =	shalt  }
0x55: {  	_ =	shalt  }
0x56: {  	_ =	shalt  }
0x57: {  	_ =	shalt  }
0x58: {  	_ =	shalt  }
0x59: {  	_ =	shalt  }
0x5a: {  	_ =	shalt  }
0x5b: {  	_ =	shalt  }
0x5c: {  	_ =	shalt  }
0x5d: {  	_ =	shalt  }
0x5e: {  	_ =	shalt  }
0x5f: {  	_ =	shalt  }
0x60: {  	_ =	shalt  }
0x61: {  	_ =	shalt  }
0x62: {  	_ =	shalt  }
0x63: {  	_ =	shalt  }
0x64: {  	_ =	shalt  }
0x65: {  	_ =	shalt  }
0x66: {  	_ =	shalt  }
0x67: {  	_ =	shalt  }
0x68: {  	_ =	shalt  }
0x69: {  	_ =	shalt  }
0x6a: {  	_ =	shalt  }
0x6b: {  	_ =	shalt  }
0x6c: {  	_ =	shalt  }
0x6d: {  	_ =	shalt  }
0x6e: {  	_ =	shalt  }
0x6f: {  	_ =	shalt  }
0x70: {  	_ =	shalt  }
0x71: {  	_ =	shalt  }
0x72: {  	_ =	shalt  }
0x73: {  	_ =	shalt  }
0x74: {  	_ =	shalt  }
0x75: {  	_ =	shalt  }
0x76: {  	_ =	shalt  }
0x77: {  	_ =	shalt  }
0x78: {  	_ =	shalt  }
0x79: {  	_ =	shalt  }
0x7a: {  	_ =	shalt  }
0x7b: {  	_ =	shalt  }
0x7c: {  	_ =	shalt  }
0x7d: {  	_ =	shalt  }
0x7e: {  	_ =	shalt  }
0x7f: {  	_ =	shalt  }
0x80: {  	_ =	shalt  }
0x81: {  	_ =	shalt  }
0x82: {  	_ =	shalt  }
0x83: {  	_ =	shalt  }
0x84: {  	_ =	shalt  }
0x85: {  	_ =	shalt  }
0x86: {  	_ =	shalt  }
0x87: {  	_ =	shalt  }
.Lfunc_end0:
.L_simem_size_0:
called_computation.1_lowered:
.L_overlay_start_0:
0x88: {  	s2 =	sld [smem:$0x3FD9]  }
0x89: {  	s3 =	sld [smem:$0x3FFE];
	_ =	sdelay $0x1  }
0x8a: {  	s1 =	srdreg.scid  }
0x8b: {  	s0 =	sand.u32 $0x1, s1  }
0x8c: {  	s17 =	sshll.u32 s0, $0xA;
	s2 =	sadd.s32 s3, s2  }
0x8d: {  	s2 =	sadd.s32 s2, s17  }
0x8e: {  	[smem:$0x3FC6] =	sst s2  }
0x8f: {  	_ = 	snop  }
0x90: {  	(tm) =	ssettm $0x1  }
0x91: {  	s18 =	sld [smem:$0x3FFB];
	_ =	sdelay $0x3  }
0x92: {  	_ =	strace s18  }
0x93: {  	s2 =	sld [smem:$0x3FFC];
	_ =	sdelay $0x3  }
0x94: {  	_ =	strace s2  }
0x95: {  	s2 =	sld [smem:$0x3FFD];
	_ =	sdelay $0x3  }
0x96: {  	_ =	strace s2  }
0x97: {  	_ =	strace $0x8FFFFFFF  }
0x98: {  	s19 =	sld [smem:$0x3FDB];
	_ =	sdelay $0x1  }
0x99: {  	s20 =	simm.s32 $_scs_section_size  }
0x9a: {  	s4 =	simm.s32 $_size__tile_overlayer_lowered;
	s5 =	simm.s32 $_tile_overlayer_lowered  }
0x9b: {  	s6 =	simm.s32 $0x1BFF;
	s21 =	sshll.u32 s5, $0x1;
	s3 =	sadd.s32 s20, s19  }
0x9c: {  	s22 =	simm.s32 $0x0;
	s4 =	sshll.u32 s4, $0x1;
	s5 =	sadd.s32 s21, s3  }
0x9d: {  	[timem:s22], [sflag:s6] =	dma.local [hbm:s5], s4  }
0x9e: {  	_ =	swait.ge [sflag:s6], s4  }
0x9f: {  	s4 =	ssub.s32 $0x0, s4;
	[sflag:s6] =	ssyncset.done $0x0  }
0xa0: {  	[sflag:s6] =	ssyncadd.s32 s4;
	_ =	sdelay $0x1  }
0xa1: {  	s23 =	simm.s32 $0x1B8B  }
0xa2: {  	_ =	swait.ge [sflag:s23], $0x1  }
0xa3: {  	[sflag:s23] =	ssyncset.done $0x0  }
0xa4: {  	[sflag:s23] =	ssyncadd.s32 $0xFFFFFFFF  }
0xa5: {  	s4 =	sld [smem:$0x0]  }
0xa6: {  	s5 =	sand.u32 $0xFFFFFFFE, s1  }
0xa7: {  	p0 =	sne.s32 s1, s5  }
0xa8: {  	s5 =	sshll.u32 @p0 s5, $0xE  }
0xa9: {  	s5 =	sadd.s32 @p0 $0x11B8D, s5;
	s6 =	sshll.u32 @p0 s4, $0x11  }
0xaa: {  	s5 =	sor.u32 @p0 s6, s5  }
0xab: {  	[sflag:s5] =	ssyncadd.remote.s32 @p0 $0x1;
	_ =	sdelay $0x1  }
0xac: {  	s5 =	simm.s32 @p0 $0x1B8D  }
0xad: {  	_ =	swait.eq @p0 [sflag:s5], $0x1  }
0xae: {  	[sflag:s5] =	ssyncadd.s32 @p0 $0xFFFFFFFF  }
0xaf: {  	s6 =	sshll.u32 @!p0 s1, $0xE  }
0xb0: {  	s6 =	sor.u32 @!p0 $0x4000, s6;
	s5 =	simm.s32 @!p0 $0x1B8D  }
0xb1: {  	s4 =	sshll.u32 @!p0 s4, $0x11;
	s6 =	sadd.s32 @!p0 $0x11B8D, s6;
	_ =	swait.eq @!p0 [sflag:s5], $0x1  }
0xb2: {  	s4 =	sor.u32 @!p0 s4, s6;
	[sflag:s5] =	ssyncadd.s32 @!p0 $0xFFFFFFFF  }
0xb3: {  	s25 =	simm.s32 $0x1B8E;
	s24 =	sld [smem:$0x3FFE];
	[sflag:s4] =	ssyncadd.remote.s32 @!p0 $0x1  }
0xb4: {  	s26 =	simm.s32 $execute0_lowered;
	[smem:$0x3FD2] =	sst s25  }
0xb5: {  	s5 =	sshll.u32 s26, $0x1;
	_ =	strace $0x80000049;
	[dreg:$0x1] =	wrdreg $0xFFFFFFFF  }
0xb6: {  	s28 =	simm.s32 $_size_execute0_lowered;
	s3 =	sadd.s32 s3, s5;
	[dreg:$0x0] =	wrdreg $0x0  }
0xb7: {  	s5 =	sshll.u32 s28, $0x1;
	[dreg:$0x2] =	wrdreg s3  }
0xb8: {  	[dreg:$0x3] =	wrdreg s5  }
0xb9: {  	[dreg:$0x4] =	wrdreg $0xC0  }
0xba: {  	_ =	task [dreg:s22], $0x5FFFF  }
0xbb: {  	[dreg:$0x1] =	wrdreg $0xFFFFFFFF  }
0xbc: {  	[dreg:$0x0] =	wrdreg $0x60  }
0xbd: {  	[dreg:$0x2] =	wrdreg s24  }
0xbe: {  	[dreg:$0x3] =	wrdreg $0xA  }
0xbf: {  	_ =	task.clear_ibuf [dreg:s22], $0x4FFFF;
	_ =	strace $0x90000049  }
0xc0: {  	s29 =	simm.s32 $0xA;
	_ =	strace $0x8000004B  }
0xc1: {  	_ =	swait.ge [sflag:s29], $0x1  }
0xc2: {  	[sflag:s29] =	ssyncadd.s32 $0xFFFFFFFF  }
0xc3: {  	_ =	strace $0x9000004B  }
0xc4: {  	_ =	sfence  }
0xc5: {  	s30 =	sld [smem:$0x0];
	_ =	sdelay $0x2  }
0xc6: {  	s31 =	sshll.u32 s1, $0xD;
	s1 =	sshrl.u32 s1, $0x2  }
0xc7: {  	s4 =	sand.u32 $0x4000, s31;
	s1 =	sadd.s32 s1, s30  }
0xc8: {  	s0 =	sor.u32 s4, s0;
	s1 =	sshll.u32 s1, $0x11  }
0xc9: {  	s0 =	sor.u32 s1, s0  }
0xca: {  	s0 =	sadd.s32 $0x8F2B, s0  }
0xcb: {  	[sflag:s0] =	ssyncadd.remote.s32 $0x1  }
0xcc: {  	_ =	sfence.sel $0xFFFF  }
0xcd: {  	[dreg:$0x0] =	wrdreg $0xFFFFFFFF;
	(pc) =	sbr.abs _section_cstart, $3  }
0xce: {  	[dreg:$0x1] =	wrdreg $0xFFFFFFFF  }
0xcf: {  	_ =	task.clear_ibuf [dreg:s22], $0x2FFFF;
	_ =	strace $0x9FFFFFFF  }
0xd0: {  	(tm) =	ssettm $0x7FFFFFFF  }
0xd1: {  	_ =	shalt  }
tec
execute0_lowered:
.L_overlay_start_1:
0x0: {  	(tag) =	ssettag $0x1  }
0x1: {  	s3 =	rddreg [dreg:$0x0];
	s2 =	srdreg.scid  }
0x2: {  	s0 =	rddreg [dreg:$0x1];
	s1 =	stileid.u32;
	s7 =	simm.s32 $0x8000  }
0x3: {  	s8 =	simm.s32 $0x1;
	s9 =	simm.s32 $0x2000;
	s10 =	simm.s32 $0x0  }
0x4: {  	s4 =	sand.u32 $0x1, s2;
	s2 =	simm.s32 $0x0;
	s5 =	sshll.u32 s1, $0x8  }
0x5: {  	s6 =	sshll.u32 s4, $0x7;
	[smem:$0x7FF] =	sst s2;
	s4 =	ssub.s32 $0x2, s4  }
0x6: {  	s5 =	sor.u32 s6, s5;
	_ =	strace $0x8000004A;
	s30 =	sshrl.u32 s4, $0x1  }
0x7: {  	v0 =	vlaneseq.u32;
	s6 =	simm.s32 $0x400;
	s5 =	sadd.s32 s5, s3;
	s31 =	ssub.s32 s4, s30  }
0x8: {  	v0 =	vmul.u32 $0x8, v0;
	s3 =	sadd.s32 $0xAA00, s5;
	s4 =	sadd.s32 $0x12A00, s5;
	s5 =	smax.u32 s31, $0x1  }
.LBB2_1:
0x9: {  	[tilespmem:s2], [sflag:$0x1] =	stream.strided.gather [hbm4b:s3+s6], $0x2000, s7, s6, $0x38;
	[tilespmem:$0x2400] =	vst v63  }
0xa: {  	_ =	swait.ge [sflag:s8], $0x2000  }
0xb: {  	[sflag:s8] =	ssyncset.done $0x0  }
0xc: {  	s11 =	simm.s32 $0x200;
	s12 =	simm.s32 $0x0;
	[sflag:s8] =	ssyncadd.s32 $0xFFFFE000  }
.LBB2_2:
0xd: {  	v8 =	vimm.f32 $-Inf  }
0xe: {  	v1 =	vimm.s32 $0x0;
	v2 =	vimm.s32 $0x0;
	v4 =	vimm.s32 $0x0  }
0xf: {  	v3 =	vimm.s32 $0x0;
	v5 =	vimm.s32 $0x0;
	v6 =	vimm.s32 $0x0  }
0x10: {  	v7 =	vimm.s32 $0x0;
	v15 =	vimm.s32 $0x0;
	v9 =	vimm.f32 $-Inf  }
0x11: {  	v11 =	vimm.f32 $-Inf;
	v10 =	vimm.f32 $-Inf;
	v12 =	vimm.f32 $-Inf  }
0x12: {  	s13 =	sshll.u32 s12, $0x4;
	s14 =	simm.s32 $0x7;
	s15 =	smov.u32 s11;
	v13 =	vimm.f32 $-Inf;
	v14 =	vimm.f32 $-Inf;
	v16 =	vimm.f32 $-Inf  }
.LBB2_3:
0x13: {  	v17 =	vld [tilespmem:s15+$0xFFFFFE00];
	_ =	sdelay $0x4  }
0x14: {  	vm0 =	vgt.f32 v17, v16  }
0x15: {  	v18 =	vsel vm0, v16, v17  }
0x16: {  	vm1 =	vgt.f32 v18, v14  }
0x17: {  	s16 =	sadd.s32 $0xFFFFFFF9, s14;
	v19 =	vsel vm1, v14, v18  }
0x18: {  	v16 =	vsel vm0, v17, v16;
	v17 =	vsel vm0, s16, v15;
	vm2 =	vgt.f32 v19, v13  }
0x19: {  	v15 =	vnsel vm0, s16, v15;
	v14 =	vsel vm1, v18, v14;
	v18 =	vsel vm2, v13, v19  }
0x1a: {  	v20 =	vsel vm1, v15, v7;
	v7 =	vsel vm1, v7, v15;
	vm14 =	vgt.f32 v18, v12  }
0x1b: {  	v13 =	vsel vm2, v19, v13;
	v15 =	vsel vm2, v7, v6;
	v19 =	vsel vm14, v12, v18  }
0x1c: {  	v6 =	vsel vm2, v6, v7;
	v7 =	vsel vm14, v18, v12;
	v12 =	vld [tilespmem:s15+$0xFFFFFE80];
	vm15 =	vgt.f32 v19, v10  }
0x1d: {  	v18 =	vsel vm14, v6, v5;
	v5 =	vsel vm14, v5, v6;
	v6 =	vsel vm15, v10, v19  }
0x1e: {  	v10 =	vsel vm15, v19, v10;
	v19 =	vsel vm15, v5, v3;
	vm4 =	vgt.f32 v6, v11  }
0x1f: {  	v3 =	vsel vm15, v3, v5;
	v5 =	vsel vm4, v6, v11;
	v6 =	vsel vm4, v11, v6  }
0x20: {  	v11 =	vsel vm4, v3, v4;
	vm5 =	vgt.f32 v6, v9  }
0x21: {  	v3 =	vsel vm4, v4, v3;
	vm6 =	vgt.f32 v12, v16;
	v4 =	vsel vm5, v6, v9  }
0x22: {  	v6 =	vsel vm5, v9, v6;
	v9 =	vsel vm5, v3, v2;
	v21 =	vsel vm6, v16, v12  }
0x23: {  	v2 =	vsel vm5, v2, v3;
	vm7 =	vgt.f32 v6, v8;
	vm8 =	vgt.f32 v21, v14  }
0x24: {  	s25 =	sadd.s32 $0xFFFFFFFA, s14;
	v3 =	vsel vm7, v6, v8;
	v1 =	vsel vm7, v2, v1;
	v6 =	vsel vm8, v14, v21  }
0x25: {  	v2 =	vsel vm6, v12, v16;
	v12 =	vnsel vm6, s25, v17;
	vm9 =	vgt.f32 v6, v13  }
0x26: {  	v8 =	vsel vm6, s25, v17;
	v16 =	vsel vm8, v12, v20;
	v17 =	vsel vm9, v13, v6  }
0x27: {  	v12 =	vsel vm8, v20, v12;
	v6 =	vsel vm9, v6, v13;
	vm10 =	vgt.f32 v17, v7  }
0x28: {  	v52 =	vld [tilespmem:s15+$0xFFFFFF00];
	v13 =	vsel vm9, v12, v15;
	v12 =	vsel vm9, v15, v12;
	v15 =	vsel vm10, v7, v17  }
0x29: {  	v7 =	vsel vm10, v17, v7;
	v17 =	vsel vm10, v12, v18;
	vm11 =	vgt.f32 v15, v10  }
0x2a: {  	v12 =	vsel vm10, v18, v12;
	v18 =	vsel vm11, v15, v10;
	v10 =	vsel vm11, v10, v15  }
0x2b: {  	v15 =	vsel vm11, v12, v19;
	vm12 =	vgt.f32 v10, v5  }
0x2c: {  	v12 =	vsel vm11, v19, v12;
	v19 =	vsel vm12, v10, v5;
	v5 =	vsel vm12, v5, v10  }
0x2d: {  	v14 =	vsel vm8, v21, v14;
	vm14 =	vgt.f32 v52, v2;
	vm13 =	vgt.f32 v5, v4  }
0x2e: {  	v53 =	vsel vm12, v12, v11;
	v10 =	vsel vm12, v11, v12;
	v11 =	vsel vm13, v5, v4  }
0x2f: {  	v4 =	vsel vm13, v4, v5;
	v5 =	vsel vm14, v2, v52;
	v12 =	vsel vm13, v10, v9  }
0x30: {  	v9 =	vsel vm13, v9, v10;
	vm15 =	vgt.f32 v4, v3;
	vm3 =	vgt.f32 v5, v14  }
0x31: {  	s26 =	sadd.s32 $0xFFFFFFFB, s14;
	v3 =	vsel vm15, v4, v3;
	v4 =	vsel vm3, v14, v5;
	v1 =	vsel vm15, v9, v1  }
0x32: {  	v9 =	vsel vm14, s26, v8;
	v8 =	vnsel vm14, s26, v8;
	vm4 =	vgt.f32 v4, v6  }
0x33: {  	v5 =	vsel vm3, v5, v14;
	v14 =	vsel vm3, v8, v16;
	v10 =	vsel vm4, v6, v4  }
0x34: {  	v8 =	vsel vm3, v16, v8;
	v4 =	vsel vm4, v4, v6;
	vm5 =	vgt.f32 v10, v7  }
0x35: {  	v16 =	vsel vm4, v8, v13;
	v8 =	vsel vm4, v13, v8;
	v13 =	vld [tilespmem:s15+$0xFFFFFF80];
	v6 =	vsel vm5, v7, v10  }
0x36: {  	v2 =	vsel vm14, v52, v2;
	vm6 =	vgt.f32 v6, v18  }
0x37: {  	v7 =	vsel vm5, v10, v7;
	v10 =	vsel vm5, v8, v17;
	v54 =	vsel vm6, v18, v6  }
0x38: {  	v8 =	vsel vm5, v17, v8;
	v6 =	vsel vm6, v6, v18;
	vm7 =	vgt.f32 v54, v19  }
0x39: {  	v17 =	vsel vm6, v8, v15;
	v8 =	vsel vm6, v15, v8;
	v15 =	vsel vm7, v19, v54  }
0x3a: {  	vm9 =	vgt.f32 v13, v2;
	v18 =	vsel vm7, v54, v19;
	vm8 =	vgt.f32 v15, v11  }
0x3b: {  	v19 =	vsel vm7, v8, v53;
	v8 =	vsel vm7, v53, v8;
	v55 =	vsel vm8, v15, v11  }
0x3c: {  	v21 =	vsel vm8, v8, v12;
	v11 =	vsel vm8, v11, v15;
	v15 =	vsel vm9, v2, v13  }
0x3d: {  	v8 =	vsel vm8, v12, v8;
	vm10 =	vgt.f32 v11, v3;
	vm11 =	vgt.f32 v15, v5  }
0x3e: {  	s28 =	sadd.s32 $0xFFFFFFFC, s14;
	v2 =	vsel vm9, v13, v2;
	v1 =	vsel vm10, v8, v1;
	v8 =	vsel vm11, v5, v15  }
0x3f: {  	v3 =	vsel vm10, v11, v3;
	v11 =	vsel vm9, s28, v9;
	vm12 =	vgt.f32 v8, v4  }
0x40: {  	v9 =	vnsel vm9, s28, v9;
	v5 =	vsel vm11, v15, v5;
	v12 =	vsel vm12, v4, v8  }
0x41: {  	v13 =	vsel vm11, v9, v14;
	v9 =	vsel vm11, v14, v9;
	vm13 =	vgt.f32 v12, v7  }
0x42: {  	v4 =	vsel vm12, v8, v4;
	v8 =	vsel vm12, v9, v16;
	v14 =	vsel vm13, v7, v12  }
0x43: {  	v9 =	vsel vm12, v16, v9;
	v7 =	vsel vm13, v12, v7;
	v12 =	vld [tilespmem:s15+$0x0];
	vm14 =	vgt.f32 v14, v6  }
0x44: {  	v15 =	vsel vm13, v9, v10;
	v9 =	vsel vm13, v10, v9;
	v10 =	vsel vm14, v6, v14  }
0x45: {  	v6 =	vsel vm14, v14, v6;
	v14 =	vsel vm14, v9, v17;
	vm15 =	vgt.f32 v10, v18  }
0x46: {  	v9 =	vsel vm14, v17, v9;
	v16 =	vsel vm15, v10, v18;
	v10 =	vsel vm15, v18, v10  }
0x47: {  	v17 =	vsel vm15, v9, v19;
	vm4 =	vgt.f32 v10, v55  }
0x48: {  	v9 =	vsel vm15, v19, v9;
	vm5 =	vgt.f32 v12, v2;
	v18 =	vsel vm4, v10, v55  }
0x49: {  	v10 =	vsel vm4, v55, v10;
	v19 =	vsel vm4, v9, v21;
	v56 =	vsel vm5, v2, v12  }
0x4a: {  	v9 =	vsel vm4, v21, v9;
	vm6 =	vgt.f32 v10, v3;
	vm7 =	vgt.f32 v56, v5  }
0x4b: {  	s29 =	sadd.s32 $0xFFFFFFFD, s14;
	v3 =	vsel vm6, v10, v3;
	v1 =	vsel vm6, v9, v1;
	v9 =	vsel vm7, v5, v56  }
0x4c: {  	v10 =	vsel vm5, s29, v11;
	v11 =	vnsel vm5, s29, v11;
	vm8 =	vgt.f32 v9, v4  }
0x4d: {  	v2 =	vsel vm5, v12, v2;
	v12 =	vsel vm7, v11, v13;
	v57 =	vsel vm8, v4, v9  }
0x4e: {  	v11 =	vsel vm7, v13, v11;
	v13 =	vld [tilespmem:s15+$0x80];
	v4 =	vsel vm8, v9, v4;
	vm9 =	vgt.f32 v57, v7  }
0x4f: {  	v9 =	vsel vm8, v11, v8;
	v8 =	vsel vm8, v8, v11;
	v11 =	vsel vm9, v7, v57  }
0x50: {  	v5 =	vsel vm7, v56, v5;
	v58 =	vsel vm9, v8, v15;
	vm10 =	vgt.f32 v11, v6  }
0x51: {  	v8 =	vsel vm9, v15, v8;
	v15 =	vsel vm10, v11, v6;
	v6 =	vsel vm10, v6, v11  }
0x52: {  	v7 =	vsel vm9, v57, v7;
	v11 =	vsel vm10, v8, v14;
	vm11 =	vgt.f32 v6, v16  }
0x53: {  	v8 =	vsel vm10, v14, v8;
	vm13 =	vgt.f32 v13, v2;
	v14 =	vsel vm11, v6, v16  }
0x54: {  	v59 =	vsel vm11, v8, v17;
	v6 =	vsel vm11, v16, v6;
	v8 =	vsel vm11, v17, v8  }
0x55: {  	v17 =	vsel vm13, v2, v13;
	v2 =	vsel vm13, v13, v2;
	vm12 =	vgt.f32 v6, v18  }
0x56: {  	vm15 =	vgt.f32 v17, v5;
	v16 =	vsel vm12, v6, v18;
	v6 =	vsel vm12, v18, v6  }
0x57: {  	v18 =	vsel vm12, v8, v19;
	v8 =	vsel vm12, v19, v8;
	vm14 =	vgt.f32 v6, v3  }
0x58: {  	s30 =	sadd.s32 $0xFFFFFFFE, s14;
	v3 =	vsel vm14, v6, v3;
	v6 =	vsel vm15, v5, v17;
	v1 =	vsel vm14, v8, v1  }
0x59: {  	v8 =	vsel vm13, s30, v10;
	v10 =	vnsel vm13, s30, v10;
	vm6 =	vgt.f32 v6, v4  }
0x5a: {  	v5 =	vsel vm15, v17, v5;
	v17 =	vsel vm15, v10, v12;
	v13 =	vsel vm6, v4, v6  }
0x5b: {  	v10 =	vsel vm15, v12, v10;
	v4 =	vsel vm6, v6, v4;
	vm7 =	vgt.f32 v13, v7  }
0x5c: {  	v12 =	vsel vm6, v10, v9;
	v9 =	vsel vm6, v9, v10;
	v10 =	vld [tilespmem:s15+$0x100];
	v6 =	vsel vm7, v7, v13  }
0x5d: {  	vm8 =	vgt.f32 v6, v15  }
0x5e: {  	v7 =	vsel vm7, v13, v7;
	v13 =	vsel vm7, v9, v58;
	v19 =	vsel vm8, v15, v6  }
0x5f: {  	v9 =	vsel vm7, v58, v9;
	v6 =	vsel vm8, v6, v15;
	vm9 =	vgt.f32 v19, v14  }
0x60: {  	v15 =	vsel vm8, v9, v11;
	v9 =	vsel vm8, v11, v9;
	v11 =	vsel vm9, v14, v19  }
0x61: {  	vm11 =	vgt.f32 v10, v2;
	v14 =	vsel vm9, v19, v14;
	vm10 =	vgt.f32 v11, v16  }
0x62: {  	v19 =	vsel vm9, v9, v59;
	v9 =	vsel vm9, v59, v9;
	v60 =	vsel vm10, v11, v16  }
0x63: {  	v21 =	vsel vm10, v9, v18;
	v11 =	vsel vm10, v16, v11;
	v16 =	vsel vm11, v2, v10  }
0x64: {  	v9 =	vsel vm10, v18, v9;
	v2 =	vsel vm11, v10, v2;
	vm12 =	vgt.f32 v11, v3  }
0x65: {  	s31 =	sadd.s32 $0xFFFFFFFF, s14;
	v18 =	vld [tilespmem:s15+$0x180];
	vm13 =	vgt.f32 v16, v5;
	v3 =	vsel vm12, v11, v3;
	v1 =	vsel vm12, v9, v1  }
0x66: {  	v9 =	vsel vm13, v5, v16;
	v11 =	vsel vm11, s31, v8;
	v8 =	vnsel vm11, s31, v8  }
0x67: {  	v5 =	vsel vm13, v16, v5;
	vm14 =	vgt.f32 v9, v4;
	v16 =	vsel vm13, v8, v17  }
0x68: {  	v8 =	vsel vm13, v17, v8;
	v10 =	vsel vm14, v4, v9;
	v4 =	vsel vm14, v9, v4  }
0x69: {  	v9 =	vsel vm14, v8, v12;
	v8 =	vsel vm14, v12, v8;
	vm15 =	vgt.f32 v10, v7  }
0x6a: {  	vm7 =	vgt.f32 v18, v2;
	v17 =	vsel vm15, v7, v10;
	v10 =	vsel vm15, v10, v7  }
0x6b: {  	v22 =	vsel vm15, v8, v13;
	v12 =	vsel vm7, v2, v18;
	vm4 =	vgt.f32 v17, v6  }
0x6c: {  	v7 =	vsel vm15, v13, v8;
	vm8 =	vgt.f32 v12, v5;
	v8 =	vsel vm4, v6, v17  }
0x6d: {  	v17 =	vsel vm4, v17, v6;
	v23 =	vsel vm4, v7, v15;
	v6 =	vsel vm4, v15, v7  }
0x6e: {  	v13 =	vsel vm8, v5, v12;
	v15 =	vsel vm7, s14, v11;
	vm5 =	vgt.f32 v8, v14  }
0x6f: {  	vm10 =	vgt.f32 v13, v4;
	v24 =	vsel vm5, v8, v14;
	v7 =	vsel vm5, v14, v8  }
0x70: {  	v8 =	vsel vm5, v6, v19;
	v6 =	vsel vm5, v19, v6;
	v14 =	vsel vm8, v12, v5  }
0x71: {  	v5 =	vsel vm10, v4, v13;
	v13 =	vsel vm10, v13, v4;
	vm6 =	vgt.f32 v7, v60  }
0x72: {  	vm11 =	vgt.f32 v5, v10;
	v19 =	vsel vm6, v7, v60;
	v7 =	vsel vm6, v60, v7  }
0x73: {  	v61 =	vsel vm6, v6, v21;
	v6 =	vsel vm6, v21, v6;
	v4 =	vsel vm11, v10, v5  }
0x74: {  	v12 =	vsel vm11, v5, v10;
	vm9 =	vgt.f32 v7, v3;
	vm12 =	vgt.f32 v4, v17  }
0x75: {  	v62 =	vsel vm9, v7, v3;
	v1 =	vsel vm9, v6, v1;
	v3 =	vnsel vm7, s14, v11  }
0x76: {  	v63 =	vsel vm12, v17, v4;
	v10 =	vsel vm12, v4, v17;
	v7 =	vsel vm8, v3, v16  }
0x77: {  	v3 =	vsel vm8, v16, v3;
	vm13 =	vgt.f32 v63, v24;
	v16 =	vsel vm7, v18, v2  }
0x78: {  	p0 =	sne.s32 s14, $0x3F;
	v6 =	vsel vm10, v3, v9;
	v3 =	vsel vm10, v9, v3;
	v2 =	vsel vm13, v24, v63  }
.Ltmp0:
0x79: {  	v11 =	vsel vm13, v63, v24;
	v5 =	vsel vm11, v3, v22;
	v9 =	vsel vm11, v22, v3;
	(pc) =	sbr.rel @p0 .LBB2_3-.Ltmp0, $4  }
0x7a: {  	vm14 =	vgt.f32 v2, v19;
	v3 =	vsel vm12, v9, v23;
	v9 =	vsel vm12, v23, v9  }
0x7b: {  	v17 =	vsel vm14, v19, v2;
	v4 =	vsel vm13, v9, v8;
	v8 =	vsel vm13, v8, v9  }
0x7c: {  	v9 =	vsel vm14, v2, v19;
	vm15 =	vgt.f32 v17, v62;
	v18 =	vsel vm14, v61, v8  }
0x7d: {  	s15 =	sadd.s32 $0x400, s15;
	s14 =	sadd.s32 $0x8, s14;
	v2 =	vsel vm14, v8, v61;
	v8 =	vsel vm15, v17, v62;
	v1 =	vsel vm15, v18, v1  }
0x7e: {  	v8 =	vmov s13  }
0x7f: {  	v8 =	vshll.u32 v8, $0x3  }
0x80: {  	v8 =	vor.u32 v0, v8  }
0x81: {  	v9 =	vor.u32 $0x1, v8  }
0x82: {  	v10 =	vor.u32 $0x2, v8  }
0x83: {  	v11 =	vor.u32 $0x3, v8  }
0x84: {  	v12 =	vor.u32 $0x4, v8  }
0x85: {  	v13 =	vor.u32 $0x5, v8;
	[tilespmem:v8+s9+$0x0] =	vst.idx.msk $0xffff, v15  }
0x86: {  	s12 =	sadd.s32 $0x1, s12;
	v62 =	vor.u32 $0x6, v8;
	[tilespmem:v9+s9+$0x0] =	vst.idx.msk $0xffff, v7  }
0x87: {  	p0 =	sne.s32 s12, $0x8;
	v63 =	vor.u32 $0x7, v8;
	[tilespmem:v10+s9+$0x0] =	vst.idx.msk $0xffff, v6  }
.Ltmp1:
0x88: {  	[tilespmem:v11+s9+$0x0] =	vst.idx.msk $0xffff, v5;
	(pc) =	sbr.rel @p0 .LBB2_2-.Ltmp1, $4  }
0x89: {  	[tilespmem:v12+s9+$0x0] =	vst.idx.msk $0xffff, v3  }
0x8a: {  	[tilespmem:v13+s9+$0x0] =	vst.idx.msk $0xffff, v4  }
0x8b: {  	[tilespmem:v62+s9+$0x0] =	vst.idx.msk $0xffff, v2  }
0x8c: {  	s11 =	sadd.s32 $0x10, s11;
	[tilespmem:v63+s9+$0x0] =	vst.idx.msk $0xffff, v1  }
0x8d: {  	s10 =	sadd.s32 $0x1, s10  }
0x8e: {  	p0 =	sne.s32 s10, s5  }
.Ltmp2:
0x8f: {  	_ = 	snop;
	(pc) =	sbr.rel @p0 .LBB2_1-.Ltmp2, $4  }
0x90: {  	[hbm4b:s4+s2] =	stream.linear.scatter [tilespmem:s9], [sflag:$0x1], $0x400, $0x38;
	[tilespmem:$0x2400] =	vst v63  }
0x91: {  	_ =	swait.ge [sflag:s8], $0x400  }
0x92: {  	[sflag:s8] =	ssyncset.done $0x0  }
0x93: {  	[sflag:s8] =	ssyncadd.s32 $0xFFFFFC00  }
0x94: {  	_ =	sfence.sel $0x180000  }
0x95: {  	[bflag:$0x0] =	sbarrier.arrive $0xFFFF  }
0x96: {  	p0 =	sne.s32 s1, $0x0;
	_ =	strace $0x9000004A  }
0x97: {  	s0 =	sadd.s32 @!p0 $0x100000, s0;
	[bflag:$0x2] =	sbarrier.arrive $0xFFFF  }
0x98: {  	[sflag:s0] =	ssyncadd.tile.s32 @!p0 $0x1;
	_ =	shalt  }
.Lfunc_end2:
_tile_overlayer_lowered:
.L_overlay_start_2:
0x99: {  	(tag) =	ssettag $0x2  }
0x9a: {  	s0 =	rddreg [dreg:$0x0];
	s2 =	stileid.u32  }
0x9b: {  	s1 =	rddreg [dreg:$0x1];
	p0 =	sne.s32 s2, $0x0  }
0x9c: {  	s3 =	rddreg [dreg:$0x2];
	[bflag:$0x3] =	sbarrier.arrive $0xFFFF;
	s2 =	simm.s32 @!p0 $0x1C01  }
0x9d: {  	[timem:s3], [sflag:s2] =	dma.local @!p0 [hbm:s0], s1  }
0x9e: {  	s0 =	simm.s32 @!p0 $0x1  }
0x9f: {  	_ =	swait.ge @!p0 [sflag:s0], s1  }
0xa0: {  	s1 =	ssub.s32 @!p0 $0x0, s1;
	[sflag:s0] =	ssyncset.done @!p0 $0x0  }
0xa1: {  	[sflag:s0] =	ssyncadd.s32 @!p0 s1  }
0xa2: {  	[bflag:$0x3] =	sbarrier.arrive $0xFFFF  }
0xa3: {  	_ =	shalt  }

// kernel: kernel.16.cloned.1.call-start
scs
__scs_entry_jumppad:
0x0: {  	(pc) =	sbr.rel $0x88, $3  }
0x1: {  	(tag) =	ssettag $0x0;
	lr =	simm.s32 $0x1  }
0x2: {  	[smem:$0x3F9F] =	sst lr;
	_ =	strace $0xD0000000  }
0x3: {  	_ = 	snop  }
0x4: {  	_ = 	snop  }
0x5: {  	_ = 	snop  }
0x6: {  	_ = 	snop  }
0x7: {  	_ = 	snop  }
__scs_overlays_trampoline_lowered:
0x8: {  	[smem:$0x3FAE] =	sst s0  }
0x9: {  	[smem:$0x3FAF] =	sst s1  }
0xa: {  	[smem:$0x3FB0] =	sst s2  }
0xb: {  	[smem:$0x3FB1] =	sst s3  }
0xc: {  	[smem:$0x3FB2] =	sst s4  }
0xd: {  	[smem:$0x3FB3] =	sst s5  }
0xe: {  	[smem:$0x3FB4] =	sst s6  }
0xf: {  	[smem:$0x3FB5] =	sst s7  }
0x10: {  	[smem:$0x3FB6] =	sst s8  }
0x11: {  	[smem:$0x3FB7] =	sst s9;
	s0 =	simm.s32 @!p0 $0x0  }
0x12: {  	s1 =	sld [smem:$0x3F9D];
	s0 =	simm.s32 @p0 $0x1  }
0x13: {  	[smem:$0x3FB8] =	sst s0;
	s0 =	simm.s32 @!p1 $0x0  }
0x14: {  	s2 =	sld [smem:$0x3F9C];
	s0 =	simm.s32 @p1 $0x1  }
0x15: {  	[smem:$0x3FB9] =	sst s0;
	s0 =	simm.s32 @!p2 $0x0  }
0x16: {  	s3 =	sld [smem:$0x3FDB];
	s0 =	simm.s32 @p2 $0x1  }
0x17: {  	s4 =	simm.s32 $0x1BF5;
	[smem:$0x3FBB] =	sst s0  }
0x18: {  	s0 =	sld [smem:$0x3F9E];
	_ =	swait.ge [sflag:s4], $0x0  }
0x19: {  	s7 =	sld [smem:$0x3F9F]  }
0x1a: {  	s8 =	sadd.s32 $0xFFFFE003, lr  }
0x1b: {  	s9 =	sadd.s32 $0xFFFFFEF7, lr;
	s5 =	simm.s32 $0xFFFFFFFF;
	p2 =	slt.u32 s8, $0xFFFFF086  }
0x1c: {  	p1 =	slt.u32 s9, $0xF7A;
	s5 =	simm.s32 @!p2 $0x0  }
0x1d: {  	s5 =	simm.s32 @p1 $0x1;
	p0 =	seq.s32 s7, s2  }
0x1e: {  	s7 =	smul.u32 @!p0 $0xF7A, s2;
	p2 =	seq.s32 @!p0 s5, $0x0  }
0x1f: {  	s9 =	smul.u32 $0xF7A, s1;
	s8 =	simm.s32 @!p0 $0x1BF5;
	p2 =	por !p2, p0  }
0x20: {  	[sflag:s8] =	ssyncset.s32 @!p0 $0xFFFFF086;
	s6 =	sadd.s32 @!p0 s3, s7;
	s7 =	simm.s32 @!p0 $0x108  }
0x21: {  	s3 =	sadd.s32 s3, s9;
	s6 =	sadd.s32 @!p0 $0x88, s6;
	s7 =	simm.s32 @p2 $0x1082  }
0x22: {  	[simem:s7], [sflag:s8] =	dma.local @!p0 [hbm:s6], $0xF7A  }
0x23: {  	s9 =	sor.u32 $0xD0000000, s2;
	s6 =	simm.s32 $0x108;
	_ =	swait.ge @!p0 [sflag:s8], $0x0  }
0x24: {  	s3 =	sadd.s32 $0x88, s3;
	s6 =	simm.s32 @!p1 $0x1082;
	[sflag:s4] =	ssyncset.s32 $0xFFFFF086  }
0x25: {  	[simem:s6], [sflag:s4] =	dma.local [hbm:s3], $0xF7A  }
0x26: {  	[smem:$0x3F9F] =	sst s1;
	(tag) =	ssettag s2;
	_ =	strace s9  }
0x27: {  	s1 =	sld [smem:$0x3FAF]  }
0x28: {  	s2 =	sld [smem:$0x3FB0]  }
0x29: {  	s4 =	sld [smem:$0x3FB2]  }
0x2a: {  	p0 =	seq.s32 s5, $0x0;
	s5 =	sld [smem:$0x3FB3]  }
0x2b: {  	s6 =	sld [smem:$0x3FB4]  }
0x2c: {  	s7 =	sld [smem:$0x3FB5]  }
0x2d: {  	s3 =	simm.s32 $0x108;
	s8 =	sld [smem:$0x3FB6]  }
0x2e: {  	s3 =	simm.s32 @!p0 $0x1082;
	s9 =	sld [smem:$0x3FB7]  }
0x2f: {  	lr =	sadd.s32 s0, s3;
	s0 =	sld [smem:$0x3FAE]  }
0x30: {  	s3 =	sld [smem:$0x3FB1]  }
0x31: {  	[smem:$0x3FBA] =	sst s10  }
0x32: {  	s10 =	sld [smem:$0x3FB8];
	_ =	sdelay $0x3  }
0x33: {  	p0 =	seq.s32 s10, $0x1;
	s10 =	sld [smem:$0x3FBA];
	_ =	sdelay $0x3  }
0x34: {  	[smem:$0x3FBA] =	sst s10  }
0x35: {  	s10 =	sld [smem:$0x3FB9];
	_ =	sdelay $0x3  }
0x36: {  	p1 =	seq.s32 s10, $0x1;
	s10 =	sld [smem:$0x3FBA];
	_ =	sdelay $0x3  }
0x37: {  	[smem:$0x3FBA] =	sst s10  }
0x38: {  	s10 =	sld [smem:$0x3FBB]  }
0x39: {  	_ = 	snop;
	(pc) =	sbr.ind lr, $3  }
0x3a: {  	_ = 	snop  }
0x3b: {  	_ = 	snop  }
0x3c: {  	p2 =	seq.s32 s10, $0x1;
	s10 =	sld [smem:$0x3FBA]  }
0x3d: {  	_ =	shalt  }
0x3e: {  	_ =	shalt  }
0x3f: {  	_ =	shalt  }
0x40: {  	_ =	shalt  }
0x41: {  	_ =	shalt  }
0x42: {  	_ =	shalt  }
0x43: {  	_ =	shalt  }
0x44: {  	_ =	shalt  }
0x45: {  	_ =	shalt  }
0x46: {  	_ =	shalt  }
0x47: {  	_ =	shalt  }
0x48: {  	_ =	shalt  }
0x49: {  	_ =	shalt  }
0x4a: {  	_ =	shalt  }
0x4b: {  	_ =	shalt  }
0x4c: {  	_ =	shalt  }
0x4d: {  	_ =	shalt  }
0x4e: {  	_ =	shalt  }
0x4f: {  	_ =	shalt  }
0x50: {  	_ =	shalt  }
0x51: {  	_ =	shalt  }
0x52: {  	_ =	shalt  }
0x53: {  	_ =	shalt  }
0x54: {  	_ =	shalt  }
0x55: {  	_ =	shalt  }
0x56: {  	_ =	shalt  }
0x57: {  	_ =	shalt  }
0x58: {  	_ =	shalt  }
0x59: {  	_ =	shalt  }
0x5a: {  	_ =	shalt  }
0x5b: {  	_ =	shalt  }
0x5c: {  	_ =	shalt  }
0x5d: {  	_ =	shalt  }
0x5e: {  	_ =	shalt  }
0x5f: {  	_ =	shalt  }
0x60: {  	_ =	shalt  }
0x61: {  	_ =	shalt  }
0x62: {  	_ =	shalt  }
0x63: {  	_ =	shalt  }
0x64: {  	_ =	shalt  }
0x65: {  	_ =	shalt  }
0x66: {  	_ =	shalt  }
0x67: {  	_ =	shalt  }
0x68: {  	_ =	shalt  }
0x69: {  	_ =	shalt  }
0x6a: {  	_ =	shalt  }
0x6b: {  	_ =	shalt  }
0x6c: {  	_ =	shalt  }
0x6d: {  	_ =	shalt  }
0x6e: {  	_ =	shalt  }
0x6f: {  	_ =	shalt  }
0x70: {  	_ =	shalt  }
0x71: {  	_ =	shalt  }
0x72: {  	_ =	shalt  }
0x73: {  	_ =	shalt  }
0x74: {  	_ =	shalt  }
0x75: {  	_ =	shalt  }
0x76: {  	_ =	shalt  }
0x77: {  	_ =	shalt  }
0x78: {  	_ =	shalt  }
0x79: {  	_ =	shalt  }
0x7a: {  	_ =	shalt  }
0x7b: {  	_ =	shalt  }
0x7c: {  	_ =	shalt  }
0x7d: {  	_ =	shalt  }
0x7e: {  	_ =	shalt  }
0x7f: {  	_ =	shalt  }
0x80: {  	_ =	shalt  }
0x81: {  	_ =	shalt  }
0x82: {  	_ =	shalt  }
0x83: {  	_ =	shalt  }
0x84: {  	_ =	shalt  }
0x85: {  	_ =	shalt  }
0x86: {  	_ =	shalt  }
0x87: {  	_ =	shalt  }
.Lfunc_end0:
.L_simem_size_0:
called_computation.2_lowered:
.L_overlay_start_0:
0x88: {  	s2 =	sld [smem:$0x3FD9]  }
0x89: {  	s3 =	sld [smem:$0x3FFE];
	_ =	sdelay $0x1  }
0x8a: {  	s1 =	srdreg.scid  }
0x8b: {  	s0 =	sand.u32 $0x1, s1  }
0x8c: {  	s17 =	sshll.u32 s0, $0xA;
	s2 =	sadd.s32 s3, s2  }
0x8d: {  	s2 =	sadd.s32 s2, s17  }
0x8e: {  	[smem:$0x3FC6] =	sst s2  }
0x8f: {  	_ = 	snop  }
0x90: {  	(tm) =	ssettm $0x1  }
0x91: {  	s18 =	sld [smem:$0x3FFB];
	_ =	sdelay $0x3  }
0x92: {  	_ =	strace s18  }
0x93: {  	s2 =	sld [smem:$0x3FFC];
	_ =	sdelay $0x3  }
0x94: {  	_ =	strace s2  }
0x95: {  	s2 =	sld [smem:$0x3FFD];
	_ =	sdelay $0x3  }
0x96: {  	_ =	strace s2  }
0x97: {  	_ =	strace $0x8FFFFFFF  }
0x98: {  	s19 =	sld [smem:$0x3FDB];
	_ =	sdelay $0x1  }
0x99: {  	s20 =	simm.s32 $_scs_section_size  }
0x9a: {  	s4 =	simm.s32 $_size__tile_overlayer_lowered;
	s5 =	simm.s32 $_tile_overlayer_lowered  }
0x9b: {  	s6 =	simm.s32 $0x1BFF;
	s21 =	sshll.u32 s5, $0x1;
	s3 =	sadd.s32 s20, s19  }
0x9c: {  	s22 =	simm.s32 $0x0;
	s4 =	sshll.u32 s4, $0x1;
	s5 =	sadd.s32 s21, s3  }
0x9d: {  	[timem:s22], [sflag:s6] =	dma.local [hbm:s5], s4  }
0x9e: {  	_ =	swait.ge [sflag:s6], s4  }
0x9f: {  	s4 =	ssub.s32 $0x0, s4;
	[sflag:s6] =	ssyncset.done $0x0  }
0xa0: {  	[sflag:s6] =	ssyncadd.s32 s4;
	_ =	sdelay $0x1  }
0xa1: {  	s23 =	simm.s32 $0x1B8B  }
0xa2: {  	_ =	swait.ge [sflag:s23], $0x1  }
0xa3: {  	[sflag:s23] =	ssyncset.done $0x0  }
0xa4: {  	[sflag:s23] =	ssyncadd.s32 $0xFFFFFFFF  }
0xa5: {  	s4 =	sld [smem:$0x0]  }
0xa6: {  	s5 =	sand.u32 $0xFFFFFFFE, s1  }
0xa7: {  	p0 =	sne.s32 s1, s5  }
0xa8: {  	s5 =	sshll.u32 @p0 s5, $0xE  }
0xa9: {  	s5 =	sadd.s32 @p0 $0x11B8D, s5;
	s6 =	sshll.u32 @p0 s4, $0x11  }
0xaa: {  	s5 =	sor.u32 @p0 s6, s5  }
0xab: {  	[sflag:s5] =	ssyncadd.remote.s32 @p0 $0x1;
	_ =	sdelay $0x1  }
0xac: {  	s5 =	simm.s32 @p0 $0x1B8D  }
0xad: {  	_ =	swait.eq @p0 [sflag:s5], $0x1  }
0xae: {  	[sflag:s5] =	ssyncadd.s32 @p0 $0xFFFFFFFF  }
0xaf: {  	s6 =	sshll.u32 @!p0 s1, $0xE  }
0xb0: {  	s6 =	sor.u32 @!p0 $0x4000, s6;
	s5 =	simm.s32 @!p0 $0x1B8D  }
0xb1: {  	s4 =	sshll.u32 @!p0 s4, $0x11;
	s6 =	sadd.s32 @!p0 $0x11B8D, s6;
	_ =	swait.eq @!p0 [sflag:s5], $0x1  }
0xb2: {  	s4 =	sor.u32 @!p0 s4, s6;
	[sflag:s5] =	ssyncadd.s32 @!p0 $0xFFFFFFFF  }
0xb3: {  	s25 =	simm.s32 $0x1B8E;
	s24 =	sld [smem:$0x3FFE];
	[sflag:s4] =	ssyncadd.remote.s32 @!p0 $0x1  }
0xb4: {  	s26 =	simm.s32 $execute0_lowered;
	[smem:$0x3FD2] =	sst s25  }
0xb5: {  	s5 =	sshll.u32 s26, $0x1;
	_ =	strace $0x8000004C;
	[dreg:$0x1] =	wrdreg $0xFFFFFFFF  }
0xb6: {  	s28 =	simm.s32 $_size_execute0_lowered;
	s3 =	sadd.s32 s3, s5;
	[dreg:$0x0] =	wrdreg $0x0  }
0xb7: {  	s5 =	sshll.u32 s28, $0x1;
	[dreg:$0x2] =	wrdreg s3  }
0xb8: {  	[dreg:$0x3] =	wrdreg s5  }
0xb9: {  	[dreg:$0x4] =	wrdreg $0xC0  }
0xba: {  	_ =	task [dreg:s22], $0x5FFFF  }
0xbb: {  	[dreg:$0x1] =	wrdreg $0xFFFFFFFF  }
0xbc: {  	[dreg:$0x0] =	wrdreg $0x60  }
0xbd: {  	[dreg:$0x2] =	wrdreg s24  }
0xbe: {  	[dreg:$0x3] =	wrdreg $0xB  }
0xbf: {  	_ =	task.clear_ibuf [dreg:s22], $0x4FFFF;
	_ =	strace $0x9000004C  }
0xc0: {  	s29 =	simm.s32 $0xB;
	_ =	strace $0x8000004E  }
0xc1: {  	_ =	swait.ge [sflag:s29], $0x1  }
0xc2: {  	[sflag:s29] =	ssyncadd.s32 $0xFFFFFFFF  }
0xc3: {  	_ =	strace $0x9000004E  }
0xc4: {  	_ =	sfence  }
0xc5: {  	s30 =	sld [smem:$0x0];
	_ =	sdelay $0x2  }
0xc6: {  	s31 =	sshll.u32 s1, $0xD;
	s1 =	sshrl.u32 s1, $0x2  }
0xc7: {  	s4 =	sand.u32 $0x4000, s31;
	s1 =	sadd.s32 s1, s30  }
0xc8: {  	s0 =	sor.u32 s4, s0;
	s1 =	sshll.u32 s1, $0x11  }
0xc9: {  	s0 =	sor.u32 s1, s0  }
0xca: {  	s0 =	sadd.s32 $0x8F2B, s0  }
0xcb: {  	[sflag:s0] =	ssyncadd.remote.s32 $0x1  }
0xcc: {  	_ =	sfence.sel $0xFFFF  }
0xcd: {  	[dreg:$0x0] =	wrdreg $0xFFFFFFFF;
	(pc) =	sbr.abs _section_cstart, $3  }
0xce: {  	[dreg:$0x1] =	wrdreg $0xFFFFFFFF  }
0xcf: {  	_ =	task.clear_ibuf [dreg:s22], $0x2FFFF;
	_ =	strace $0x9FFFFFFF  }
0xd0: {  	(tm) =	ssettm $0x7FFFFFFF  }
0xd1: {  	_ =	shalt  }
tec
execute0_lowered:
.L_overlay_start_1:
0x0: {  	(tag) =	ssettag $0x1  }
0x1: {  	s3 =	rddreg [dreg:$0x0];
	s2 =	srdreg.scid  }
0x2: {  	s0 =	rddreg [dreg:$0x1];
	s1 =	stileid.u32;
	s7 =	simm.s32 $0x8000  }
0x3: {  	s8 =	simm.s32 $0x1;
	s9 =	simm.s32 $0x2000;
	s10 =	simm.s32 $0x0  }
0x4: {  	s4 =	sand.u32 $0x1, s2;
	s2 =	simm.s32 $0x0;
	s5 =	sshll.u32 s1, $0x8  }
0x5: {  	s6 =	sshll.u32 s4, $0x7;
	[smem:$0x7FF] =	sst s2;
	s4 =	ssub.s32 $0x2, s4  }
0x6: {  	s5 =	sor.u32 s6, s5;
	_ =	strace $0x8000004D;
	s30 =	sshrl.u32 s4, $0x1  }
0x7: {  	v0 =	vlaneseq.u32;
	s6 =	simm.s32 $0x400;
	s5 =	sadd.s32 s5, s3;
	s31 =	ssub.s32 s4, s30  }
0x8: {  	v0 =	vmul.u32 $0x8, v0;
	s3 =	sadd.s32 $0x13A00, s5;
	s4 =	sadd.s32 $0x1BA00, s5;
	s5 =	smax.u32 s31, $0x1  }
.LBB2_1:
0x9: {  	[tilespmem:s2], [sflag:$0x1] =	stream.strided.gather [hbm4b:s3+s6], $0x2000, s7, s6, $0x38;
	[tilespmem:$0x2400] =	vst v63  }
0xa: {  	_ =	swait.ge [sflag:s8], $0x2000  }
0xb: {  	[sflag:s8] =	ssyncset.done $0x0  }
0xc: {  	s11 =	simm.s32 $0x200;
	s12 =	simm.s32 $0x0;
	[sflag:s8] =	ssyncadd.s32 $0xFFFFE000  }
.LBB2_2:
0xd: {  	v8 =	vimm.f32 $-Inf  }
0xe: {  	v1 =	vimm.s32 $0x0;
	v2 =	vimm.s32 $0x0;
	v4 =	vimm.s32 $0x0  }
0xf: {  	v3 =	vimm.s32 $0x0;
	v5 =	vimm.s32 $0x0;
	v6 =	vimm.s32 $0x0  }
0x10: {  	v7 =	vimm.s32 $0x0;
	v15 =	vimm.s32 $0x0;
	v9 =	vimm.f32 $-Inf  }
0x11: {  	v11 =	vimm.f32 $-Inf;
	v10 =	vimm.f32 $-Inf;
	v12 =	vimm.f32 $-Inf  }
0x12: {  	s13 =	sshll.u32 s12, $0x4;
	s14 =	simm.s32 $0x7;
	s15 =	smov.u32 s11;
	v13 =	vimm.f32 $-Inf;
	v14 =	vimm.f32 $-Inf;
	v16 =	vimm.f32 $-Inf  }
.LBB2_3:
0x13: {  	v17 =	vld [tilespmem:s15+$0xFFFFFE00];
	_ =	sdelay $0x4  }
0x14: {  	vm0 =	vgt.f32 v17, v16  }
0x15: {  	v18 =	vsel vm0, v16, v17  }
0x16: {  	vm1 =	vgt.f32 v18, v14  }
0x17: {  	s16 =	sadd.s32 $0xFFFFFFF9, s14;
	v19 =	vsel vm1, v14, v18  }
0x18: {  	v16 =	vsel vm0, v17, v16;
	v17 =	vsel vm0, s16, v15;
	vm2 =	vgt.f32 v19, v13  }
0x19: {  	v15 =	vnsel vm0, s16, v15;
	v14 =	vsel vm1, v18, v14;
	v18 =	vsel vm2, v13, v19  }
0x1a: {  	v20 =	vsel vm1, v15, v7;
	v7 =	vsel vm1, v7, v15;
	vm14 =	vgt.f32 v18, v12  }
0x1b: {  	v13 =	vsel vm2, v19, v13;
	v15 =	vsel vm2, v7, v6;
	v19 =	vsel vm14, v12, v18  }
0x1c: {  	v6 =	vsel vm2, v6, v7;
	v7 =	vsel vm14, v18, v12;
	v12 =	vld [tilespmem:s15+$0xFFFFFE80];
	vm15 =	vgt.f32 v19, v10  }
0x1d: {  	v18 =	vsel vm14, v6, v5;
	v5 =	vsel vm14, v5, v6;
	v6 =	vsel vm15, v10, v19  }
0x1e: {  	v10 =	vsel vm15, v19, v10;
	v19 =	vsel vm15, v5, v3;
	vm4 =	vgt.f32 v6, v11  }
0x1f: {  	v3 =	vsel vm15, v3, v5;
	v5 =	vsel vm4, v6, v11;
	v6 =	vsel vm4, v11, v6  }
0x20: {  	v11 =	vsel vm4, v3, v4;
	vm5 =	vgt.f32 v6, v9  }
0x21: {  	v3 =	vsel vm4, v4, v3;
	vm6 =	vgt.f32 v12, v16;
	v4 =	vsel vm5, v6, v9  }
0x22: {  	v6 =	vsel vm5, v9, v6;
	v9 =	vsel vm5, v3, v2;
	v21 =	vsel vm6, v16, v12  }
0x23: {  	v2 =	vsel vm5, v2, v3;
	vm7 =	vgt.f32 v6, v8;
	vm8 =	vgt.f32 v21, v14  }
0x24: {  	s25 =	sadd.s32 $0xFFFFFFFA, s14;
	v3 =	vsel vm7, v6, v8;
	v1 =	vsel vm7, v2, v1;
	v6 =	vsel vm8, v14, v21  }
0x25: {  	v2 =	vsel vm6, v12, v16;
	v12 =	vnsel vm6, s25, v17;
	vm9 =	vgt.f32 v6, v13  }
0x26: {  	v8 =	vsel vm6, s25, v17;
	v16 =	vsel vm8, v12, v20;
	v17 =	vsel vm9, v13, v6  }
0x27: {  	v12 =	vsel vm8, v20, v12;
	v6 =	vsel vm9, v6, v13;
	vm10 =	vgt.f32 v17, v7  }
0x28: {  	v52 =	vld [tilespmem:s15+$0xFFFFFF00];
	v13 =	vsel vm9, v12, v15;
	v12 =	vsel vm9, v15, v12;
	v15 =	vsel vm10, v7, v17  }
0x29: {  	v7 =	vsel vm10, v17, v7;
	v17 =	vsel vm10, v12, v18;
	vm11 =	vgt.f32 v15, v10  }
0x2a: {  	v12 =	vsel vm10, v18, v12;
	v18 =	vsel vm11, v15, v10;
	v10 =	vsel vm11, v10, v15  }
0x2b: {  	v15 =	vsel vm11, v12, v19;
	vm12 =	vgt.f32 v10, v5  }
0x2c: {  	v12 =	vsel vm11, v19, v12;
	v19 =	vsel vm12, v10, v5;
	v5 =	vsel vm12, v5, v10  }
0x2d: {  	v14 =	vsel vm8, v21, v14;
	vm14 =	vgt.f32 v52, v2;
	vm13 =	vgt.f32 v5, v4  }
0x2e: {  	v53 =	vsel vm12, v12, v11;
	v10 =	vsel vm12, v11, v12;
	v11 =	vsel vm13, v5, v4  }
0x2f: {  	v4 =	vsel vm13, v4, v5;
	v5 =	vsel vm14, v2, v52;
	v12 =	vsel vm13, v10, v9  }
0x30: {  	v9 =	vsel vm13, v9, v10;
	vm15 =	vgt.f32 v4, v3;
	vm3 =	vgt.f32 v5, v14  }
0x31: {  	s26 =	sadd.s32 $0xFFFFFFFB, s14;
	v3 =	vsel vm15, v4, v3;
	v4 =	vsel vm3, v14, v5;
	v1 =	vsel vm15, v9, v1  }
0x32: {  	v9 =	vsel vm14, s26, v8;
	v8 =	vnsel vm14, s26, v8;
	vm4 =	vgt.f32 v4, v6  }
0x33: {  	v5 =	vsel vm3, v5, v14;
	v14 =	vsel vm3, v8, v16;
	v10 =	vsel vm4, v6, v4  }
0x34: {  	v8 =	vsel vm3, v16, v8;
	v4 =	vsel vm4, v4, v6;
	vm5 =	vgt.f32 v10, v7  }
0x35: {  	v16 =	vsel vm4, v8, v13;
	v8 =	vsel vm4, v13, v8;
	v13 =	vld [tilespmem:s15+$0xFFFFFF80];
	v6 =	vsel vm5, v7, v10  }
0x36: {  	v2 =	vsel vm14, v52, v2;
	vm6 =	vgt.f32 v6, v18  }
0x37: {  	v7 =	vsel vm5, v10, v7;
	v10 =	vsel vm5, v8, v17;
	v54 =	vsel vm6, v18, v6  }
0x38: {  	v8 =	vsel vm5, v17, v8;
	v6 =	vsel vm6, v6, v18;
	vm7 =	vgt.f32 v54, v19  }
0x39: {  	v17 =	vsel vm6, v8, v15;
	v8 =	vsel vm6, v15, v8;
	v15 =	vsel vm7, v19, v54  }
0x3a: {  	vm9 =	vgt.f32 v13, v2;
	v18 =	vsel vm7, v54, v19;
	vm8 =	vgt.f32 v15, v11  }
0x3b: {  	v19 =	vsel vm7, v8, v53;
	v8 =	vsel vm7, v53, v8;
	v55 =	vsel vm8, v15, v11  }
0x3c: {  	v21 =	vsel vm8, v8, v12;
	v11 =	vsel vm8, v11, v15;
	v15 =	vsel vm9, v2, v13  }
0x3d: {  	v8 =	vsel vm8, v12, v8;
	vm10 =	vgt.f32 v11, v3;
	vm11 =	vgt.f32 v15, v5  }
0x3e: {  	s28 =	sadd.s32 $0xFFFFFFFC, s14;
	v2 =	vsel vm9, v13, v2;
	v1 =	vsel vm10, v8, v1;
	v8 =	vsel vm11, v5, v15  }
0x3f: {  	v3 =	vsel vm10, v11, v3;
	v11 =	vsel vm9, s28, v9;
	vm12 =	vgt.f32 v8, v4  }
0x40: {  	v9 =	vnsel vm9, s28, v9;
	v5 =	vsel vm11, v15, v5;
	v12 =	vsel vm12, v4, v8  }
0x41: {  	v13 =	vsel vm11, v9, v14;
	v9 =	vsel vm11, v14, v9;
	vm13 =	vgt.f32 v12, v7  }
0x42: {  	v4 =	vsel vm12, v8, v4;
	v8 =	vsel vm12, v9, v16;
	v14 =	vsel vm13, v7, v12  }
0x43: {  	v9 =	vsel vm12, v16, v9;
	v7 =	vsel vm13, v12, v7;
	v12 =	vld [tilespmem:s15+$0x0];
	vm14 =	vgt.f32 v14, v6  }
0x44: {  	v15 =	vsel vm13, v9, v10;
	v9 =	vsel vm13, v10, v9;
	v10 =	vsel vm14, v6, v14  }
0x45: {  	v6 =	vsel vm14, v14, v6;
	v14 =	vsel vm14, v9, v17;
	vm15 =	vgt.f32 v10, v18  }
0x46: {  	v9 =	vsel vm14, v17, v9;
	v16 =	vsel vm15, v10, v18;
	v10 =	vsel vm15, v18, v10  }
0x47: {  	v17 =	vsel vm15, v9, v19;
	vm4 =	vgt.f32 v10, v55  }
0x48: {  	v9 =	vsel vm15, v19, v9;
	vm5 =	vgt.f32 v12, v2;
	v18 =	vsel vm4, v10, v55  }
0x49: {  	v10 =	vsel vm4, v55, v10;
	v19 =	vsel vm4, v9, v21;
	v56 =	vsel vm5, v2, v12  }
0x4a: {  	v9 =	vsel vm4, v21, v9;
	vm6 =	vgt.f32 v10, v3;
	vm7 =	vgt.f32 v56, v5  }
0x4b: {  	s29 =	sadd.s32 $0xFFFFFFFD, s14;
	v3 =	vsel vm6, v10, v3;
	v1 =	vsel vm6, v9, v1;
	v9 =	vsel vm7, v5, v56  }
0x4c: {  	v10 =	vsel vm5, s29, v11;
	v11 =	vnsel vm5, s29, v11;
	vm8 =	vgt.f32 v9, v4  }
0x4d: {  	v2 =	vsel vm5, v12, v2;
	v12 =	vsel vm7, v11, v13;
	v57 =	vsel vm8, v4, v9  }
0x4e: {  	v11 =	vsel vm7, v13, v11;
	v13 =	vld [tilespmem:s15+$0x80];
	v4 =	vsel vm8, v9, v4;
	vm9 =	vgt.f32 v57, v7  }
0x4f: {  	v9 =	vsel vm8, v11, v8;
	v8 =	vsel vm8, v8, v11;
	v11 =	vsel vm9, v7, v57  }
0x50: {  	v5 =	vsel vm7, v56, v5;
	v58 =	vsel vm9, v8, v15;
	vm10 =	vgt.f32 v11, v6  }
0x51: {  	v8 =	vsel vm9, v15, v8;
	v15 =	vsel vm10, v11, v6;
	v6 =	vsel vm10, v6, v11  }
0x52: {  	v7 =	vsel vm9, v57, v7;
	v11 =	vsel vm10, v8, v14;
	vm11 =	vgt.f32 v6, v16  }
0x53: {  	v8 =	vsel vm10, v14, v8;
	vm13 =	vgt.f32 v13, v2;
	v14 =	vsel vm11, v6, v16  }
0x54: {  	v59 =	vsel vm11, v8, v17;
	v6 =	vsel vm11, v16, v6;
	v8 =	vsel vm11, v17, v8  }
0x55: {  	v17 =	vsel vm13, v2, v13;
	v2 =	vsel vm13, v13, v2;
	vm12 =	vgt.f32 v6, v18  }
0x56: {  	vm15 =	vgt.f32 v17, v5;
	v16 =	vsel vm12, v6, v18;
	v6 =	vsel vm12, v18, v6  }
0x57: {  	v18 =	vsel vm12, v8, v19;
	v8 =	vsel vm12, v19, v8;
	vm14 =	vgt.f32 v6, v3  }
0x58: {  	s30 =	sadd.s32 $0xFFFFFFFE, s14;
	v3 =	vsel vm14, v6, v3;
	v6 =	vsel vm15, v5, v17;
	v1 =	vsel vm14, v8, v1  }
0x59: {  	v8 =	vsel vm13, s30, v10;
	v10 =	vnsel vm13, s30, v10;
	vm6 =	vgt.f32 v6, v4  }
0x5a: {  	v5 =	vsel vm15, v17, v5;
	v17 =	vsel vm15, v10, v12;
	v13 =	vsel vm6, v4, v6  }
0x5b: {  	v10 =	vsel vm15, v12, v10;
	v4 =	vsel vm6, v6, v4;
	vm7 =	vgt.f32 v13, v7  }
0x5c: {  	v12 =	vsel vm6, v10, v9;
	v9 =	vsel vm6, v9, v10;
	v10 =	vld [tilespmem:s15+$0x100];
	v6 =	vsel vm7, v7, v13  }
0x5d: {  	vm8 =	vgt.f32 v6, v15  }
0x5e: {  	v7 =	vsel vm7, v13, v7;
	v13 =	vsel vm7, v9, v58;
	v19 =	vsel vm8, v15, v6  }
0x5f: {  	v9 =	vsel vm7, v58, v9;
	v6 =	vsel vm8, v6, v15;
	vm9 =	vgt.f32 v19, v14  }
0x60: {  	v15 =	vsel vm8, v9, v11;
	v9 =	vsel vm8, v11, v9;
	v11 =	vsel vm9, v14, v19  }
0x61: {  	vm11 =	vgt.f32 v10, v2;
	v14 =	vsel vm9, v19, v14;
	vm10 =	vgt.f32 v11, v16  }
0x62: {  	v19 =	vsel vm9, v9, v59;
	v9 =	vsel vm9, v59, v9;
	v60 =	vsel vm10, v11, v16  }
0x63: {  	v21 =	vsel vm10, v9, v18;
	v11 =	vsel vm10, v16, v11;
	v16 =	vsel vm11, v2, v10  }
0x64: {  	v9 =	vsel vm10, v18, v9;
	v2 =	vsel vm11, v10, v2;
	vm12 =	vgt.f32 v11, v3  }
0x65: {  	s31 =	sadd.s32 $0xFFFFFFFF, s14;
	v18 =	vld [tilespmem:s15+$0x180];
	vm13 =	vgt.f32 v16, v5;
	v3 =	vsel vm12, v11, v3;
	v1 =	vsel vm12, v9, v1  }
0x66: {  	v9 =	vsel vm13, v5, v16;
	v11 =	vsel vm11, s31, v8;
	v8 =	vnsel vm11, s31, v8  }
0x67: {  	v5 =	vsel vm13, v16, v5;
	vm14 =	vgt.f32 v9, v4;
	v16 =	vsel vm13, v8, v17  }
0x68: {  	v8 =	vsel vm13, v17, v8;
	v10 =	vsel vm14, v4, v9;
	v4 =	vsel vm14, v9, v4  }
0x69: {  	v9 =	vsel vm14, v8, v12;
	v8 =	vsel vm14, v12, v8;
	vm15 =	vgt.f32 v10, v7  }
0x6a: {  	vm7 =	vgt.f32 v18, v2;
	v17 =	vsel vm15, v7, v10;
	v10 =	vsel vm15, v10, v7  }
0x6b: {  	v22 =	vsel vm15, v8, v13;
	v12 =	vsel vm7, v2, v18;
	vm4 =	vgt.f32 v17, v6  }
0x6c: {  	v7 =	vsel vm15, v13, v8;
	vm8 =	vgt.f32 v12, v5;
	v8 =	vsel vm4, v6, v17  }
0x6d: {  	v17 =	vsel vm4, v17, v6;
	v23 =	vsel vm4, v7, v15;
	v6 =	vsel vm4, v15, v7  }
0x6e: {  	v13 =	vsel vm8, v5, v12;
	v15 =	vsel vm7, s14, v11;
	vm5 =	vgt.f32 v8, v14  }
0x6f: {  	vm10 =	vgt.f32 v13, v4;
	v24 =	vsel vm5, v8, v14;
	v7 =	vsel vm5, v14, v8  }
0x70: {  	v8 =	vsel vm5, v6, v19;
	v6 =	vsel vm5, v19, v6;
	v14 =	vsel vm8, v12, v5  }
0x71: {  	v5 =	vsel vm10, v4, v13;
	v13 =	vsel vm10, v13, v4;
	vm6 =	vgt.f32 v7, v60  }
0x72: {  	vm11 =	vgt.f32 v5, v10;
	v19 =	vsel vm6, v7, v60;
	v7 =	vsel vm6, v60, v7  }
0x73: {  	v61 =	vsel vm6, v6, v21;
	v6 =	vsel vm6, v21, v6;
	v4 =	vsel vm11, v10, v5  }
0x74: {  	v12 =	vsel vm11, v5, v10;
	vm9 =	vgt.f32 v7, v3;
	vm12 =	vgt.f32 v4, v17  }
0x75: {  	v62 =	vsel vm9, v7, v3;
	v1 =	vsel vm9, v6, v1;
	v3 =	vnsel vm7, s14, v11  }
0x76: {  	v63 =	vsel vm12, v17, v4;
	v10 =	vsel vm12, v4, v17;
	v7 =	vsel vm8, v3, v16  }
0x77: {  	v3 =	vsel vm8, v16, v3;
	vm13 =	vgt.f32 v63, v24;
	v16 =	vsel vm7, v18, v2  }
0x78: {  	p0 =	sne.s32 s14, $0x3F;
	v6 =	vsel vm10, v3, v9;
	v3 =	vsel vm10, v9, v3;
	v2 =	vsel vm13, v24, v63  }
.Ltmp0:
0x79: {  	v11 =	vsel vm13, v63, v24;
	v5 =	vsel vm11, v3, v22;
	v9 =	vsel vm11, v22, v3;
	(pc) =	sbr.rel @p0 .LBB2_3-.Ltmp0, $4  }
0x7a: {  	vm14 =	vgt.f32 v2, v19;
	v3 =	vsel vm12, v9, v23;
	v9 =	vsel vm12, v23, v9  }
0x7b: {  	v17 =	vsel vm14, v19, v2;
	v4 =	vsel vm13, v9, v8;
	v8 =	vsel vm13, v8, v9  }
0x7c: {  	v9 =	vsel vm14, v2, v19;
	vm15 =	vgt.f32 v17, v62;
	v18 =	vsel vm14, v61, v8  }
0x7d: {  	s15 =	sadd.s32 $0x400, s15;
	s14 =	sadd.s32 $0x8, s14;
	v2 =	vsel vm14, v8, v61;
	v8 =	vsel vm15, v17, v62;
	v1 =	vsel vm15, v18, v1  }
0x7e: {  	v8 =	vmov s13  }
0x7f: {  	v8 =	vshll.u32 v8, $0x3  }
0x80: {  	v8 =	vor.u32 v0, v8  }
0x81: {  	v9 =	vor.u32 $0x1, v8  }
0x82: {  	v10 =	vor.u32 $0x2, v8  }
0x83: {  	v11 =	vor.u32 $0x3, v8  }
0x84: {  	v12 =	vor.u32 $0x4, v8  }
0x85: {  	v13 =	vor.u32 $0x5, v8;
	[tilespmem:v8+s9+$0x0] =	vst.idx.msk $0xffff, v15  }
0x86: {  	s12 =	sadd.s32 $0x1, s12;
	v62 =	vor.u32 $0x6, v8;
	[tilespmem:v9+s9+$0x0] =	vst.idx.msk $0xffff, v7  }
0x87: {  	p0 =	sne.s32 s12, $0x8;
	v63 =	vor.u32 $0x7, v8;
	[tilespmem:v10+s9+$0x0] =	vst.idx.msk $0xffff, v6  }
.Ltmp1:
0x88: {  	[tilespmem:v11+s9+$0x0] =	vst.idx.msk $0xffff, v5;
	(pc) =	sbr.rel @p0 .LBB2_2-.Ltmp1, $4  }
0x89: {  	[tilespmem:v12+s9+$0x0] =	vst.idx.msk $0xffff, v3  }
0x8a: {  	[tilespmem:v13+s9+$0x0] =	vst.idx.msk $0xffff, v4  }
0x8b: {  	[tilespmem:v62+s9+$0x0] =	vst.idx.msk $0xffff, v2  }
0x8c: {  	s11 =	sadd.s32 $0x10, s11;
	[tilespmem:v63+s9+$0x0] =	vst.idx.msk $0xffff, v1  }
0x8d: {  	s10 =	sadd.s32 $0x1, s10  }
0x8e: {  	p0 =	sne.s32 s10, s5  }
.Ltmp2:
0x8f: {  	_ = 	snop;
	(pc) =	sbr.rel @p0 .LBB2_1-.Ltmp2, $4  }
0x90: {  	[hbm4b:s4+s2] =	stream.linear.scatter [tilespmem:s9], [sflag:$0x1], $0x400, $0x38;
	[tilespmem:$0x2400] =	vst v63  }
0x91: {  	_ =	swait.ge [sflag:s8], $0x400  }
0x92: {  	[sflag:s8] =	ssyncset.done $0x0  }
0x93: {  	[sflag:s8] =	ssyncadd.s32 $0xFFFFFC00  }
0x94: {  	_ =	sfence.sel $0x180000  }
0x95: {  	[bflag:$0x0] =	sbarrier.arrive $0xFFFF  }
0x96: {  	p0 =	sne.s32 s1, $0x0;
	_ =	strace $0x9000004D  }
0x97: {  	s0 =	sadd.s32 @!p0 $0x100000, s0;
	[bflag:$0x2] =	sbarrier.arrive $0xFFFF  }
0x98: {  	[sflag:s0] =	ssyncadd.tile.s32 @!p0 $0x1;
	_ =	shalt  }
.Lfunc_end2:
_tile_overlayer_lowered:
.L_overlay_start_2:
0x99: {  	(tag) =	ssettag $0x2  }
0x9a: {  	s0 =	rddreg [dreg:$0x0];
	s2 =	stileid.u32  }
0x9b: {  	s1 =	rddreg [dreg:$0x1];
	p0 =	sne.s32 s2, $0x0  }
0x9c: {  	s3 =	rddreg [dreg:$0x2];
	[bflag:$0x3] =	sbarrier.arrive $0xFFFF;
	s2 =	simm.s32 @!p0 $0x1C01  }
0x9d: {  	[timem:s3], [sflag:s2] =	dma.local @!p0 [hbm:s0], s1  }
0x9e: {  	s0 =	simm.s32 @!p0 $0x1  }
0x9f: {  	_ =	swait.ge @!p0 [sflag:s0], s1  }
0xa0: {  	s1 =	ssub.s32 @!p0 $0x0, s1;
	[sflag:s0] =	ssyncset.done @!p0 $0x0  }
0xa1: {  	[sflag:s0] =	ssyncadd.s32 @!p0 s1  }
0xa2: {  	[bflag:$0x3] =	sbarrier.arrive $0xFFFF  }
0xa3: {  	_ =	shalt  }

// kernel: kernel.19.cloned.1.call-start
scs
__scs_entry_jumppad:
0x0: {  	(pc) =	sbr.rel $0x88, $3  }
0x1: {  	(tag) =	ssettag $0x0;
	lr =	simm.s32 $0x1  }
0x2: {  	[smem:$0x3F9F] =	sst lr;
	_ =	strace $0xD0000000  }
0x3: {  	_ = 	snop  }
0x4: {  	_ = 	snop  }
0x5: {  	_ = 	snop  }
0x6: {  	_ = 	snop  }
0x7: {  	_ = 	snop  }
__scs_overlays_trampoline_lowered:
0x8: {  	[smem:$0x3FAE] =	sst s0  }
0x9: {  	[smem:$0x3FAF] =	sst s1  }
0xa: {  	[smem:$0x3FB0] =	sst s2  }
0xb: {  	[smem:$0x3FB1] =	sst s3  }
0xc: {  	[smem:$0x3FB2] =	sst s4  }
0xd: {  	[smem:$0x3FB3] =	sst s5  }
0xe: {  	[smem:$0x3FB4] =	sst s6  }
0xf: {  	[smem:$0x3FB5] =	sst s7  }
0x10: {  	[smem:$0x3FB6] =	sst s8  }
0x11: {  	[smem:$0x3FB7] =	sst s9;
	s0 =	simm.s32 @!p0 $0x0  }
0x12: {  	s1 =	sld [smem:$0x3F9D];
	s0 =	simm.s32 @p0 $0x1  }
0x13: {  	[smem:$0x3FB8] =	sst s0;
	s0 =	simm.s32 @!p1 $0x0  }
0x14: {  	s2 =	sld [smem:$0x3F9C];
	s0 =	simm.s32 @p1 $0x1  }
0x15: {  	[smem:$0x3FB9] =	sst s0;
	s0 =	simm.s32 @!p2 $0x0  }
0x16: {  	s3 =	sld [smem:$0x3FDB];
	s0 =	simm.s32 @p2 $0x1  }
0x17: {  	s4 =	simm.s32 $0x1BF5;
	[smem:$0x3FBB] =	sst s0  }
0x18: {  	s0 =	sld [smem:$0x3F9E];
	_ =	swait.ge [sflag:s4], $0x0  }
0x19: {  	s7 =	sld [smem:$0x3F9F]  }
0x1a: {  	s8 =	sadd.s32 $0xFFFFE003, lr  }
0x1b: {  	s9 =	sadd.s32 $0xFFFFFEF7, lr;
	s5 =	simm.s32 $0xFFFFFFFF;
	p2 =	slt.u32 s8, $0xFFFFF086  }
0x1c: {  	p1 =	slt.u32 s9, $0xF7A;
	s5 =	simm.s32 @!p2 $0x0  }
0x1d: {  	s5 =	simm.s32 @p1 $0x1;
	p0 =	seq.s32 s7, s2  }
0x1e: {  	s7 =	smul.u32 @!p0 $0xF7A, s2;
	p2 =	seq.s32 @!p0 s5, $0x0  }
0x1f: {  	s9 =	smul.u32 $0xF7A, s1;
	s8 =	simm.s32 @!p0 $0x1BF5;
	p2 =	por !p2, p0  }
0x20: {  	[sflag:s8] =	ssyncset.s32 @!p0 $0xFFFFF086;
	s6 =	sadd.s32 @!p0 s3, s7;
	s7 =	simm.s32 @!p0 $0x108  }
0x21: {  	s3 =	sadd.s32 s3, s9;
	s6 =	sadd.s32 @!p0 $0x88, s6;
	s7 =	simm.s32 @p2 $0x1082  }
0x22: {  	[simem:s7], [sflag:s8] =	dma.local @!p0 [hbm:s6], $0xF7A  }
0x23: {  	s9 =	sor.u32 $0xD0000000, s2;
	s6 =	simm.s32 $0x108;
	_ =	swait.ge @!p0 [sflag:s8], $0x0  }
0x24: {  	s3 =	sadd.s32 $0x88, s3;
	s6 =	simm.s32 @!p1 $0x1082;
	[sflag:s4] =	ssyncset.s32 $0xFFFFF086  }
0x25: {  	[simem:s6], [sflag:s4] =	dma.local [hbm:s3], $0xF7A  }
0x26: {  	[smem:$0x3F9F] =	sst s1;
	(tag) =	ssettag s2;
	_ =	strace s9  }
0x27: {  	s1 =	sld [smem:$0x3FAF]  }
0x28: {  	s2 =	sld [smem:$0x3FB0]  }
0x29: {  	s4 =	sld [smem:$0x3FB2]  }
0x2a: {  	p0 =	seq.s32 s5, $0x0;
	s5 =	sld [smem:$0x3FB3]  }
0x2b: {  	s6 =	sld [smem:$0x3FB4]  }
0x2c: {  	s7 =	sld [smem:$0x3FB5]  }
0x2d: {  	s3 =	simm.s32 $0x108;
	s8 =	sld [smem:$0x3FB6]  }
0x2e: {  	s3 =	simm.s32 @!p0 $0x1082;
	s9 =	sld [smem:$0x3FB7]  }
0x2f: {  	lr =	sadd.s32 s0, s3;
	s0 =	sld [smem:$0x3FAE]  }
0x30: {  	s3 =	sld [smem:$0x3FB1]  }
0x31: {  	[smem:$0x3FBA] =	sst s10  }
0x32: {  	s10 =	sld [smem:$0x3FB8];
	_ =	sdelay $0x3  }
0x33: {  	p0 =	seq.s32 s10, $0x1;
	s10 =	sld [smem:$0x3FBA];
	_ =	sdelay $0x3  }
0x34: {  	[smem:$0x3FBA] =	sst s10  }
0x35: {  	s10 =	sld [smem:$0x3FB9];
	_ =	sdelay $0x3  }
0x36: {  	p1 =	seq.s32 s10, $0x1;
	s10 =	sld [smem:$0x3FBA];
	_ =	sdelay $0x3  }
0x37: {  	[smem:$0x3FBA] =	sst s10  }
0x38: {  	s10 =	sld [smem:$0x3FBB]  }
0x39: {  	_ = 	snop;
	(pc) =	sbr.ind lr, $3  }
0x3a: {  	_ = 	snop  }
0x3b: {  	_ = 	snop  }
0x3c: {  	p2 =	seq.s32 s10, $0x1;
	s10 =	sld [smem:$0x3FBA]  }
0x3d: {  	_ =	shalt  }
0x3e: {  	_ =	shalt  }
0x3f: {  	_ =	shalt  }
0x40: {  	_ =	shalt  }
0x41: {  	_ =	shalt  }
0x42: {  	_ =	shalt  }
0x43: {  	_ =	shalt  }
0x44: {  	_ =	shalt  }
0x45: {  	_ =	shalt  }
0x46: {  	_ =	shalt  }
0x47: {  	_ =	shalt  }
0x48: {  	_ =	shalt  }
0x49: {  	_ =	shalt  }
0x4a: {  	_ =	shalt  }
0x4b: {  	_ =	shalt  }
0x4c: {  	_ =	shalt  }
0x4d: {  	_ =	shalt  }
0x4e: {  	_ =	shalt  }
0x4f: {  	_ =	shalt  }
0x50: {  	_ =	shalt  }
0x51: {  	_ =	shalt  }
0x52: {  	_ =	shalt  }
0x53: {  	_ =	shalt  }
0x54: {  	_ =	shalt  }
0x55: {  	_ =	shalt  }
0x56: {  	_ =	shalt  }
0x57: {  	_ =	shalt  }
0x58: {  	_ =	shalt  }
0x59: {  	_ =	shalt  }
0x5a: {  	_ =	shalt  }
0x5b: {  	_ =	shalt  }
0x5c: {  	_ =	shalt  }
0x5d: {  	_ =	shalt  }
0x5e: {  	_ =	shalt  }
0x5f: {  	_ =	shalt  }
0x60: {  	_ =	shalt  }
0x61: {  	_ =	shalt  }
0x62: {  	_ =	shalt  }
0x63: {  	_ =	shalt  }
0x64: {  	_ =	shalt  }
0x65: {  	_ =	shalt  }
0x66: {  	_ =	shalt  }
0x67: {  	_ =	shalt  }
0x68: {  	_ =	shalt  }
0x69: {  	_ =	shalt  }
0x6a: {  	_ =	shalt  }
0x6b: {  	_ =	shalt  }
0x6c: {  	_ =	shalt  }
0x6d: {  	_ =	shalt  }
0x6e: {  	_ =	shalt  }
0x6f: {  	_ =	shalt  }
0x70: {  	_ =	shalt  }
0x71: {  	_ =	shalt  }
0x72: {  	_ =	shalt  }
0x73: {  	_ =	shalt  }
0x74: {  	_ =	shalt  }
0x75: {  	_ =	shalt  }
0x76: {  	_ =	shalt  }
0x77: {  	_ =	shalt  }
0x78: {  	_ =	shalt  }
0x79: {  	_ =	shalt  }
0x7a: {  	_ =	shalt  }
0x7b: {  	_ =	shalt  }
0x7c: {  	_ =	shalt  }
0x7d: {  	_ =	shalt  }
0x7e: {  	_ =	shalt  }
0x7f: {  	_ =	shalt  }
0x80: {  	_ =	shalt  }
0x81: {  	_ =	shalt  }
0x82: {  	_ =	shalt  }
0x83: {  	_ =	shalt  }
0x84: {  	_ =	shalt  }
0x85: {  	_ =	shalt  }
0x86: {  	_ =	shalt  }
0x87: {  	_ =	shalt  }
.Lfunc_end0:
.L_simem_size_0:
called_computation.3_lowered:
.L_overlay_start_0:
0x88: {  	s2 =	sld [smem:$0x3FD9]  }
0x89: {  	s3 =	sld [smem:$0x3FFE];
	_ =	sdelay $0x1  }
0x8a: {  	s1 =	srdreg.scid  }
0x8b: {  	s0 =	sand.u32 $0x1, s1  }
0x8c: {  	s17 =	sshll.u32 s0, $0xA;
	s2 =	sadd.s32 s3, s2  }
0x8d: {  	s2 =	sadd.s32 s2, s17  }
0x8e: {  	[smem:$0x3FC6] =	sst s2  }
0x8f: {  	_ = 	snop  }
0x90: {  	s18 =	sld [smem:$0x3FD0];
	(tm) =	ssettm $0x1  }
0x91: {  	s19 =	sld [smem:$0x3FFB];
	_ =	sdelay $0x3  }
0x92: {  	_ =	strace s19  }
0x93: {  	s2 =	sld [smem:$0x3FFC];
	_ =	sdelay $0x3  }
0x94: {  	_ =	strace s2  }
0x95: {  	s2 =	sld [smem:$0x3FFD];
	_ =	sdelay $0x3  }
0x96: {  	_ =	strace s2  }
0x97: {  	_ =	strace $0x8FFFFFFF  }
0x98: {  	s20 =	sld [smem:$0x3FDB];
	_ =	sdelay $0x1  }
0x99: {  	s4 =	simm.s32 $_scs_section_size  }
0x9a: {  	s5 =	simm.s32 $_size__tile_overlayer_lowered;
	s6 =	simm.s32 $_tile_overlayer_lowered  }
0x9b: {  	s7 =	simm.s32 $0x1BFF;
	s21 =	sshll.u32 s6, $0x1;
	s4 =	sadd.s32 s4, s20  }
0x9c: {  	s22 =	simm.s32 $0x0;
	s5 =	sshll.u32 s5, $0x1;
	s6 =	sadd.s32 s21, s4  }
0x9d: {  	[timem:s22], [sflag:s7] =	dma.local [hbm:s6], s5  }
0x9e: {  	_ =	swait.ge [sflag:s7], s5  }
0x9f: {  	s5 =	ssub.s32 $0x0, s5;
	[sflag:s7] =	ssyncset.done $0x0  }
0xa0: {  	[sflag:s7] =	ssyncadd.s32 s5;
	_ =	sdelay $0x1  }
0xa1: {  	s23 =	simm.s32 $0x1B8B  }
0xa2: {  	_ =	swait.ge [sflag:s23], $0x1  }
0xa3: {  	[sflag:s23] =	ssyncset.done $0x0  }
0xa4: {  	[sflag:s23] =	ssyncadd.s32 $0xFFFFFFFF  }
0xa5: {  	s5 =	sld [smem:$0x0]  }
0xa6: {  	s6 =	sand.u32 $0xFFFFFFFE, s1  }
0xa7: {  	p0 =	sne.s32 s1, s6  }
0xa8: {  	s6 =	sshll.u32 @p0 s6, $0xE  }
0xa9: {  	s6 =	sadd.s32 @p0 $0x11B8D, s6;
	s7 =	sshll.u32 @p0 s5, $0x11  }
0xaa: {  	s6 =	sor.u32 @p0 s7, s6  }
0xab: {  	[sflag:s6] =	ssyncadd.remote.s32 @p0 $0x1;
	_ =	sdelay $0x1  }
0xac: {  	s6 =	simm.s32 @p0 $0x1B8D  }
0xad: {  	_ =	swait.eq @p0 [sflag:s6], $0x1  }
0xae: {  	[sflag:s6] =	ssyncadd.s32 @p0 $0xFFFFFFFF  }
0xaf: {  	s7 =	sshll.u32 @!p0 s1, $0xE  }
0xb0: {  	s7 =	sor.u32 @!p0 $0x4000, s7;
	s6 =	simm.s32 @!p0 $0x1B8D  }
0xb1: {  	s5 =	sshll.u32 @!p0 s5, $0x11;
	s7 =	sadd.s32 @!p0 $0x11B8D, s7;
	_ =	swait.eq @!p0 [sflag:s6], $0x1  }
0xb2: {  	s5 =	sor.u32 @!p0 s5, s7;
	[sflag:s6] =	ssyncadd.s32 @!p0 $0xFFFFFFFF  }
0xb3: {  	s25 =	simm.s32 $0x1B8E;
	s24 =	sld [smem:$0x3FFE];
	[sflag:s5] =	ssyncadd.remote.s32 @!p0 $0x1  }
0xb4: {  	s26 =	simm.s32 $execute0_lowered;
	[smem:$0x3FD2] =	sst s25  }
0xb5: {  	s6 =	sshll.u32 s26, $0x1;
	_ =	strace $0x8000004F;
	[dreg:$0x1] =	wrdreg $0xFFFFFFFF  }
0xb6: {  	s28 =	simm.s32 $_size_execute0_lowered;
	s4 =	sadd.s32 s4, s6;
	[dreg:$0x0] =	wrdreg $0x0  }
0xb7: {  	s6 =	sshll.u32 s28, $0x1;
	[dreg:$0x2] =	wrdreg s4  }
0xb8: {  	[dreg:$0x3] =	wrdreg s6  }
0xb9: {  	[dreg:$0x4] =	wrdreg $0xC0  }
0xba: {  	_ =	task [dreg:s22], $0x5FFFF  }
0xbb: {  	[dreg:$0x1] =	wrdreg $0xFFFFFFFF  }
0xbc: {  	[dreg:$0x0] =	wrdreg $0x60  }
0xbd: {  	[dreg:$0x2] =	wrdreg s24  }
0xbe: {  	[dreg:$0x3] =	wrdreg s18  }
0xbf: {  	[dreg:$0x4] =	wrdreg $0xC  }
0xc0: {  	_ =	task.clear_ibuf [dreg:s22], $0x5FFFF;
	_ =	strace $0x9000004F  }
0xc1: {  	s29 =	simm.s32 $0xC;
	_ =	strace $0x80000051  }
0xc2: {  	_ =	swait.ge [sflag:s29], $0x1  }
0xc3: {  	[sflag:s29] =	ssyncadd.s32 $0xFFFFFFFF  }
0xc4: {  	_ =	strace $0x90000051  }
0xc5: {  	_ =	sfence  }
0xc6: {  	s30 =	sld [smem:$0x0];
	_ =	sdelay $0x2  }
0xc7: {  	s31 =	sshll.u32 s1, $0xD;
	s1 =	sshrl.u32 s1, $0x2  }
0xc8: {  	s4 =	sand.u32 $0x4000, s31;
	s1 =	sadd.s32 s1, s30  }
0xc9: {  	s0 =	sor.u32 s4, s0;
	s1 =	sshll.u32 s1, $0x11  }
0xca: {  	s0 =	sor.u32 s1, s0  }
0xcb: {  	s0 =	sadd.s32 $0x8F2B, s0  }
0xcc: {  	[sflag:s0] =	ssyncadd.remote.s32 $0x1  }
0xcd: {  	_ =	sfence.sel $0xFFFF  }
0xce: {  	[dreg:$0x0] =	wrdreg $0xFFFFFFFF;
	(pc) =	sbr.abs _section_cstart, $3  }
0xcf: {  	[dreg:$0x1] =	wrdreg $0xFFFFFFFF  }
0xd0: {  	_ =	task.clear_ibuf [dreg:s22], $0x2FFFF;
	_ =	strace $0x9FFFFFFF  }
0xd1: {  	(tm) =	ssettm $0x7FFFFFFF  }
tec
execute0_lowered:
.L_overlay_start_1:
0x0: {  	(tag) =	ssettag $0x1  }
0x1: {  	s3 =	rddreg [dreg:$0x0]  }
0x2: {  	s4 =	rddreg [dreg:$0x1];
	s2 =	srdreg.scid  }
0x3: {  	s0 =	rddreg [dreg:$0x2];
	s1 =	stileid.u32;
	s8 =	simm.s32 $0x1  }
0x4: {  	s9 =	simm.s32 $0x2000;
	s10 =	simm.s32 $0x0;
	s5 =	sand.u32 $0x1, s2  }
0x5: {  	s2 =	simm.s32 $0x0;
	s6 =	sshll.u32 s1, $0x8;
	s7 =	sshll.u32 s5, $0x7  }
0x6: {  	[smem:$0x7FF] =	sst s2;
	s5 =	ssub.s32 $0x2, s5;
	s6 =	sor.u32 s7, s6  }
0x7: {  	_ =	strace $0x80000050;
	s31 =	sshrl.u32 s5, $0x1;
	s7 =	simm.s32 $0x8000  }
0x8: {  	v0 =	vlaneseq.u32;
	s3 =	sadd.s32 s6, s3;
	s5 =	ssub.s32 s5, s31;
	s4 =	sadd.s32 s4, s6  }
0x9: {  	v0 =	vmul.u32 $0x8, v0;
	s6 =	simm.s32 $0x400;
	s3 =	sadd.s32 $0x1CA00, s3;
	s5 =	smax.u32 s5, $0x1  }
.LBB2_1:
0xa: {  	[tilespmem:s2], [sflag:$0x1] =	stream.strided.gather [hbm4b:s3+s6], $0x2000, s7, s6, $0x38;
	[tilespmem:$0x2400] =	vst v63  }
0xb: {  	_ =	swait.ge [sflag:s8], $0x2000  }
0xc: {  	[sflag:s8] =	ssyncset.done $0x0  }
0xd: {  	s11 =	simm.s32 $0x200;
	s12 =	simm.s32 $0x0;
	[sflag:s8] =	ssyncadd.s32 $0xFFFFE000  }
.LBB2_2:
0xe: {  	v8 =	vimm.f32 $-Inf  }
0xf: {  	v1 =	vimm.s32 $0x0;
	v2 =	vimm.s32 $0x0;
	v4 =	vimm.s32 $0x0  }
0x10: {  	v3 =	vimm.s32 $0x0;
	v5 =	vimm.s32 $0x0;
	v6 =	vimm.s32 $0x0  }
0x11: {  	v7 =	vimm.s32 $0x0;
	v15 =	vimm.s32 $0x0;
	v9 =	vimm.f32 $-Inf  }
0x12: {  	v11 =	vimm.f32 $-Inf;
	v10 =	vimm.f32 $-Inf;
	v12 =	vimm.f32 $-Inf  }
0x13: {  	s13 =	sshll.u32 s12, $0x4;
	s14 =	simm.s32 $0x7;
	s15 =	smov.u32 s11;
	v13 =	vimm.f32 $-Inf;
	v14 =	vimm.f32 $-Inf;
	v16 =	vimm.f32 $-Inf  }
.LBB2_3:
0x14: {  	v17 =	vld [tilespmem:s15+$0xFFFFFE00];
	_ =	sdelay $0x4  }
0x15: {  	vm0 =	vgt.f32 v17, v16  }
0x16: {  	v18 =	vsel vm0, v16, v17  }
0x17: {  	vm1 =	vgt.f32 v18, v14  }
0x18: {  	s16 =	sadd.s32 $0xFFFFFFF9, s14;
	v19 =	vsel vm1, v14, v18  }
0x19: {  	v16 =	vsel vm0, v17, v16;
	v17 =	vsel vm0, s16, v15;
	vm2 =	vgt.f32 v19, v13  }
0x1a: {  	v15 =	vnsel vm0, s16, v15;
	v14 =	vsel vm1, v18, v14;
	v18 =	vsel vm2, v13, v19  }
0x1b: {  	v20 =	vsel vm1, v15, v7;
	v7 =	vsel vm1, v7, v15;
	vm14 =	vgt.f32 v18, v12  }
0x1c: {  	v13 =	vsel vm2, v19, v13;
	v15 =	vsel vm2, v7, v6;
	v19 =	vsel vm14, v12, v18  }
0x1d: {  	v6 =	vsel vm2, v6, v7;
	v7 =	vsel vm14, v18, v12;
	v12 =	vld [tilespmem:s15+$0xFFFFFE80];
	vm15 =	vgt.f32 v19, v10  }
0x1e: {  	v18 =	vsel vm14, v6, v5;
	v5 =	vsel vm14, v5, v6;
	v6 =	vsel vm15, v10, v19  }
0x1f: {  	v10 =	vsel vm15, v19, v10;
	v19 =	vsel vm15, v5, v3;
	vm4 =	vgt.f32 v6, v11  }
0x20: {  	v3 =	vsel vm15, v3, v5;
	v5 =	vsel vm4, v6, v11;
	v6 =	vsel vm4, v11, v6  }
0x21: {  	v11 =	vsel vm4, v3, v4;
	vm5 =	vgt.f32 v6, v9  }
0x22: {  	v3 =	vsel vm4, v4, v3;
	vm6 =	vgt.f32 v12, v16;
	v4 =	vsel vm5, v6, v9  }
0x23: {  	v6 =	vsel vm5, v9, v6;
	v9 =	vsel vm5, v3, v2;
	v21 =	vsel vm6, v16, v12  }
0x24: {  	v2 =	vsel vm5, v2, v3;
	vm7 =	vgt.f32 v6, v8;
	vm8 =	vgt.f32 v21, v14  }
0x25: {  	s25 =	sadd.s32 $0xFFFFFFFA, s14;
	v3 =	vsel vm7, v6, v8;
	v1 =	vsel vm7, v2, v1;
	v6 =	vsel vm8, v14, v21  }
0x26: {  	v2 =	vsel vm6, v12, v16;
	v12 =	vnsel vm6, s25, v17;
	vm9 =	vgt.f32 v6, v13  }
0x27: {  	v8 =	vsel vm6, s25, v17;
	v16 =	vsel vm8, v12, v20;
	v17 =	vsel vm9, v13, v6  }
0x28: {  	v12 =	vsel vm8, v20, v12;
	v6 =	vsel vm9, v6, v13;
	vm10 =	vgt.f32 v17, v7  }
0x29: {  	v52 =	vld [tilespmem:s15+$0xFFFFFF00];
	v13 =	vsel vm9, v12, v15;
	v12 =	vsel vm9, v15, v12;
	v15 =	vsel vm10, v7, v17  }
0x2a: {  	v7 =	vsel vm10, v17, v7;
	v17 =	vsel vm10, v12, v18;
	vm11 =	vgt.f32 v15, v10  }
0x2b: {  	v12 =	vsel vm10, v18, v12;
	v18 =	vsel vm11, v15, v10;
	v10 =	vsel vm11, v10, v15  }
0x2c: {  	v15 =	vsel vm11, v12, v19;
	vm12 =	vgt.f32 v10, v5  }
0x2d: {  	v12 =	vsel vm11, v19, v12;
	v19 =	vsel vm12, v10, v5;
	v5 =	vsel vm12, v5, v10  }
0x2e: {  	v14 =	vsel vm8, v21, v14;
	vm14 =	vgt.f32 v52, v2;
	vm13 =	vgt.f32 v5, v4  }
0x2f: {  	v53 =	vsel vm12, v12, v11;
	v10 =	vsel vm12, v11, v12;
	v11 =	vsel vm13, v5, v4  }
0x30: {  	v4 =	vsel vm13, v4, v5;
	v5 =	vsel vm14, v2, v52;
	v12 =	vsel vm13, v10, v9  }
0x31: {  	v9 =	vsel vm13, v9, v10;
	vm15 =	vgt.f32 v4, v3;
	vm3 =	vgt.f32 v5, v14  }
0x32: {  	s26 =	sadd.s32 $0xFFFFFFFB, s14;
	v3 =	vsel vm15, v4, v3;
	v4 =	vsel vm3, v14, v5;
	v1 =	vsel vm15, v9, v1  }
0x33: {  	v9 =	vsel vm14, s26, v8;
	v8 =	vnsel vm14, s26, v8;
	vm4 =	vgt.f32 v4, v6  }
0x34: {  	v5 =	vsel vm3, v5, v14;
	v14 =	vsel vm3, v8, v16;
	v10 =	vsel vm4, v6, v4  }
0x35: {  	v8 =	vsel vm3, v16, v8;
	v4 =	vsel vm4, v4, v6;
	vm5 =	vgt.f32 v10, v7  }
0x36: {  	v16 =	vsel vm4, v8, v13;
	v8 =	vsel vm4, v13, v8;
	v13 =	vld [tilespmem:s15+$0xFFFFFF80];
	v6 =	vsel vm5, v7, v10  }
0x37: {  	v2 =	vsel vm14, v52, v2;
	vm6 =	vgt.f32 v6, v18  }
0x38: {  	v7 =	vsel vm5, v10, v7;
	v10 =	vsel vm5, v8, v17;
	v54 =	vsel vm6, v18, v6  }
0x39: {  	v8 =	vsel vm5, v17, v8;
	v6 =	vsel vm6, v6, v18;
	vm7 =	vgt.f32 v54, v19  }
0x3a: {  	v17 =	vsel vm6, v8, v15;
	v8 =	vsel vm6, v15, v8;
	v15 =	vsel vm7, v19, v54  }
0x3b: {  	vm9 =	vgt.f32 v13, v2;
	v18 =	vsel vm7, v54, v19;
	vm8 =	vgt.f32 v15, v11  }
0x3c: {  	v19 =	vsel vm7, v8, v53;
	v8 =	vsel vm7, v53, v8;
	v55 =	vsel vm8, v15, v11  }
0x3d: {  	v21 =	vsel vm8, v8, v12;
	v11 =	vsel vm8, v11, v15;
	v15 =	vsel vm9, v2, v13  }
0x3e: {  	v8 =	vsel vm8, v12, v8;
	vm10 =	vgt.f32 v11, v3;
	vm11 =	vgt.f32 v15, v5  }
0x3f: {  	s28 =	sadd.s32 $0xFFFFFFFC, s14;
	v2 =	vsel vm9, v13, v2;
	v1 =	vsel vm10, v8, v1;
	v8 =	vsel vm11, v5, v15  }
0x40: {  	v3 =	vsel vm10, v11, v3;
	v11 =	vsel vm9, s28, v9;
	vm12 =	vgt.f32 v8, v4  }
0x41: {  	v9 =	vnsel vm9, s28, v9;
	v5 =	vsel vm11, v15, v5;
	v12 =	vsel vm12, v4, v8  }
0x42: {  	v13 =	vsel vm11, v9, v14;
	v9 =	vsel vm11, v14, v9;
	vm13 =	vgt.f32 v12, v7  }
0x43: {  	v4 =	vsel vm12, v8, v4;
	v8 =	vsel vm12, v9, v16;
	v14 =	vsel vm13, v7, v12  }
0x44: {  	v9 =	vsel vm12, v16, v9;
	v7 =	vsel vm13, v12, v7;
	v12 =	vld [tilespmem:s15+$0x0];
	vm14 =	vgt.f32 v14, v6  }
0x45: {  	v15 =	vsel vm13, v9, v10;
	v9 =	vsel vm13, v10, v9;
	v10 =	vsel vm14, v6, v14  }
0x46: {  	v6 =	vsel vm14, v14, v6;
	v14 =	vsel vm14, v9, v17;
	vm15 =	vgt.f32 v10, v18  }
0x47: {  	v9 =	vsel vm14, v17, v9;
	v16 =	vsel vm15, v10, v18;
	v10 =	vsel vm15, v18, v10  }
0x48: {  	v17 =	vsel vm15, v9, v19;
	vm4 =	vgt.f32 v10, v55  }
0x49: {  	v9 =	vsel vm15, v19, v9;
	vm5 =	vgt.f32 v12, v2;
	v18 =	vsel vm4, v10, v55  }
0x4a: {  	v10 =	vsel vm4, v55, v10;
	v19 =	vsel vm4, v9, v21;
	v56 =	vsel vm5, v2, v12  }
0x4b: {  	v9 =	vsel vm4, v21, v9;
	vm6 =	vgt.f32 v10, v3;
	vm7 =	vgt.f32 v56, v5  }
0x4c: {  	s29 =	sadd.s32 $0xFFFFFFFD, s14;
	v3 =	vsel vm6, v10, v3;
	v1 =	vsel vm6, v9, v1;
	v9 =	vsel vm7, v5, v56  }
0x4d: {  	v10 =	vsel vm5, s29, v11;
	v11 =	vnsel vm5, s29, v11;
	vm8 =	vgt.f32 v9, v4  }
0x4e: {  	v2 =	vsel vm5, v12, v2;
	v12 =	vsel vm7, v11, v13;
	v57 =	vsel vm8, v4, v9  }
0x4f: {  	v11 =	vsel vm7, v13, v11;
	v13 =	vld [tilespmem:s15+$0x80];
	v4 =	vsel vm8, v9, v4;
	vm9 =	vgt.f32 v57, v7  }
0x50: {  	v9 =	vsel vm8, v11, v8;
	v8 =	vsel vm8, v8, v11;
	v11 =	vsel vm9, v7, v57  }
0x51: {  	v5 =	vsel vm7, v56, v5;
	v58 =	vsel vm9, v8, v15;
	vm10 =	vgt.f32 v11, v6  }
0x52: {  	v8 =	vsel vm9, v15, v8;
	v15 =	vsel vm10, v11, v6;
	v6 =	vsel vm10, v6, v11  }
0x53: {  	v7 =	vsel vm9, v57, v7;
	v11 =	vsel vm10, v8, v14;
	vm11 =	vgt.f32 v6, v16  }
0x54: {  	v8 =	vsel vm10, v14, v8;
	vm13 =	vgt.f32 v13, v2;
	v14 =	vsel vm11, v6, v16  }
0x55: {  	v59 =	vsel vm11, v8, v17;
	v6 =	vsel vm11, v16, v6;
	v8 =	vsel vm11, v17, v8  }
0x56: {  	v17 =	vsel vm13, v2, v13;
	v2 =	vsel vm13, v13, v2;
	vm12 =	vgt.f32 v6, v18  }
0x57: {  	vm15 =	vgt.f32 v17, v5;
	v16 =	vsel vm12, v6, v18;
	v6 =	vsel vm12, v18, v6  }
0x58: {  	v18 =	vsel vm12, v8, v19;
	v8 =	vsel vm12, v19, v8;
	vm14 =	vgt.f32 v6, v3  }
0x59: {  	s30 =	sadd.s32 $0xFFFFFFFE, s14;
	v3 =	vsel vm14, v6, v3;
	v6 =	vsel vm15, v5, v17;
	v1 =	vsel vm14, v8, v1  }
0x5a: {  	v8 =	vsel vm13, s30, v10;
	v10 =	vnsel vm13, s30, v10;
	vm6 =	vgt.f32 v6, v4  }
0x5b: {  	v5 =	vsel vm15, v17, v5;
	v17 =	vsel vm15, v10, v12;
	v13 =	vsel vm6, v4, v6  }
0x5c: {  	v10 =	vsel vm15, v12, v10;
	v4 =	vsel vm6, v6, v4;
	vm7 =	vgt.f32 v13, v7  }
0x5d: {  	v12 =	vsel vm6, v10, v9;
	v9 =	vsel vm6, v9, v10;
	v10 =	vld [tilespmem:s15+$0x100];
	v6 =	vsel vm7, v7, v13  }
0x5e: {  	vm8 =	vgt.f32 v6, v15  }
0x5f: {  	v7 =	vsel vm7, v13, v7;
	v13 =	vsel vm7, v9, v58;
	v19 =	vsel vm8, v15, v6  }
0x60: {  	v9 =	vsel vm7, v58, v9;
	v6 =	vsel vm8, v6, v15;
	vm9 =	vgt.f32 v19, v14  }
0x61: {  	v15 =	vsel vm8, v9, v11;
	v9 =	vsel vm8, v11, v9;
	v11 =	vsel vm9, v14, v19  }
0x62: {  	vm11 =	vgt.f32 v10, v2;
	v14 =	vsel vm9, v19, v14;
	vm10 =	vgt.f32 v11, v16  }
0x63: {  	v19 =	vsel vm9, v9, v59;
	v9 =	vsel vm9, v59, v9;
	v60 =	vsel vm10, v11, v16  }
0x64: {  	v21 =	vsel vm10, v9, v18;
	v11 =	vsel vm10, v16, v11;
	v16 =	vsel vm11, v2, v10  }
0x65: {  	v9 =	vsel vm10, v18, v9;
	v2 =	vsel vm11, v10, v2;
	vm12 =	vgt.f32 v11, v3  }
0x66: {  	s31 =	sadd.s32 $0xFFFFFFFF, s14;
	v18 =	vld [tilespmem:s15+$0x180];
	vm13 =	vgt.f32 v16, v5;
	v3 =	vsel vm12, v11, v3;
	v1 =	vsel vm12, v9, v1  }
0x67: {  	v9 =	vsel vm13, v5, v16;
	v11 =	vsel vm11, s31, v8;
	v8 =	vnsel vm11, s31, v8  }
0x68: {  	v5 =	vsel vm13, v16, v5;
	vm14 =	vgt.f32 v9, v4;
	v16 =	vsel vm13, v8, v17  }
0x69: {  	v8 =	vsel vm13, v17, v8;
	v10 =	vsel vm14, v4, v9;
	v4 =	vsel vm14, v9, v4  }
0x6a: {  	v9 =	vsel vm14, v8, v12;
	v8 =	vsel vm14, v12, v8;
	vm15 =	vgt.f32 v10, v7  }
0x6b: {  	vm7 =	vgt.f32 v18, v2;
	v17 =	vsel vm15, v7, v10;
	v10 =	vsel vm15, v10, v7  }
0x6c: {  	v22 =	vsel vm15, v8, v13;
	v12 =	vsel vm7, v2, v18;
	vm4 =	vgt.f32 v17, v6  }
0x6d: {  	v7 =	vsel vm15, v13, v8;
	vm8 =	vgt.f32 v12, v5;
	v8 =	vsel vm4, v6, v17  }
0x6e: {  	v17 =	vsel vm4, v17, v6;
	v23 =	vsel vm4, v7, v15;
	v6 =	vsel vm4, v15, v7  }
0x6f: {  	v13 =	vsel vm8, v5, v12;
	v15 =	vsel vm7, s14, v11;
	vm5 =	vgt.f32 v8, v14  }
0x70: {  	vm10 =	vgt.f32 v13, v4;
	v24 =	vsel vm5, v8, v14;
	v7 =	vsel vm5, v14, v8  }
0x71: {  	v8 =	vsel vm5, v6, v19;
	v6 =	vsel vm5, v19, v6;
	v14 =	vsel vm8, v12, v5  }
0x72: {  	v5 =	vsel vm10, v4, v13;
	v13 =	vsel vm10, v13, v4;
	vm6 =	vgt.f32 v7, v60  }
0x73: {  	vm11 =	vgt.f32 v5, v10;
	v19 =	vsel vm6, v7, v60;
	v7 =	vsel vm6, v60, v7  }
0x74: {  	v61 =	vsel vm6, v6, v21;
	v6 =	vsel vm6, v21, v6;
	v4 =	vsel vm11, v10, v5  }
0x75: {  	v12 =	vsel vm11, v5, v10;
	vm9 =	vgt.f32 v7, v3;
	vm12 =	vgt.f32 v4, v17  }
0x76: {  	v62 =	vsel vm9, v7, v3;
	v1 =	vsel vm9, v6, v1;
	v3 =	vnsel vm7, s14, v11  }
0x77: {  	v63 =	vsel vm12, v17, v4;
	v10 =	vsel vm12, v4, v17;
	v7 =	vsel vm8, v3, v16  }
0x78: {  	v3 =	vsel vm8, v16, v3;
	vm13 =	vgt.f32 v63, v24;
	v16 =	vsel vm7, v18, v2  }
0x79: {  	p0 =	sne.s32 s14, $0x3F;
	v6 =	vsel vm10, v3, v9;
	v3 =	vsel vm10, v9, v3;
	v2 =	vsel vm13, v24, v63  }
.Ltmp0:
0x7a: {  	v11 =	vsel vm13, v63, v24;
	v5 =	vsel vm11, v3, v22;
	v9 =	vsel vm11, v22, v3;
	(pc) =	sbr.rel @p0 .LBB2_3-.Ltmp0, $4  }
0x7b: {  	vm14 =	vgt.f32 v2, v19;
	v3 =	vsel vm12, v9, v23;
	v9 =	vsel vm12, v23, v9  }
0x7c: {  	v17 =	vsel vm14, v19, v2;
	v4 =	vsel vm13, v9, v8;
	v8 =	vsel vm13, v8, v9  }
0x7d: {  	v9 =	vsel vm14, v2, v19;
	vm15 =	vgt.f32 v17, v62;
	v18 =	vsel vm14, v61, v8  }
0x7e: {  	s15 =	sadd.s32 $0x400, s15;
	s14 =	sadd.s32 $0x8, s14;
	v2 =	vsel vm14, v8, v61;
	v8 =	vsel vm15, v17, v62;
	v1 =	vsel vm15, v18, v1  }
0x7f: {  	v8 =	vmov s13  }
0x80: {  	v8 =	vshll.u32 v8, $0x3  }
0x81: {  	v8 =	vor.u32 v0, v8  }
0x82: {  	v9 =	vor.u32 $0x1, v8  }
0x83: {  	v10 =	vor.u32 $0x2, v8  }
0x84: {  	v11 =	vor.u32 $0x3, v8  }
0x85: {  	v12 =	vor.u32 $0x4, v8  }
0x86: {  	v13 =	vor.u32 $0x5, v8;
	[tilespmem:v8+s9+$0x0] =	vst.idx.msk $0xffff, v15  }
0x87: {  	s12 =	sadd.s32 $0x1, s12;
	v62 =	vor.u32 $0x6, v8;
	[tilespmem:v9+s9+$0x0] =	vst.idx.msk $0xffff, v7  }
0x88: {  	p0 =	sne.s32 s12, $0x8;
	v63 =	vor.u32 $0x7, v8;
	[tilespmem:v10+s9+$0x0] =	vst.idx.msk $0xffff, v6  }
.Ltmp1:
0x89: {  	[tilespmem:v11+s9+$0x0] =	vst.idx.msk $0xffff, v5;
	(pc) =	sbr.rel @p0 .LBB2_2-.Ltmp1, $4  }
0x8a: {  	[tilespmem:v12+s9+$0x0] =	vst.idx.msk $0xffff, v3  }
0x8b: {  	[tilespmem:v13+s9+$0x0] =	vst.idx.msk $0xffff, v4  }
0x8c: {  	[tilespmem:v62+s9+$0x0] =	vst.idx.msk $0xffff, v2  }
0x8d: {  	s11 =	sadd.s32 $0x10, s11;
	[tilespmem:v63+s9+$0x0] =	vst.idx.msk $0xffff, v1  }
0x8e: {  	s10 =	sadd.s32 $0x1, s10  }
0x8f: {  	p0 =	sne.s32 s10, s5  }
.Ltmp2:
0x90: {  	_ = 	snop;
	(pc) =	sbr.rel @p0 .LBB2_1-.Ltmp2, $4  }
0x91: {  	[hbm4b:s4+s2] =	stream.linear.scatter [tilespmem:s9], [sflag:$0x1], $0x400, $0x38;
	[tilespmem:$0x2400] =	vst v63  }
0x92: {  	_ =	swait.ge [sflag:s8], $0x400  }
0x93: {  	[sflag:s8] =	ssyncset.done $0x0  }
0x94: {  	[sflag:s8] =	ssyncadd.s32 $0xFFFFFC00  }
0x95: {  	_ =	sfence.sel $0x180000  }
0x96: {  	[bflag:$0x0] =	sbarrier.arrive $0xFFFF  }
0x97: {  	p0 =	sne.s32 s1, $0x0;
	_ =	strace $0x90000050  }
0x98: {  	s0 =	sadd.s32 @!p0 $0x100000, s0;
	[bflag:$0x2] =	sbarrier.arrive $0xFFFF  }
0x99: {  	[sflag:s0] =	ssyncadd.tile.s32 @!p0 $0x1;
	_ =	shalt  }
.Lfunc_end2:
_tile_overlayer_lowered:
.L_overlay_start_2:
0x9a: {  	(tag) =	ssettag $0x2  }
0x9b: {  	s0 =	rddreg [dreg:$0x0];
	s2 =	stileid.u32  }
0x9c: {  	s1 =	rddreg [dreg:$0x1];
	p0 =	sne.s32 s2, $0x0  }
0x9d: {  	s3 =	rddreg [dreg:$0x2];
	[bflag:$0x3] =	sbarrier.arrive $0xFFFF;
	s2 =	simm.s32 @!p0 $0x1C01  }
0x9e: {  	[timem:s3], [sflag:s2] =	dma.local @!p0 [hbm:s0], s1  }
0x9f: {  	s0 =	simm.s32 @!p0 $0x1  }
0xa0: {  	_ =	swait.ge @!p0 [sflag:s0], s1  }
0xa1: {  	s1 =	ssub.s32 @!p0 $0x0, s1;
	[sflag:s0] =	ssyncset.done @!p0 $0x0  }
0xa2: {  	[sflag:s0] =	ssyncadd.s32 @!p0 s1  }
0xa3: {  	[bflag:$0x3] =	sbarrier.arrive $0xFFFF  }
0xa4: {  	_ =	shalt  }

</sc_bundles>
